<compile_context>
chip_gen: v7x
topology: tpu7x:2x2x1
jax: 0.10.2.dev20260603
libtpu: 0.0.44.dev20260713+nightly
codegen_flags: <defaults>
</compile_context>

<pallas_src>
import jax
import jax.numpy as jnp
from jax import lax
from jax.experimental import pallas as pl
from jax.experimental.pallas import tpu as pltpu
from jax.experimental.pallas import tpu_sc as plsc

N = 10000
E = 320000
IN_DIM = 128
HID = 256
OUT_DIM = 128

NC = 2
NS = 16
NW = NC * NS
B = 128
NB = 80
GW = 40
EP = NB * NW * B
NPAD = 10240
RPT = NPAD // NS
BN = 1024
GRID = NPAD // BN

_mesh = plsc.VectorSubcoreMesh(
    core_axis_name="c", subcore_axis_name="s", num_cores=NC, num_subcores=NS)


def _deg_body(dstr, init2, ones1, deg_out, acc, idxv, onesv, dsem):
    cid = lax.axis_index("c")
    sid = lax.axis_index("s")
    wid = cid * NS + sid
    pltpu.sync_copy(dstr.at[wid], idxv)
    pltpu.sync_copy(ones1, onesv)
    pltpu.sync_copy(init2.at[cid], acc.at[pl.ds(sid * RPT, RPT)])
    plsc.subcore_barrier()

    @pl.loop(0, NB // 8)
    def _(jj):
        descs = [
            pltpu.async_copy(onesv, acc.at[idxv.at[jj * 8 + k]], dsem,
                             add=True)
            for k in range(8)
        ]
        for d in descs:
            d.wait()

    plsc.subcore_barrier()
    pltpu.sync_copy(acc.at[pl.ds(sid * RPT, RPT)],
                    deg_out.at[cid, pl.ds(sid * RPT, RPT)])


_deg_kernel = pl.kernel(
    _deg_body,
    out_type=jax.ShapeDtypeStruct((NC, NPAD, IN_DIM), jnp.float32),
    mesh=_mesh,
    scratch_types=[
        pltpu.VMEM_SHARED((NPAD, IN_DIM), jnp.float32),
        pltpu.VMEM((NB, B), jnp.int32),
        pltpu.VMEM((B, IN_DIM), jnp.float32),
        pltpu.SemaphoreType.DMA,
    ],
)


def _agg_body(gtabs, srcr, dstr, zeros, outs, acc, srcv, dstv,
              buf0, buf1, g0, g1, s0, s1):
    C = len(gtabs)
    cid = lax.axis_index("c")
    sid = lax.axis_index("s")
    wid = cid * NS + sid
    for c in range(C):
        gtab = gtabs[c]

        def gather(j, buf, sem):
            return pltpu.async_copy(gtab.at[srcv.at[j]], buf, sem)

        def wait_gather(j, buf, sem):
            pltpu.make_async_copy(gtab.at[srcv.at[j]], buf, sem).wait()

        pltpu.sync_copy(zeros, acc.at[pl.ds(sid * RPT, RPT)])
        plsc.subcore_barrier()

        @pl.loop(0, NB // GW)
        def _(g):
            pltpu.sync_copy(srcr.at[wid, pl.ds(g * GW, GW)], srcv)
            pltpu.sync_copy(dstr.at[wid, pl.ds(g * GW, GW)], dstv)
            gather(0, buf0, g0)
            gather(1, buf1, g1)

            @pl.loop(0, (GW - 2) // 2)
            def _(jj):
                j = jj * 2
                wait_gather(j, buf0, g0)
                pltpu.async_copy(buf0, acc.at[dstv.at[j]], s0,
                                 add=True).wait()
                gather(j + 2, buf0, g0)
                wait_gather(j + 1, buf1, g1)
                pltpu.async_copy(buf1, acc.at[dstv.at[j + 1]], s1,
                                 add=True).wait()
                gather(j + 3, buf1, g1)

            wait_gather(GW - 2, buf0, g0)
            pltpu.async_copy(buf0, acc.at[dstv.at[GW - 2]], s0,
                             add=True).wait()
            wait_gather(GW - 1, buf1, g1)
            pltpu.async_copy(buf1, acc.at[dstv.at[GW - 1]], s1,
                             add=True).wait()

        plsc.subcore_barrier()
        pltpu.sync_copy(acc.at[pl.ds(sid * RPT, RPT)],
                        outs[c].at[cid, pl.ds(sid * RPT, RPT)])
        plsc.subcore_barrier()


def _make_agg(C):
    def body(*refs):
        gtabs = refs[0:C]
        srcr, dstr, zeros = refs[C:C + 3]
        outs = refs[C + 3:2 * C + 3]
        acc, srcv, dstv, buf0, buf1, g0, g1, s0, s1 = refs[2 * C + 3:]
        _agg_body(gtabs, srcr, dstr, zeros, outs, acc, srcv, dstv,
                  buf0, buf1, g0, g1, s0, s1)

    return pl.kernel(
        body,
        out_type=[jax.ShapeDtypeStruct((NC, NPAD, IN_DIM), jnp.float32)] * C,
        mesh=_mesh,
        scratch_types=[
            pltpu.VMEM_SHARED((NPAD, IN_DIM), jnp.float32),
            pltpu.VMEM((GW, B), jnp.int32),
            pltpu.VMEM((GW, B), jnp.int32),
            pltpu.VMEM((B, IN_DIM), jnp.float32),
            pltpu.VMEM((B, IN_DIM), jnp.float32),
            pltpu.SemaphoreType.DMA,
            pltpu.SemaphoreType.DMA,
            pltpu.SemaphoreType.DMA,
            pltpu.SemaphoreType.DMA,
        ],
    )


_agg1 = _make_agg(1)
_agg2 = _make_agg(2)


def _dinv_body(deg_ref, x_ref, dinv_ref, gx_ref):
    dsum = deg_ref[0, :, 0:1] + deg_ref[1, :, 0:1]
    dinv = lax.rsqrt(jnp.maximum(dsum, 1.0))
    dinv_ref[...] = jnp.broadcast_to(dinv, (BN, 16))
    gx_ref[...] = x_ref[...] * dinv


def _dinv_call(degp, xp):
    return pl.pallas_call(
        _dinv_body,
        grid=(GRID,),
        in_specs=[
            pl.BlockSpec((NC, BN, IN_DIM), lambda i: (0, i, 0)),
            pl.BlockSpec((BN, IN_DIM), lambda i: (i, 0)),
        ],
        out_specs=[
            pl.BlockSpec((BN, 16), lambda i: (i, 0)),
            pl.BlockSpec((BN, IN_DIM), lambda i: (i, 0)),
        ],
        out_shape=[
            jax.ShapeDtypeStruct((NPAD, 16), jnp.float32),
            jax.ShapeDtypeStruct((NPAD, IN_DIM), jnp.float32),
        ],
    )(degp, xp)


def _mm1_body(p_ref, g_ref, dinv_ref, w_ref, b_ref, h_ref, ga_ref, gb_ref):
    dinv = dinv_ref[:, 0:1]
    s = (p_ref[0] + p_ref[1] + g_ref[...]) * dinv
    h = jnp.maximum(jnp.dot(s, w_ref[...],
                            preferred_element_type=jnp.float32) + b_ref[...], 0.0)
    h_ref[...] = h
    ga_ref[...] = h[:, :IN_DIM] * dinv
    gb_ref[...] = h[:, IN_DIM:] * dinv


def _mm1_call(p1, gx, dinv8, W1, b1):
    return pl.pallas_call(
        _mm1_body,
        grid=(GRID,),
        in_specs=[
            pl.BlockSpec((NC, BN, IN_DIM), lambda i: (0, i, 0)),
            pl.BlockSpec((BN, IN_DIM), lambda i: (i, 0)),
            pl.BlockSpec((BN, 16), lambda i: (i, 0)),
            pl.BlockSpec((IN_DIM, HID), lambda i: (0, 0)),
            pl.BlockSpec((1, HID), lambda i: (0, 0)),
        ],
        out_specs=[
            pl.BlockSpec((BN, HID), lambda i: (i, 0)),
            pl.BlockSpec((BN, IN_DIM), lambda i: (i, 0)),
            pl.BlockSpec((BN, IN_DIM), lambda i: (i, 0)),
        ],
        out_shape=[
            jax.ShapeDtypeStruct((NPAD, HID), jnp.float32),
            jax.ShapeDtypeStruct((NPAD, IN_DIM), jnp.float32),
            jax.ShapeDtypeStruct((NPAD, IN_DIM), jnp.float32),
        ],
    )(p1, gx, dinv8, W1, b1)


def _mm2_body(pa_ref, pb_ref, ga_ref, gb_ref, dinv_ref, w2_ref, b2_ref,
              w3_ref, h_ref, g3_ref):
    dinv = dinv_ref[:, 0:1]
    s0 = (pa_ref[0] + pa_ref[1] + ga_ref[...]) * dinv
    s1 = (pb_ref[0] + pb_ref[1] + gb_ref[...]) * dinv
    w2 = w2_ref[...]
    h = jnp.dot(s0, w2[:IN_DIM], preferred_element_type=jnp.float32)
    h = h + jnp.dot(s1, w2[IN_DIM:], preferred_element_type=jnp.float32)
    h = jnp.maximum(h + b2_ref[...], 0.0)
    h_ref[...] = h
    hd = h * dinv
    w3 = w3_ref[...]
    g3 = jnp.dot(hd[:, :IN_DIM], w3[:IN_DIM], preferred_element_type=jnp.float32)
    g3 = g3 + jnp.dot(hd[:, IN_DIM:], w3[IN_DIM:], preferred_element_type=jnp.float32)
    g3_ref[...] = g3


def _mm2_call(p2a, p2b, g1a, g1b, dinv8, W2, b2, W3):
    return pl.pallas_call(
        _mm2_body,
        grid=(GRID,),
        in_specs=[
            pl.BlockSpec((NC, BN, IN_DIM), lambda i: (0, i, 0)),
            pl.BlockSpec((NC, BN, IN_DIM), lambda i: (0, i, 0)),
            pl.BlockSpec((BN, IN_DIM), lambda i: (i, 0)),
            pl.BlockSpec((BN, IN_DIM), lambda i: (i, 0)),
            pl.BlockSpec((BN, 16), lambda i: (i, 0)),
            pl.BlockSpec((HID, HID), lambda i: (0, 0)),
            pl.BlockSpec((1, HID), lambda i: (0, 0)),
            pl.BlockSpec((HID, OUT_DIM), lambda i: (0, 0)),
        ],
        out_specs=[
            pl.BlockSpec((BN, HID), lambda i: (i, 0)),
            pl.BlockSpec((BN, OUT_DIM), lambda i: (i, 0)),
        ],
        out_shape=[
            jax.ShapeDtypeStruct((NPAD, HID), jnp.float32),
            jax.ShapeDtypeStruct((NPAD, OUT_DIM), jnp.float32),
        ],
    )(p2a, p2b, g1a, g1b, dinv8, W2, b2, W3)


def _fin_body(p_ref, g_ref, dinv_ref, b_ref, h_ref):
    dinv = dinv_ref[:, 0:1]
    h_ref[...] = (p_ref[0] + p_ref[1] + g_ref[...]) * dinv + b_ref[...]


def _fin_call(p3, g3, dinv8, b3):
    return pl.pallas_call(
        _fin_body,
        grid=(GRID,),
        in_specs=[
            pl.BlockSpec((NC, BN, OUT_DIM), lambda i: (0, i, 0)),
            pl.BlockSpec((BN, OUT_DIM), lambda i: (i, 0)),
            pl.BlockSpec((BN, 16), lambda i: (i, 0)),
            pl.BlockSpec((1, OUT_DIM), lambda i: (0, 0)),
        ],
        out_specs=pl.BlockSpec((BN, OUT_DIM), lambda i: (i, 0)),
        out_shape=jax.ShapeDtypeStruct((NPAD, OUT_DIM), jnp.float32),
    )(p3, g3, dinv8, b3)


def kernel(x, edge_index, W1, b1, W2, b2, W3, b3):
    f32 = jnp.float32
    pad = jnp.arange(EP - E, dtype=jnp.int32)
    src = jnp.concatenate(
        [edge_index[0], pad % N]).reshape(NW, NB, B)
    dst = jnp.concatenate(
        [edge_index[1], N + pad % (NPAD - N)]).reshape(NW, NB, B)
    xp = jnp.pad(x, ((0, NPAD - N), (0, 0)))

    init2 = jnp.stack([jnp.ones((RPT, IN_DIM), f32), jnp.zeros((RPT, IN_DIM), f32)])
    ones1 = jnp.ones((B, IN_DIM), f32)
    zeros = jnp.zeros((RPT, IN_DIM), f32)

    degp = _deg_kernel(dst, init2, ones1)
    dinv8, gx = _dinv_call(degp, xp)

    (p1,) = _agg1(gx, src, dst, zeros)
    h1p, g1a, g1b = _mm1_call(p1, gx, dinv8, W1, b1.reshape(1, HID))

    p2a, p2b = _agg2(g1a, g1b, src, dst, zeros)
    h2p, g3 = _mm2_call(p2a, p2b, g1a, g1b, dinv8, W2,
                        b2.reshape(1, HID), W3)

    (p3,) = _agg1(g3, src, dst, zeros)
    h3p = _fin_call(p3, g3, dinv8, b3.reshape(1, OUT_DIM))

    h1, h2, h3 = h1p[:N], h2p[:N], h3p[:N]
    return (h3, (h1, h2, h3))

# --- scband reference (transcript-rebuilt; emitter-appended) ---
"""Pipeline reference for scband-simple-gnn-29300266893554 (READ-ONLY COPY).

The authoritative reference and input builder live on the scoring server;
editing this copy changes nothing except your own understanding.
"""

import jax, jax.numpy as jnp
import numpy as np

N = 10000
E = 320000
IN_DIM = 128
HID = 256
OUT_DIM = 128


def setup_inputs(seed: int = 0) -> dict:
    key = jax.random.key(seed)
    ks = jax.random.split(key, 8)
    x = jax.random.normal(ks[0], (N, IN_DIM), dtype=jnp.float32)
    edge_index = jax.random.randint(ks[1], (2, E), 0, N, dtype=jnp.int32)
    W1 = jax.random.normal(ks[2], (IN_DIM, HID), dtype=jnp.float32) * (1.0 / np.sqrt(IN_DIM))
    b1 = jnp.zeros((HID,), dtype=jnp.float32)
    W2 = jax.random.normal(ks[3], (HID, HID), dtype=jnp.float32) * (1.0 / np.sqrt(HID))
    b2 = jnp.zeros((HID,), dtype=jnp.float32)
    W3 = jax.random.normal(ks[4], (HID, OUT_DIM), dtype=jnp.float32) * (1.0 / np.sqrt(HID))
    b3 = jnp.zeros((OUT_DIM,), dtype=jnp.float32)
    return {"x": x, "edge_index": edge_index, "W1": W1, "b1": b1, "W2": W2, "b2": b2, "W3": W3, "b3": b3}


def _gcn_layer(h, src, dst, norm, W, b, n):
    # GCNConv: D^{-1/2} (A+I) D^{-1/2} X W + b
    h = h @ W
    msg = h[src] * norm[:, None]
    out = jax.ops.segment_sum(msg, dst, num_segments=n)
    return out + b


def reference(x, edge_index, W1, b1, W2, b2, W3, b3):
    n = x.shape[0]
    loop = jnp.arange(n, dtype=edge_index.dtype)
    src = jnp.concatenate([edge_index[0], loop])
    dst = jnp.concatenate([edge_index[1], loop])
    deg = jax.ops.segment_sum(jnp.ones_like(dst, dtype=x.dtype), dst, num_segments=n)
    dinv = jax.lax.rsqrt(jnp.maximum(deg, 1.0))
    norm = dinv[src] * dinv[dst]

    h1 = jax.nn.relu(_gcn_layer(x, src, dst, norm, W1, b1, n))
    h2 = jax.nn.relu(_gcn_layer(h1, src, dst, norm, W2, b2, n))
    h3 = _gcn_layer(h2, src, dst, norm, W3, b3, n)
    # module returns (x, intermediate_outputs)
    return (h3, (h1, h2, h3))

if __name__ == "__main__":
    import jax
    _d = setup_inputs()
    print(jax.jit(kernel)(*tuple(_d.values())))

</pallas_src>

<mosaic_0001>
#map = affine_map<(d0, d1) -> (0, 0)>
#map1 = affine_map<(d0, d1) -> (0, 0, 0)>
module attributes {stable_mosaic.version = 14 : i64} {
  func.func @body(%arg0: i32, %arg1: i32, %arg2: memref<10240x128xf32, #tpu.memory_space<hbm>>, %arg3: memref<10240x128xf32, #tpu.memory_space<hbm>>, %arg4: memref<32x80x128xi32, #tpu.memory_space<hbm>>, %arg5: memref<32x80x128xi32, #tpu.memory_space<hbm>>, %arg6: memref<640x128xf32, #tpu.memory_space<hbm>>, %arg7: memref<2x10240x128xf32, #tpu.memory_space<hbm>>, %arg8: memref<2x10240x128xf32, #tpu.memory_space<hbm>>, %arg9: memref<10240x128xf32, #tpu.memory_space<vmem_shared>>, %arg10: memref<40x128xi32, #tpu.memory_space<vmem>>, %arg11: memref<40x128xi32, #tpu.memory_space<vmem>>, %arg12: memref<128x128xf32, #tpu.memory_space<vmem>>, %arg13: memref<128x128xf32, #tpu.memory_space<vmem>>, %arg14: memref<!tpu.dma_semaphore, #tpu.memory_space<semaphore_mem>>, %arg15: memref<!tpu.dma_semaphore, #tpu.memory_space<semaphore_mem>>, %arg16: memref<!tpu.dma_semaphore, #tpu.memory_space<semaphore_mem>>, %arg17: memref<!tpu.dma_semaphore, #tpu.memory_space<semaphore_mem>>) attributes {dimension_semantics = [#tpu.dimension_semantics<core_parallel>, #tpu.dimension_semantics<subcore_parallel>], iteration_bounds = array<i64: 2, 16>, scalar_prefetch = 0 : i64, scratch_operands = 9 : i64, tpu.core_type = #tpu.core_type<sc_vector_subcore>, window_params = [{transform_indices = #map}, {transform_indices = #map}, {transform_indices = #map1}, {transform_indices = #map1}, {transform_indices = #map}, {transform_indices = #map1}, {transform_indices = #map1}]} {
    %mul3A = arith.constant 16 : i32
    %mul3A_0 = arith.muli %arg0, %mul3A : i32
    %add3A = arith.addi %mul3A_0, %arg1 : i32
    %mul3A_1 = arith.constant 640 : i32
    %mul3A_2 = arith.muli %arg1, %mul3A_1 : i32
    "tpu.region"() ({
      %run_scoped3A = tpu.sem_alloc : memref<!tpu.dma_semaphore, #tpu.memory_space<semaphore_mem>>
      %dma_start3A = arith.constant 0 : i32
      %dma_start3A_27 = tpu.memref_slice %arg9[%mul3A_2, %dma_start3A] : memref<10240x128xf32, #tpu.memory_space<vmem_shared>> -> memref<640x128xf32, #tpu.memory_space<vmem_shared>>
      tpu.enqueue_dma source(%arg6 : memref<640x128xf32, #tpu.memory_space<hbm>>) target(%dma_start3A_27 : memref<640x128xf32, #tpu.memory_space<vmem_shared>>) target_semaphore(%run_scoped3A : memref<!tpu.dma_semaphore, #tpu.memory_space<semaphore_mem>>)
      %dma_wait3A = arith.constant 0 : i32
      %dma_wait3A_28 = tpu.memref_slice %arg9[%mul3A_2, %dma_wait3A] : memref<10240x128xf32, #tpu.memory_space<vmem_shared>> -> memref<640x128xf32, #tpu.memory_space<vmem_shared>>
      tpu.wait_dma2 semaphore(%run_scoped3A : memref<!tpu.dma_semaphore, #tpu.memory_space<semaphore_mem>>) src(%arg6 : memref<640x128xf32, #tpu.memory_space<hbm>>) dst(%dma_wait3A_28 : memref<640x128xf32, #tpu.memory_space<vmem_shared>>)
      tpu.yield
    }) : () -> ()
    %barrier3A = arith.constant 0 : index
    tpu.barrier barrier_id(%barrier3A)
    %scan3A = arith.constant 0 : i32
    %scan3A_3 = arith.constant 2 : i32
    %scan3A_4 = arith.addi %scan3A, %scan3A_3 : i32
    %scan3A_5 = arith.constant 1 : i32
    scf.for %scan3A_27 = %scan3A to %scan3A_4 step %scan3A_5  : i32 {
      %mul3A_28 = arith.constant 1 : i32
      %mul3A_29 = arith.muli %scan3A_27, %mul3A_28 : i32
      %add3A_30 = arith.constant 0 : i32
      %add3A_31 = arith.addi %add3A_30, %mul3A_29 : i32
      %mul3A_32 = arith.constant 40 : i32
      %mul3A_33 = arith.muli %add3A_31, %mul3A_32 : i32
      "tpu.region"() ({
        %run_scoped3A = tpu.sem_alloc : memref<!tpu.dma_semaphore, #tpu.memory_space<semaphore_mem>>
        %dma_start3A_95 = arith.constant 0 : i32
        %dma_start3A_96 = tpu.memref_slice %arg4[%add3A, %mul3A_33, %dma_start3A_95] : memref<32x80x128xi32, #tpu.memory_space<hbm>> -> memref<1x40x128xi32, #tpu.memory_space<hbm>>
        %dma_start3A_97 = tpu.memref_squeeze %dma_start3A_96 : memref<1x40x128xi32, #tpu.memory_space<hbm>> -> memref<40x128xi32, #tpu.memory_space<hbm>>
        %dma_start3A_98 = arith.constant 0 : i32
        %dma_start3A_99 = tpu.memref_slice %arg4[%add3A, %mul3A_33, %dma_start3A_98] : memref<32x80x128xi32, #tpu.memory_space<hbm>> -> memref<1x40x128xi32, #tpu.memory_space<hbm>>
        %dma_start3A_100 = tpu.memref_squeeze %dma_start3A_99 : memref<1x40x128xi32, #tpu.memory_space<hbm>> -> memref<40x128xi32, #tpu.memory_space<hbm>>
        tpu.enqueue_dma source(%dma_start3A_100 : memref<40x128xi32, #tpu.memory_space<hbm>>) target(%arg10 : memref<40x128xi32, #tpu.memory_space<vmem>>) target_semaphore(%run_scoped3A : memref<!tpu.dma_semaphore, #tpu.memory_space<semaphore_mem>>)
        %dma_wait3A_101 = arith.constant 0 : i32
        %dma_wait3A_102 = tpu.memref_slice %arg4[%add3A, %mul3A_33, %dma_wait3A_101] : memref<32x80x128xi32, #tpu.memory_space<hbm>> -> memref<1x40x128xi32, #tpu.memory_space<hbm>>
        %dma_wait3A_103 = tpu.memref_squeeze %dma_wait3A_102 : memref<1x40x128xi32, #tpu.memory_space<hbm>> -> memref<40x128xi32, #tpu.memory_space<hbm>>
        %dma_wait3A_104 = arith.constant 0 : i32
        %dma_wait3A_105 = tpu.memref_slice %arg4[%add3A, %mul3A_33, %dma_wait3A_104] : memref<32x80x128xi32, #tpu.memory_space<hbm>> -> memref<1x40x128xi32, #tpu.memory_space<hbm>>
        %dma_wait3A_106 = tpu.memref_squeeze %dma_wait3A_105 : memref<1x40x128xi32, #tpu.memory_space<hbm>> -> memref<40x128xi32, #tpu.memory_space<hbm>>
        tpu.wait_dma2 semaphore(%run_scoped3A : memref<!tpu.dma_semaphore, #tpu.memory_space<semaphore_mem>>) src(%dma_wait3A_106 : memref<40x128xi32, #tpu.memory_space<hbm>>) dst(%arg10 : memref<40x128xi32, #tpu.memory_space<vmem>>)
        tpu.yield
      }) : () -> ()
      %mul3A_34 = arith.constant 40 : i32
      %mul3A_35 = arith.muli %add3A_31, %mul3A_34 : i32
      "tpu.region"() ({
        %run_scoped3A = tpu.sem_alloc : memref<!tpu.dma_semaphore, #tpu.memory_space<semaphore_mem>>
        %dma_start3A_95 = arith.constant 0 : i32
        %dma_start3A_96 = tpu.memref_slice %arg5[%add3A, %mul3A_35, %dma_start3A_95] : memref<32x80x128xi32, #tpu.memory_space<hbm>> -> memref<1x40x128xi32, #tpu.memory_space<hbm>>
        %dma_start3A_97 = tpu.memref_squeeze %dma_start3A_96 : memref<1x40x128xi32, #tpu.memory_space<hbm>> -> memref<40x128xi32, #tpu.memory_space<hbm>>
        %dma_start3A_98 = arith.constant 0 : i32
        %dma_start3A_99 = tpu.memref_slice %arg5[%add3A, %mul3A_35, %dma_start3A_98] : memref<32x80x128xi32, #tpu.memory_space<hbm>> -> memref<1x40x128xi32, #tpu.memory_space<hbm>>
        %dma_start3A_100 = tpu.memref_squeeze %dma_start3A_99 : memref<1x40x128xi32, #tpu.memory_space<hbm>> -> memref<40x128xi32, #tpu.memory_space<hbm>>
        tpu.enqueue_dma source(%dma_start3A_100 : memref<40x128xi32, #tpu.memory_space<hbm>>) target(%arg11 : memref<40x128xi32, #tpu.memory_space<vmem>>) target_semaphore(%run_scoped3A : memref<!tpu.dma_semaphore, #tpu.memory_space<semaphore_mem>>)
        %dma_wait3A_101 = arith.constant 0 : i32
        %dma_wait3A_102 = tpu.memref_slice %arg5[%add3A, %mul3A_35, %dma_wait3A_101] : memref<32x80x128xi32, #tpu.memory_space<hbm>> -> memref<1x40x128xi32, #tpu.memory_space<hbm>>
        %dma_wait3A_103 = tpu.memref_squeeze %dma_wait3A_102 : memref<1x40x128xi32, #tpu.memory_space<hbm>> -> memref<40x128xi32, #tpu.memory_space<hbm>>
        %dma_wait3A_104 = arith.constant 0 : i32
        %dma_wait3A_105 = tpu.memref_slice %arg5[%add3A, %mul3A_35, %dma_wait3A_104] : memref<32x80x128xi32, #tpu.memory_space<hbm>> -> memref<1x40x128xi32, #tpu.memory_space<hbm>>
        %dma_wait3A_106 = tpu.memref_squeeze %dma_wait3A_105 : memref<1x40x128xi32, #tpu.memory_space<hbm>> -> memref<40x128xi32, #tpu.memory_space<hbm>>
        tpu.wait_dma2 semaphore(%run_scoped3A : memref<!tpu.dma_semaphore, #tpu.memory_space<semaphore_mem>>) src(%dma_wait3A_106 : memref<40x128xi32, #tpu.memory_space<hbm>>) dst(%arg11 : memref<40x128xi32, #tpu.memory_space<vmem>>)
        tpu.yield
      }) : () -> ()
      %dma_start3A = arith.constant 0 : i32
      %dma_start3A_36 = arith.constant 0 : i32
      %dma_start3A_37 = tpu.memref_slice %arg10[%dma_start3A, %dma_start3A_36] : memref<40x128xi32, #tpu.memory_space<vmem>> -> memref<1x128xi32, #tpu.memory_space<vmem>>
      %dma_start3A_38 = tpu.memref_squeeze %dma_start3A_37 : memref<1x128xi32, #tpu.memory_space<vmem>> -> memref<128xi32, #tpu.memory_space<vmem>>
      %dma_start3A_39 = arith.constant 0 : i32
      %dma_start3A_40 = arith.constant 0 : i32
      %dma_start3A_41 = tpu.memref_slice %arg2[%dma_start3A_39, %dma_start3A_40] : memref<10240x128xf32, #tpu.memory_space<hbm>> -> memref<10240x128xf32, #tpu.memory_space<hbm>>
      tpu.enqueue_indirect_dma source(%dma_start3A_41 : memref<10240x128xf32, #tpu.memory_space<hbm>>) target(%arg12 : memref<128x128xf32, #tpu.memory_space<vmem>>) offsets(%dma_start3A_38 : memref<128xi32, #tpu.memory_space<vmem>>) semaphore(%arg14 : memref<!tpu.dma_semaphore, #tpu.memory_space<semaphore_mem>>)
      %dma_start3A_42 = arith.constant 1 : i32
      %dma_start3A_43 = arith.constant 0 : i32
      %dma_start3A_44 = tpu.memref_slice %arg10[%dma_start3A_42, %dma_start3A_43] : memref<40x128xi32, #tpu.memory_space<vmem>> -> memref<1x128xi32, #tpu.memory_space<vmem>>
      %dma_start3A_45 = tpu.memref_squeeze %dma_start3A_44 : memref<1x128xi32, #tpu.memory_space<vmem>> -> memref<128xi32, #tpu.memory_space<vmem>>
      %dma_start3A_46 = arith.constant 0 : i32
      %dma_start3A_47 = arith.constant 0 : i32
      %dma_start3A_48 = tpu.memref_slice %arg2[%dma_start3A_46, %dma_start3A_47] : memref<10240x128xf32, #tpu.memory_space<hbm>> -> memref<10240x128xf32, #tpu.memory_space<hbm>>
      tpu.enqueue_indirect_dma source(%dma_start3A_48 : memref<10240x128xf32, #tpu.memory_space<hbm>>) target(%arg13 : memref<128x128xf32, #tpu.memory_space<vmem>>) offsets(%dma_start3A_45 : memref<128xi32, #tpu.memory_space<vmem>>) semaphore(%arg15 : memref<!tpu.dma_semaphore, #tpu.memory_space<semaphore_mem>>)
      %scan3A_49 = arith.constant 0 : i32
      %scan3A_50 = arith.constant 19 : i32
      %scan3A_51 = arith.addi %scan3A_49, %scan3A_50 : i32
      %scan3A_52 = arith.constant 1 : i32
      scf.for %scan3A_95 = %scan3A_49 to %scan3A_51 step %scan3A_52  : i32 {
        %mul3A_96 = arith.constant 1 : i32
        %mul3A_97 = arith.muli %scan3A_95, %mul3A_96 : i32
        %add3A_98 = arith.constant 0 : i32
        %add3A_99 = arith.addi %add3A_98, %mul3A_97 : i32
        %mul3A_100 = arith.constant 2 : i32
        %mul3A_101 = arith.muli %add3A_99, %mul3A_100 : i32
        %dma_wait3A_102 = arith.constant 0 : i32
        %dma_wait3A_103 = tpu.memref_slice %arg10[%mul3A_101, %dma_wait3A_102] : memref<40x128xi32, #tpu.memory_space<vmem>> -> memref<1x128xi32, #tpu.memory_space<vmem>>
        %dma_wait3A_104 = tpu.memref_squeeze %dma_wait3A_103 : memref<1x128xi32, #tpu.memory_space<vmem>> -> memref<128xi32, #tpu.memory_space<vmem>>
        %dma_wait3A_105 = arith.constant 0 : i32
        %dma_wait3A_106 = arith.constant 0 : i32
        %dma_wait3A_107 = tpu.memref_slice %arg2[%dma_wait3A_105, %dma_wait3A_106] : memref<10240x128xf32, #tpu.memory_space<hbm>> -> memref<10240x128xf32, #tpu.memory_space<hbm>>
        tpu.wait_indirect_dma semaphore(%arg14 : memref<!tpu.dma_semaphore, #tpu.memory_space<semaphore_mem>>) src(%dma_wait3A_107 : memref<10240x128xf32, #tpu.memory_space<hbm>>) dst(%arg12 : memref<128x128xf32, #tpu.memory_space<vmem>>)
        %dma_start3A_108 = arith.constant 0 : i32
        %dma_start3A_109 = tpu.memref_slice %arg11[%mul3A_101, %dma_start3A_108] : memref<40x128xi32, #tpu.memory_space<vmem>> -> memref<1x128xi32, #tpu.memory_space<vmem>>
        %dma_start3A_110 = tpu.memref_squeeze %dma_start3A_109 : memref<1x128xi32, #tpu.memory_space<vmem>> -> memref<128xi32, #tpu.memory_space<vmem>>
        %dma_start3A_111 = arith.constant 0 : i32
        %dma_start3A_112 = arith.constant 0 : i32
        %dma_start3A_113 = tpu.memref_slice %arg9[%dma_start3A_111, %dma_start3A_112] : memref<10240x128xf32, #tpu.memory_space<vmem_shared>> -> memref<10240x128xf32, #tpu.memory_space<vmem_shared>>
        tpu.enqueue_indirect_dma source(%arg12 : memref<128x128xf32, #tpu.memory_space<vmem>>) target(%dma_start3A_113 : memref<10240x128xf32, #tpu.memory_space<vmem_shared>>) offsets(%dma_start3A_110 : memref<128xi32, #tpu.memory_space<vmem>>) semaphore(%arg16 : memref<!tpu.dma_semaphore, #tpu.memory_space<semaphore_mem>>) {add = true}
        %dma_wait3A_114 = arith.constant 0 : i32
        %dma_wait3A_115 = tpu.memref_slice %arg11[%mul3A_101, %dma_wait3A_114] : memref<40x128xi32, #tpu.memory_space<vmem>> -> memref<1x128xi32, #tpu.memory_space<vmem>>
        %dma_wait3A_116 = tpu.memref_squeeze %dma_wait3A_115 : memref<1x128xi32, #tpu.memory_space<vmem>> -> memref<128xi32, #tpu.memory_space<vmem>>
        %dma_wait3A_117 = arith.constant 0 : i32
        %dma_wait3A_118 = arith.constant 0 : i32
        %dma_wait3A_119 = tpu.memref_slice %arg9[%dma_wait3A_117, %dma_wait3A_118] : memref<10240x128xf32, #tpu.memory_space<vmem_shared>> -> memref<10240x128xf32, #tpu.memory_space<vmem_shared>>
        tpu.wait_indirect_dma semaphore(%arg16 : memref<!tpu.dma_semaphore, #tpu.memory_space<semaphore_mem>>) src(%arg12 : memref<128x128xf32, #tpu.memory_space<vmem>>) dst(%dma_wait3A_119 : memref<10240x128xf32, #tpu.memory_space<vmem_shared>>)
        %add3A_120 = arith.constant 2 : i32
        %add3A_121 = arith.addi %mul3A_101, %add3A_120 : i32
        %dma_start3A_122 = arith.constant 0 : i32
        %dma_start3A_123 = tpu.memref_slice %arg10[%add3A_121, %dma_start3A_122] : memref<40x128xi32, #tpu.memory_space<vmem>> -> memref<1x128xi32, #tpu.memory_space<vmem>>
        %dma_start3A_124 = tpu.memref_squeeze %dma_start3A_123 : memref<1x128xi32, #tpu.memory_space<vmem>> -> memref<128xi32, #tpu.memory_space<vmem>>
        %dma_start3A_125 = arith.constant 0 : i32
        %dma_start3A_126 = arith.constant 0 : i32
        %dma_start3A_127 = tpu.memref_slice %arg2[%dma_start3A_125, %dma_start3A_126] : memref<10240x128xf32, #tpu.memory_space<hbm>> -> memref<10240x128xf32, #tpu.memory_space<hbm>>
        tpu.enqueue_indirect_dma source(%dma_start3A_127 : memref<10240x128xf32, #tpu.memory_space<hbm>>) target(%arg12 : memref<128x128xf32, #tpu.memory_space<vmem>>) offsets(%dma_start3A_124 : memref<128xi32, #tpu.memory_space<vmem>>) semaphore(%arg14 : memref<!tpu.dma_semaphore, #tpu.memory_space<semaphore_mem>>)
        %add3A_128 = arith.constant 1 : i32
        %add3A_129 = arith.addi %mul3A_101, %add3A_128 : i32
        %dma_wait3A_130 = arith.constant 0 : i32
        %dma_wait3A_131 = tpu.memref_slice %arg10[%add3A_129, %dma_wait3A_130] : memref<40x128xi32, #tpu.memory_space<vmem>> -> memref<1x128xi32, #tpu.memory_space<vmem>>
        %dma_wait3A_132 = tpu.memref_squeeze %dma_wait3A_131 : memref<1x128xi32, #tpu.memory_space<vmem>> -> memref<128xi32, #tpu.memory_space<vmem>>
        %dma_wait3A_133 = arith.constant 0 : i32
        %dma_wait3A_134 = arith.constant 0 : i32
        %dma_wait3A_135 = tpu.memref_slice %arg2[%dma_wait3A_133, %dma_wait3A_134] : memref<10240x128xf32, #tpu.memory_space<hbm>> -> memref<10240x128xf32, #tpu.memory_space<hbm>>
        tpu.wait_indirect_dma semaphore(%arg15 : memref<!tpu.dma_semaphore, #tpu.memory_space<semaphore_mem>>) src(%dma_wait3A_135 : memref<10240x128xf32, #tpu.memory_space<hbm>>) dst(%arg13 : memref<128x128xf32, #tpu.memory_space<vmem>>)
        %add3A_136 = arith.constant 1 : i32
        %add3A_137 = arith.addi %mul3A_101, %add3A_136 : i32
        %dma_start3A_138 = arith.constant 0 : i32
        %dma_start3A_139 = tpu.memref_slice %arg11[%add3A_137, %dma_start3A_138] : memref<40x128xi32, #tpu.memory_space<vmem>> -> memref<1x128xi32, #tpu.memory_space<vmem>>
        %dma_start3A_140 = tpu.memref_squeeze %dma_start3A_139 : memref<1x128xi32, #tpu.memory_space<vmem>> -> memref<128xi32, #tpu.memory_space<vmem>>
        %dma_start3A_141 = arith.constant 0 : i32
        %dma_start3A_142 = arith.constant 0 : i32
        %dma_start3A_143 = tpu.memref_slice %arg9[%dma_start3A_141, %dma_start3A_142] : memref<10240x128xf32, #tpu.memory_space<vmem_shared>> -> memref<10240x128xf32, #tpu.memory_space<vmem_shared>>
        tpu.enqueue_indirect_dma source(%arg13 : memref<128x128xf32, #tpu.memory_space<vmem>>) target(%dma_start3A_143 : memref<10240x128xf32, #tpu.memory_space<vmem_shared>>) offsets(%dma_start3A_140 : memref<128xi32, #tpu.memory_space<vmem>>) semaphore(%arg17 : memref<!tpu.dma_semaphore, #tpu.memory_space<semaphore_mem>>) {add = true}
        %dma_wait3A_144 = arith.constant 0 : i32
        %dma_wait3A_145 = tpu.memref_slice %arg11[%add3A_137, %dma_wait3A_144] : memref<40x128xi32, #tpu.memory_space<vmem>> -> memref<1x128xi32, #tpu.memory_space<vmem>>
        %dma_wait3A_146 = tpu.memref_squeeze %dma_wait3A_145 : memref<1x128xi32, #tpu.memory_space<vmem>> -> memref<128xi32, #tpu.memory_space<vmem>>
        %dma_wait3A_147 = arith.constant 0 : i32
        %dma_wait3A_148 = arith.constant 0 : i32
        %dma_wait3A_149 = tpu.memref_slice %arg9[%dma_wait3A_147, %dma_wait3A_148] : memref<10240x128xf32, #tpu.memory_space<vmem_shared>> -> memref<10240x128xf32, #tpu.memory_space<vmem_shared>>
        tpu.wait_indirect_dma semaphore(%arg17 : memref<!tpu.dma_semaphore, #tpu.memory_space<semaphore_mem>>) src(%arg13 : memref<128x128xf32, #tpu.memory_space<vmem>>) dst(%dma_wait3A_149 : memref<10240x128xf32, #tpu.memory_space<vmem_shared>>)
        %add3A_150 = arith.constant 3 : i32
        %add3A_151 = arith.addi %mul3A_101, %add3A_150 : i32
        %dma_start3A_152 = arith.constant 0 : i32
        %dma_start3A_153 = tpu.memref_slice %arg10[%add3A_151, %dma_start3A_152] : memref<40x128xi32, #tpu.memory_space<vmem>> -> memref<1x128xi32, #tpu.memory_space<vmem>>
        %dma_start3A_154 = tpu.memref_squeeze %dma_start3A_153 : memref<1x128xi32, #tpu.memory_space<vmem>> -> memref<128xi32, #tpu.memory_space<vmem>>
        %dma_start3A_155 = arith.constant 0 : i32
        %dma_start3A_156 = arith.constant 0 : i32
        %dma_start3A_157 = tpu.memref_slice %arg2[%dma_start3A_155, %dma_start3A_156] : memref<10240x128xf32, #tpu.memory_space<hbm>> -> memref<10240x128xf32, #tpu.memory_space<hbm>>
        tpu.enqueue_indirect_dma source(%dma_start3A_157 : memref<10240x128xf32, #tpu.memory_space<hbm>>) target(%arg13 : memref<128x128xf32, #tpu.memory_space<vmem>>) offsets(%dma_start3A_154 : memref<128xi32, #tpu.memory_space<vmem>>) semaphore(%arg15 : memref<!tpu.dma_semaphore, #tpu.memory_space<semaphore_mem>>)
      }
      %scan3A_53 = arith.constant 19 : i32
      %dma_wait3A = arith.constant 38 : i32
      %dma_wait3A_54 = arith.constant 0 : i32
      %dma_wait3A_55 = tpu.memref_slice %arg10[%dma_wait3A, %dma_wait3A_54] : memref<40x128xi32, #tpu.memory_space<vmem>> -> memref<1x128xi32, #tpu.memory_space<vmem>>
      %dma_wait3A_56 = tpu.memref_squeeze %dma_wait3A_55 : memref<1x128xi32, #tpu.memory_space<vmem>> -> memref<128xi32, #tpu.memory_space<vmem>>
      %dma_wait3A_57 = arith.constant 0 : i32
      %dma_wait3A_58 = arith.constant 0 : i32
      %dma_wait3A_59 = tpu.memref_slice %arg2[%dma_wait3A_57, %dma_wait3A_58] : memref<10240x128xf32, #tpu.memory_space<hbm>> -> memref<10240x128xf32, #tpu.memory_space<hbm>>
      tpu.wait_indirect_dma semaphore(%arg14 : memref<!tpu.dma_semaphore, #tpu.memory_space<semaphore_mem>>) src(%dma_wait3A_59 : memref<10240x128xf32, #tpu.memory_space<hbm>>) dst(%arg12 : memref<128x128xf32, #tpu.memory_space<vmem>>)
      %dma_start3A_60 = arith.constant 38 : i32
      %dma_start3A_61 = arith.constant 0 : i32
      %dma_start3A_62 = tpu.memref_slice %arg11[%dma_start3A_60, %dma_start3A_61] : memref<40x128xi32, #tpu.memory_space<vmem>> -> memref<1x128xi32, #tpu.memory_space<vmem>>
      %dma_start3A_63 = tpu.memref_squeeze %dma_start3A_62 : memref<1x128xi32, #tpu.memory_space<vmem>> -> memref<128xi32, #tpu.memory_space<vmem>>
      %dma_start3A_64 = arith.constant 0 : i32
      %dma_start3A_65 = arith.constant 0 : i32
      %dma_start3A_66 = tpu.memref_slice %arg9[%dma_start3A_64, %dma_start3A_65] : memref<10240x128xf32, #tpu.memory_space<vmem_shared>> -> memref<10240x128xf32, #tpu.memory_space<vmem_shared>>
      tpu.enqueue_indirect_dma source(%arg12 : memref<128x128xf32, #tpu.memory_space<vmem>>) target(%dma_start3A_66 : memref<10240x128xf32, #tpu.memory_space<vmem_shared>>) offsets(%dma_start3A_63 : memref<128xi32, #tpu.memory_space<vmem>>) semaphore(%arg16 : memref<!tpu.dma_semaphore, #tpu.memory_space<semaphore_mem>>) {add = true}
      %dma_wait3A_67 = arith.constant 38 : i32
      %dma_wait3A_68 = arith.constant 0 : i32
      %dma_wait3A_69 = tpu.memref_slice %arg11[%dma_wait3A_67, %dma_wait3A_68] : memref<40x128xi32, #tpu.memory_space<vmem>> -> memref<1x128xi32, #tpu.memory_space<vmem>>
      %dma_wait3A_70 = tpu.memref_squeeze %dma_wait3A_69 : memref<1x128xi32, #tpu.memory_space<vmem>> -> memref<128xi32, #tpu.memory_space<vmem>>
      %dma_wait3A_71 = arith.constant 0 : i32
      %dma_wait3A_72 = arith.constant 0 : i32
      %dma_wait3A_73 = tpu.memref_slice %arg9[%dma_wait3A_71, %dma_wait3A_72] : memref<10240x128xf32, #tpu.memory_space<vmem_shared>> -> memref<10240x128xf32, #tpu.memory_space<vmem_shared>>
      tpu.wait_indirect_dma semaphore(%arg16 : memref<!tpu.dma_semaphore, #tpu.memory_space<semaphore_mem>>) src(%arg12 : memref<128x128xf32, #tpu.memory_space<vmem>>) dst(%dma_wait3A_73 : memref<10240x128xf32, #tpu.memory_space<vmem_shared>>)
      %dma_wait3A_74 = arith.constant 39 : i32
      %dma_wait3A_75 = arith.constant 0 : i32
      %dma_wait3A_76 = tpu.memref_slice %arg10[%dma_wait3A_74, %dma_wait3A_75] : memref<40x128xi32, #tpu.memory_space<vmem>> -> memref<1x128xi32, #tpu.memory_space<vmem>>
      %dma_wait3A_77 = tpu.memref_squeeze %dma_wait3A_76 : memref<1x128xi32, #tpu.memory_space<vmem>> -> memref<128xi32, #tpu.memory_space<vmem>>
      %dma_wait3A_78 = arith.constant 0 : i32
      %dma_wait3A_79 = arith.constant 0 : i32
      %dma_wait3A_80 = tpu.memref_slice %arg2[%dma_wait3A_78, %dma_wait3A_79] : memref<10240x128xf32, #tpu.memory_space<hbm>> -> memref<10240x128xf32, #tpu.memory_space<hbm>>
      tpu.wait_indirect_dma semaphore(%arg15 : memref<!tpu.dma_semaphore, #tpu.memory_space<semaphore_mem>>) src(%dma_wait3A_80 : memref<10240x128xf32, #tpu.memory_space<hbm>>) dst(%arg13 : memref<128x128xf32, #tpu.memory_space<vmem>>)
      %dma_start3A_81 = arith.constant 39 : i32
      %dma_start3A_82 = arith.constant 0 : i32
      %dma_start3A_83 = tpu.memref_slice %arg11[%dma_start3A_81, %dma_start3A_82] : memref<40x128xi32, #tpu.memory_space<vmem>> -> memref<1x128xi32, #tpu.memory_space<vmem>>
      %dma_start3A_84 = tpu.memref_squeeze %dma_start3A_83 : memref<1x128xi32, #tpu.memory_space<vmem>> -> memref<128xi32, #tpu.memory_space<vmem>>
      %dma_start3A_85 = arith.constant 0 : i32
      %dma_start3A_86 = arith.constant 0 : i32
      %dma_start3A_87 = tpu.memref_slice %arg9[%dma_start3A_85, %dma_start3A_86] : memref<10240x128xf32, #tpu.memory_space<vmem_shared>> -> memref<10240x128xf32, #tpu.memory_space<vmem_shared>>
      tpu.enqueue_indirect_dma source(%arg13 : memref<128x128xf32, #tpu.memory_space<vmem>>) target(%dma_start3A_87 : memref<10240x128xf32, #tpu.memory_space<vmem_shared>>) offsets(%dma_start3A_84 : memref<128xi32, #tpu.memory_space<vmem>>) semaphore(%arg17 : memref<!tpu.dma_semaphore, #tpu.memory_space<semaphore_mem>>) {add = true}
      %dma_wait3A_88 = arith.constant 39 : i32
      %dma_wait3A_89 = arith.constant 0 : i32
      %dma_wait3A_90 = tpu.memref_slice %arg11[%dma_wait3A_88, %dma_wait3A_89] : memref<40x128xi32, #tpu.memory_space<vmem>> -> memref<1x128xi32, #tpu.memory_space<vmem>>
      %dma_wait3A_91 = tpu.memref_squeeze %dma_wait3A_90 : memref<1x128xi32, #tpu.memory_space<vmem>> -> memref<128xi32, #tpu.memory_space<vmem>>
      %dma_wait3A_92 = arith.constant 0 : i32
      %dma_wait3A_93 = arith.constant 0 : i32
      %dma_wait3A_94 = tpu.memref_slice %arg9[%dma_wait3A_92, %dma_wait3A_93] : memref<10240x128xf32, #tpu.memory_space<vmem_shared>> -> memref<10240x128xf32, #tpu.memory_space<vmem_shared>>
      tpu.wait_indirect_dma semaphore(%arg17 : memref<!tpu.dma_semaphore, #tpu.memory_space<semaphore_mem>>) src(%arg13 : memref<128x128xf32, #tpu.memory_space<vmem>>) dst(%dma_wait3A_94 : memref<10240x128xf32, #tpu.memory_space<vmem_shared>>)
    }
    %scan3A_6 = arith.constant 2 : i32
    %barrier3A_7 = arith.constant 0 : index
    tpu.barrier barrier_id(%barrier3A_7)
    %mul3A_8 = arith.constant 640 : i32
    %mul3A_9 = arith.muli %arg1, %mul3A_8 : i32
    %mul3A_10 = arith.constant 640 : i32
    %mul3A_11 = arith.muli %arg1, %mul3A_10 : i32
    "tpu.region"() ({
      %run_scoped3A = tpu.sem_alloc : memref<!tpu.dma_semaphore, #tpu.memory_space<semaphore_mem>>
      %dma_start3A = arith.constant 0 : i32
      %dma_start3A_27 = tpu.memref_slice %arg7[%arg0, %mul3A_11, %dma_start3A] : memref<2x10240x128xf32, #tpu.memory_space<hbm>> -> memref<1x640x128xf32, #tpu.memory_space<hbm>>
      %dma_start3A_28 = tpu.memref_squeeze %dma_start3A_27 : memref<1x640x128xf32, #tpu.memory_space<hbm>> -> memref<640x128xf32, #tpu.memory_space<hbm>>
      %dma_start3A_29 = arith.constant 0 : i32
      %dma_start3A_30 = tpu.memref_slice %arg9[%mul3A_9, %dma_start3A_29] : memref<10240x128xf32, #tpu.memory_space<vmem_shared>> -> memref<640x128xf32, #tpu.memory_space<vmem_shared>>
      tpu.enqueue_dma source(%dma_start3A_30 : memref<640x128xf32, #tpu.memory_space<vmem_shared>>) target(%dma_start3A_28 : memref<640x128xf32, #tpu.memory_space<hbm>>) target_semaphore(%run_scoped3A : memref<!tpu.dma_semaphore, #tpu.memory_space<semaphore_mem>>)
      %dma_wait3A = arith.constant 0 : i32
      %dma_wait3A_31 = tpu.memref_slice %arg7[%arg0, %mul3A_11, %dma_wait3A] : memref<2x10240x128xf32, #tpu.memory_space<hbm>> -> memref<1x640x128xf32, #tpu.memory_space<hbm>>
      %dma_wait3A_32 = tpu.memref_squeeze %dma_wait3A_31 : memref<1x640x128xf32, #tpu.memory_space<hbm>> -> memref<640x128xf32, #tpu.memory_space<hbm>>
      %dma_wait3A_33 = arith.constant 0 : i32
      %dma_wait3A_34 = tpu.memref_slice %arg9[%mul3A_9, %dma_wait3A_33] : memref<10240x128xf32, #tpu.memory_space<vmem_shared>> -> memref<640x128xf32, #tpu.memory_space<vmem_shared>>
      tpu.wait_dma2 semaphore(%run_scoped3A : memref<!tpu.dma_semaphore, #tpu.memory_space<semaphore_mem>>) src(%dma_wait3A_34 : memref<640x128xf32, #tpu.memory_space<vmem_shared>>) dst(%dma_wait3A_32 : memref<640x128xf32, #tpu.memory_space<hbm>>)
      tpu.yield
    }) : () -> ()
    %barrier3A_12 = arith.constant 0 : index
    tpu.barrier barrier_id(%barrier3A_12)
    %mul3A_13 = arith.constant 640 : i32
    %mul3A_14 = arith.muli %arg1, %mul3A_13 : i32
    "tpu.region"() ({
      %run_scoped3A = tpu.sem_alloc : memref<!tpu.dma_semaphore, #tpu.memory_space<semaphore_mem>>
      %dma_start3A = arith.constant 0 : i32
      %dma_start3A_27 = tpu.memref_slice %arg9[%mul3A_14, %dma_start3A] : memref<10240x128xf32, #tpu.memory_space<vmem_shared>> -> memref<640x128xf32, #tpu.memory_space<vmem_shared>>
      tpu.enqueue_dma source(%arg6 : memref<640x128xf32, #tpu.memory_space<hbm>>) target(%dma_start3A_27 : memref<640x128xf32, #tpu.memory_space<vmem_shared>>) target_semaphore(%run_scoped3A : memref<!tpu.dma_semaphore, #tpu.memory_space<semaphore_mem>>)
      %dma_wait3A = arith.constant 0 : i32
      %dma_wait3A_28 = tpu.memref_slice %arg9[%mul3A_14, %dma_wait3A] : memref<10240x128xf32, #tpu.memory_space<vmem_shared>> -> memref<640x128xf32, #tpu.memory_space<vmem_shared>>
      tpu.wait_dma2 semaphore(%run_scoped3A : memref<!tpu.dma_semaphore, #tpu.memory_space<semaphore_mem>>) src(%arg6 : memref<640x128xf32, #tpu.memory_space<hbm>>) dst(%dma_wait3A_28 : memref<640x128xf32, #tpu.memory_space<vmem_shared>>)
      tpu.yield
    }) : () -> ()
    %barrier3A_15 = arith.constant 0 : index
    tpu.barrier barrier_id(%barrier3A_15)
    %scan3A_16 = arith.constant 0 : i32
    %scan3A_17 = arith.constant 2 : i32
    %scan3A_18 = arith.addi %scan3A_16, %scan3A_17 : i32
    %scan3A_19 = arith.constant 1 : i32
    scf.for %scan3A_27 = %scan3A_16 to %scan3A_18 step %scan3A_19  : i32 {
      %mul3A_28 = arith.constant 1 : i32
      %mul3A_29 = arith.muli %scan3A_27, %mul3A_28 : i32
      %add3A_30 = arith.constant 0 : i32
      %add3A_31 = arith.addi %add3A_30, %mul3A_29 : i32
      %mul3A_32 = arith.constant 40 : i32
      %mul3A_33 = arith.muli %add3A_31, %mul3A_32 : i32
      "tpu.region"() ({
        %run_scoped3A = tpu.sem_alloc : memref<!tpu.dma_semaphore, #tpu.memory_space<semaphore_mem>>
        %dma_start3A_95 = arith.constant 0 : i32
        %dma_start3A_96 = tpu.memref_slice %arg4[%add3A, %mul3A_33, %dma_start3A_95] : memref<32x80x128xi32, #tpu.memory_space<hbm>> -> memref<1x40x128xi32, #tpu.memory_space<hbm>>
        %dma_start3A_97 = tpu.memref_squeeze %dma_start3A_96 : memref<1x40x128xi32, #tpu.memory_space<hbm>> -> memref<40x128xi32, #tpu.memory_space<hbm>>
        %dma_start3A_98 = arith.constant 0 : i32
        %dma_start3A_99 = tpu.memref_slice %arg4[%add3A, %mul3A_33, %dma_start3A_98] : memref<32x80x128xi32, #tpu.memory_space<hbm>> -> memref<1x40x128xi32, #tpu.memory_space<hbm>>
        %dma_start3A_100 = tpu.memref_squeeze %dma_start3A_99 : memref<1x40x128xi32, #tpu.memory_space<hbm>> -> memref<40x128xi32, #tpu.memory_space<hbm>>
        tpu.enqueue_dma source(%dma_start3A_100 : memref<40x128xi32, #tpu.memory_space<hbm>>) target(%arg10 : memref<40x128xi32, #tpu.memory_space<vmem>>) target_semaphore(%run_scoped3A : memref<!tpu.dma_semaphore, #tpu.memory_space<semaphore_mem>>)
        %dma_wait3A_101 = arith.constant 0 : i32
        %dma_wait3A_102 = tpu.memref_slice %arg4[%add3A, %mul3A_33, %dma_wait3A_101] : memref<32x80x128xi32, #tpu.memory_space<hbm>> -> memref<1x40x128xi32, #tpu.memory_space<hbm>>
        %dma_wait3A_103 = tpu.memref_squeeze %dma_wait3A_102 : memref<1x40x128xi32, #tpu.memory_space<hbm>> -> memref<40x128xi32, #tpu.memory_space<hbm>>
        %dma_wait3A_104 = arith.constant 0 : i32
        %dma_wait3A_105 = tpu.memref_slice %arg4[%add3A, %mul3A_33, %dma_wait3A_104] : memref<32x80x128xi32, #tpu.memory_space<hbm>> -> memref<1x40x128xi32, #tpu.memory_space<hbm>>
        %dma_wait3A_106 = tpu.memref_squeeze %dma_wait3A_105 : memref<1x40x128xi32, #tpu.memory_space<hbm>> -> memref<40x128xi32, #tpu.memory_space<hbm>>
        tpu.wait_dma2 semaphore(%run_scoped3A : memref<!tpu.dma_semaphore, #tpu.memory_space<semaphore_mem>>) src(%dma_wait3A_106 : memref<40x128xi32, #tpu.memory_space<hbm>>) dst(%arg10 : memref<40x128xi32, #tpu.memory_space<vmem>>)
        tpu.yield
      }) : () -> ()
      %mul3A_34 = arith.constant 40 : i32
      %mul3A_35 = arith.muli %add3A_31, %mul3A_34 : i32
      "tpu.region"() ({
        %run_scoped3A = tpu.sem_alloc : memref<!tpu.dma_semaphore, #tpu.memory_space<semaphore_mem>>
        %dma_start3A_95 = arith.constant 0 : i32
        %dma_start3A_96 = tpu.memref_slice %arg5[%add3A, %mul3A_35, %dma_start3A_95] : memref<32x80x128xi32, #tpu.memory_space<hbm>> -> memref<1x40x128xi32, #tpu.memory_space<hbm>>
        %dma_start3A_97 = tpu.memref_squeeze %dma_start3A_96 : memref<1x40x128xi32, #tpu.memory_space<hbm>> -> memref<40x128xi32, #tpu.memory_space<hbm>>
        %dma_start3A_98 = arith.constant 0 : i32
        %dma_start3A_99 = tpu.memref_slice %arg5[%add3A, %mul3A_35, %dma_start3A_98] : memref<32x80x128xi32, #tpu.memory_space<hbm>> -> memref<1x40x128xi32, #tpu.memory_space<hbm>>
        %dma_start3A_100 = tpu.memref_squeeze %dma_start3A_99 : memref<1x40x128xi32, #tpu.memory_space<hbm>> -> memref<40x128xi32, #tpu.memory_space<hbm>>
        tpu.enqueue_dma source(%dma_start3A_100 : memref<40x128xi32, #tpu.memory_space<hbm>>) target(%arg11 : memref<40x128xi32, #tpu.memory_space<vmem>>) target_semaphore(%run_scoped3A : memref<!tpu.dma_semaphore, #tpu.memory_space<semaphore_mem>>)
        %dma_wait3A_101 = arith.constant 0 : i32
        %dma_wait3A_102 = tpu.memref_slice %arg5[%add3A, %mul3A_35, %dma_wait3A_101] : memref<32x80x128xi32, #tpu.memory_space<hbm>> -> memref<1x40x128xi32, #tpu.memory_space<hbm>>
        %dma_wait3A_103 = tpu.memref_squeeze %dma_wait3A_102 : memref<1x40x128xi32, #tpu.memory_space<hbm>> -> memref<40x128xi32, #tpu.memory_space<hbm>>
        %dma_wait3A_104 = arith.constant 0 : i32
        %dma_wait3A_105 = tpu.memref_slice %arg5[%add3A, %mul3A_35, %dma_wait3A_104] : memref<32x80x128xi32, #tpu.memory_space<hbm>> -> memref<1x40x128xi32, #tpu.memory_space<hbm>>
        %dma_wait3A_106 = tpu.memref_squeeze %dma_wait3A_105 : memref<1x40x128xi32, #tpu.memory_space<hbm>> -> memref<40x128xi32, #tpu.memory_space<hbm>>
        tpu.wait_dma2 semaphore(%run_scoped3A : memref<!tpu.dma_semaphore, #tpu.memory_space<semaphore_mem>>) src(%dma_wait3A_106 : memref<40x128xi32, #tpu.memory_space<hbm>>) dst(%arg11 : memref<40x128xi32, #tpu.memory_space<vmem>>)
        tpu.yield
      }) : () -> ()
      %dma_start3A = arith.constant 0 : i32
      %dma_start3A_36 = arith.constant 0 : i32
      %dma_start3A_37 = tpu.memref_slice %arg10[%dma_start3A, %dma_start3A_36] : memref<40x128xi32, #tpu.memory_space<vmem>> -> memref<1x128xi32, #tpu.memory_space<vmem>>
      %dma_start3A_38 = tpu.memref_squeeze %dma_start3A_37 : memref<1x128xi32, #tpu.memory_space<vmem>> -> memref<128xi32, #tpu.memory_space<vmem>>
      %dma_start3A_39 = arith.constant 0 : i32
      %dma_start3A_40 = arith.constant 0 : i32
      %dma_start3A_41 = tpu.memref_slice %arg3[%dma_start3A_39, %dma_start3A_40] : memref<10240x128xf32, #tpu.memory_space<hbm>> -> memref<10240x128xf32, #tpu.memory_space<hbm>>
      tpu.enqueue_indirect_dma source(%dma_start3A_41 : memref<10240x128xf32, #tpu.memory_space<hbm>>) target(%arg12 : memref<128x128xf32, #tpu.memory_space<vmem>>) offsets(%dma_start3A_38 : memref<128xi32, #tpu.memory_space<vmem>>) semaphore(%arg14 : memref<!tpu.dma_semaphore, #tpu.memory_space<semaphore_mem>>)
      %dma_start3A_42 = arith.constant 1 : i32
      %dma_start3A_43 = arith.constant 0 : i32
      %dma_start3A_44 = tpu.memref_slice %arg10[%dma_start3A_42, %dma_start3A_43] : memref<40x128xi32, #tpu.memory_space<vmem>> -> memref<1x128xi32, #tpu.memory_space<vmem>>
      %dma_start3A_45 = tpu.memref_squeeze %dma_start3A_44 : memref<1x128xi32, #tpu.memory_space<vmem>> -> memref<128xi32, #tpu.memory_space<vmem>>
      %dma_start3A_46 = arith.constant 0 : i32
      %dma_start3A_47 = arith.constant 0 : i32
      %dma_start3A_48 = tpu.memref_slice %arg3[%dma_start3A_46, %dma_start3A_47] : memref<10240x128xf32, #tpu.memory_space<hbm>> -> memref<10240x128xf32, #tpu.memory_space<hbm>>
      tpu.enqueue_indirect_dma source(%dma_start3A_48 : memref<10240x128xf32, #tpu.memory_space<hbm>>) target(%arg13 : memref<128x128xf32, #tpu.memory_space<vmem>>) offsets(%dma_start3A_45 : memref<128xi32, #tpu.memory_space<vmem>>) semaphore(%arg15 : memref<!tpu.dma_semaphore, #tpu.memory_space<semaphore_mem>>)
      %scan3A_49 = arith.constant 0 : i32
      %scan3A_50 = arith.constant 19 : i32
      %scan3A_51 = arith.addi %scan3A_49, %scan3A_50 : i32
      %scan3A_52 = arith.constant 1 : i32
      scf.for %scan3A_95 = %scan3A_49 to %scan3A_51 step %scan3A_52  : i32 {
        %mul3A_96 = arith.constant 1 : i32
        %mul3A_97 = arith.muli %scan3A_95, %mul3A_96 : i32
        %add3A_98 = arith.constant 0 : i32
        %add3A_99 = arith.addi %add3A_98, %mul3A_97 : i32
        %mul3A_100 = arith.constant 2 : i32
        %mul3A_101 = arith.muli %add3A_99, %mul3A_100 : i32
        %dma_wait3A_102 = arith.constant 0 : i32
        %dma_wait3A_103 = tpu.memref_slice %arg10[%mul3A_101, %dma_wait3A_102] : memref<40x128xi32, #tpu.memory_space<vmem>> -> memref<1x128xi32, #tpu.memory_space<vmem>>
        %dma_wait3A_104 = tpu.memref_squeeze %dma_wait3A_103 : memref<1x128xi32, #tpu.memory_space<vmem>> -> memref<128xi32, #tpu.memory_space<vmem>>
        %dma_wait3A_105 = arith.constant 0 : i32
        %dma_wait3A_106 = arith.constant 0 : i32
        %dma_wait3A_107 = tpu.memref_slice %arg3[%dma_wait3A_105, %dma_wait3A_106] : memref<10240x128xf32, #tpu.memory_space<hbm>> -> memref<10240x128xf32, #tpu.memory_space<hbm>>
        tpu.wait_indirect_dma semaphore(%arg14 : memref<!tpu.dma_semaphore, #tpu.memory_space<semaphore_mem>>) src(%dma_wait3A_107 : memref<10240x128xf32, #tpu.memory_space<hbm>>) dst(%arg12 : memref<128x128xf32, #tpu.memory_space<vmem>>)
        %dma_start3A_108 = arith.constant 0 : i32
        %dma_start3A_109 = tpu.memref_slice %arg11[%mul3A_101, %dma_start3A_108] : memref<40x128xi32, #tpu.memory_space<vmem>> -> memref<1x128xi32, #tpu.memory_space<vmem>>
        %dma_start3A_110 = tpu.memref_squeeze %dma_start3A_109 : memref<1x128xi32, #tpu.memory_space<vmem>> -> memref<128xi32, #tpu.memory_space<vmem>>
        %dma_start3A_111 = arith.constant 0 : i32
        %dma_start3A_112 = arith.constant 0 : i32
        %dma_start3A_113 = tpu.memref_slice %arg9[%dma_start3A_111, %dma_start3A_112] : memref<10240x128xf32, #tpu.memory_space<vmem_shared>> -> memref<10240x128xf32, #tpu.memory_space<vmem_shared>>
        tpu.enqueue_indirect_dma source(%arg12 : memref<128x128xf32, #tpu.memory_space<vmem>>) target(%dma_start3A_113 : memref<10240x128xf32, #tpu.memory_space<vmem_shared>>) offsets(%dma_start3A_110 : memref<128xi32, #tpu.memory_space<vmem>>) semaphore(%arg16 : memref<!tpu.dma_semaphore, #tpu.memory_space<semaphore_mem>>) {add = true}
        %dma_wait3A_114 = arith.constant 0 : i32
        %dma_wait3A_115 = tpu.memref_slice %arg11[%mul3A_101, %dma_wait3A_114] : memref<40x128xi32, #tpu.memory_space<vmem>> -> memref<1x128xi32, #tpu.memory_space<vmem>>
        %dma_wait3A_116 = tpu.memref_squeeze %dma_wait3A_115 : memref<1x128xi32, #tpu.memory_space<vmem>> -> memref<128xi32, #tpu.memory_space<vmem>>
        %dma_wait3A_117 = arith.constant 0 : i32
        %dma_wait3A_118 = arith.constant 0 : i32
        %dma_wait3A_119 = tpu.memref_slice %arg9[%dma_wait3A_117, %dma_wait3A_118] : memref<10240x128xf32, #tpu.memory_space<vmem_shared>> -> memref<10240x128xf32, #tpu.memory_space<vmem_shared>>
        tpu.wait_indirect_dma semaphore(%arg16 : memref<!tpu.dma_semaphore, #tpu.memory_space<semaphore_mem>>) src(%arg12 : memref<128x128xf32, #tpu.memory_space<vmem>>) dst(%dma_wait3A_119 : memref<10240x128xf32, #tpu.memory_space<vmem_shared>>)
        %add3A_120 = arith.constant 2 : i32
        %add3A_121 = arith.addi %mul3A_101, %add3A_120 : i32
        %dma_start3A_122 = arith.constant 0 : i32
        %dma_start3A_123 = tpu.memref_slice %arg10[%add3A_121, %dma_start3A_122] : memref<40x128xi32, #tpu.memory_space<vmem>> -> memref<1x128xi32, #tpu.memory_space<vmem>>
        %dma_start3A_124 = tpu.memref_squeeze %dma_start3A_123 : memref<1x128xi32, #tpu.memory_space<vmem>> -> memref<128xi32, #tpu.memory_space<vmem>>
        %dma_start3A_125 = arith.constant 0 : i32
        %dma_start3A_126 = arith.constant 0 : i32
        %dma_start3A_127 = tpu.memref_slice %arg3[%dma_start3A_125, %dma_start3A_126] : memref<10240x128xf32, #tpu.memory_space<hbm>> -> memref<10240x128xf32, #tpu.memory_space<hbm>>
        tpu.enqueue_indirect_dma source(%dma_start3A_127 : memref<10240x128xf32, #tpu.memory_space<hbm>>) target(%arg12 : memref<128x128xf32, #tpu.memory_space<vmem>>) offsets(%dma_start3A_124 : memref<128xi32, #tpu.memory_space<vmem>>) semaphore(%arg14 : memref<!tpu.dma_semaphore, #tpu.memory_space<semaphore_mem>>)
        %add3A_128 = arith.constant 1 : i32
        %add3A_129 = arith.addi %mul3A_101, %add3A_128 : i32
        %dma_wait3A_130 = arith.constant 0 : i32
        %dma_wait3A_131 = tpu.memref_slice %arg10[%add3A_129, %dma_wait3A_130] : memref<40x128xi32, #tpu.memory_space<vmem>> -> memref<1x128xi32, #tpu.memory_space<vmem>>
        %dma_wait3A_132 = tpu.memref_squeeze %dma_wait3A_131 : memref<1x128xi32, #tpu.memory_space<vmem>> -> memref<128xi32, #tpu.memory_space<vmem>>
        %dma_wait3A_133 = arith.constant 0 : i32
        %dma_wait3A_134 = arith.constant 0 : i32
        %dma_wait3A_135 = tpu.memref_slice %arg3[%dma_wait3A_133, %dma_wait3A_134] : memref<10240x128xf32, #tpu.memory_space<hbm>> -> memref<10240x128xf32, #tpu.memory_space<hbm>>
        tpu.wait_indirect_dma semaphore(%arg15 : memref<!tpu.dma_semaphore, #tpu.memory_space<semaphore_mem>>) src(%dma_wait3A_135 : memref<10240x128xf32, #tpu.memory_space<hbm>>) dst(%arg13 : memref<128x128xf32, #tpu.memory_space<vmem>>)
        %add3A_136 = arith.constant 1 : i32
        %add3A_137 = arith.addi %mul3A_101, %add3A_136 : i32
        %dma_start3A_138 = arith.constant 0 : i32
        %dma_start3A_139 = tpu.memref_slice %arg11[%add3A_137, %dma_start3A_138] : memref<40x128xi32, #tpu.memory_space<vmem>> -> memref<1x128xi32, #tpu.memory_space<vmem>>
        %dma_start3A_140 = tpu.memref_squeeze %dma_start3A_139 : memref<1x128xi32, #tpu.memory_space<vmem>> -> memref<128xi32, #tpu.memory_space<vmem>>
        %dma_start3A_141 = arith.constant 0 : i32
        %dma_start3A_142 = arith.constant 0 : i32
        %dma_start3A_143 = tpu.memref_slice %arg9[%dma_start3A_141, %dma_start3A_142] : memref<10240x128xf32, #tpu.memory_space<vmem_shared>> -> memref<10240x128xf32, #tpu.memory_space<vmem_shared>>
        tpu.enqueue_indirect_dma source(%arg13 : memref<128x128xf32, #tpu.memory_space<vmem>>) target(%dma_start3A_143 : memref<10240x128xf32, #tpu.memory_space<vmem_shared>>) offsets(%dma_start3A_140 : memref<128xi32, #tpu.memory_space<vmem>>) semaphore(%arg17 : memref<!tpu.dma_semaphore, #tpu.memory_space<semaphore_mem>>) {add = true}
        %dma_wait3A_144 = arith.constant 0 : i32
        %dma_wait3A_145 = tpu.memref_slice %arg11[%add3A_137, %dma_wait3A_144] : memref<40x128xi32, #tpu.memory_space<vmem>> -> memref<1x128xi32, #tpu.memory_space<vmem>>
        %dma_wait3A_146 = tpu.memref_squeeze %dma_wait3A_145 : memref<1x128xi32, #tpu.memory_space<vmem>> -> memref<128xi32, #tpu.memory_space<vmem>>
        %dma_wait3A_147 = arith.constant 0 : i32
        %dma_wait3A_148 = arith.constant 0 : i32
        %dma_wait3A_149 = tpu.memref_slice %arg9[%dma_wait3A_147, %dma_wait3A_148] : memref<10240x128xf32, #tpu.memory_space<vmem_shared>> -> memref<10240x128xf32, #tpu.memory_space<vmem_shared>>
        tpu.wait_indirect_dma semaphore(%arg17 : memref<!tpu.dma_semaphore, #tpu.memory_space<semaphore_mem>>) src(%arg13 : memref<128x128xf32, #tpu.memory_space<vmem>>) dst(%dma_wait3A_149 : memref<10240x128xf32, #tpu.memory_space<vmem_shared>>)
        %add3A_150 = arith.constant 3 : i32
        %add3A_151 = arith.addi %mul3A_101, %add3A_150 : i32
        %dma_start3A_152 = arith.constant 0 : i32
        %dma_start3A_153 = tpu.memref_slice %arg10[%add3A_151, %dma_start3A_152] : memref<40x128xi32, #tpu.memory_space<vmem>> -> memref<1x128xi32, #tpu.memory_space<vmem>>
        %dma_start3A_154 = tpu.memref_squeeze %dma_start3A_153 : memref<1x128xi32, #tpu.memory_space<vmem>> -> memref<128xi32, #tpu.memory_space<vmem>>
        %dma_start3A_155 = arith.constant 0 : i32
        %dma_start3A_156 = arith.constant 0 : i32
        %dma_start3A_157 = tpu.memref_slice %arg3[%dma_start3A_155, %dma_start3A_156] : memref<10240x128xf32, #tpu.memory_space<hbm>> -> memref<10240x128xf32, #tpu.memory_space<hbm>>
        tpu.enqueue_indirect_dma source(%dma_start3A_157 : memref<10240x128xf32, #tpu.memory_space<hbm>>) target(%arg13 : memref<128x128xf32, #tpu.memory_space<vmem>>) offsets(%dma_start3A_154 : memref<128xi32, #tpu.memory_space<vmem>>) semaphore(%arg15 : memref<!tpu.dma_semaphore, #tpu.memory_space<semaphore_mem>>)
      }
      %scan3A_53 = arith.constant 19 : i32
      %dma_wait3A = arith.constant 38 : i32
      %dma_wait3A_54 = arith.constant 0 : i32
      %dma_wait3A_55 = tpu.memref_slice %arg10[%dma_wait3A, %dma_wait3A_54] : memref<40x128xi32, #tpu.memory_space<vmem>> -> memref<1x128xi32, #tpu.memory_space<vmem>>
      %dma_wait3A_56 = tpu.memref_squeeze %dma_wait3A_55 : memref<1x128xi32, #tpu.memory_space<vmem>> -> memref<128xi32, #tpu.memory_space<vmem>>
      %dma_wait3A_57 = arith.constant 0 : i32
      %dma_wait3A_58 = arith.constant 0 : i32
      %dma_wait3A_59 = tpu.memref_slice %arg3[%dma_wait3A_57, %dma_wait3A_58] : memref<10240x128xf32, #tpu.memory_space<hbm>> -> memref<10240x128xf32, #tpu.memory_space<hbm>>
      tpu.wait_indirect_dma semaphore(%arg14 : memref<!tpu.dma_semaphore, #tpu.memory_space<semaphore_mem>>) src(%dma_wait3A_59 : memref<10240x128xf32, #tpu.memory_space<hbm>>) dst(%arg12 : memref<128x128xf32, #tpu.memory_space<vmem>>)
      %dma_start3A_60 = arith.constant 38 : i32
      %dma_start3A_61 = arith.constant 0 : i32
      %dma_start3A_62 = tpu.memref_slice %arg11[%dma_start3A_60, %dma_start3A_61] : memref<40x128xi32, #tpu.memory_space<vmem>> -> memref<1x128xi32, #tpu.memory_space<vmem>>
      %dma_start3A_63 = tpu.memref_squeeze %dma_start3A_62 : memref<1x128xi32, #tpu.memory_space<vmem>> -> memref<128xi32, #tpu.memory_space<vmem>>
      %dma_start3A_64 = arith.constant 0 : i32
      %dma_start3A_65 = arith.constant 0 : i32
      %dma_start3A_66 = tpu.memref_slice %arg9[%dma_start3A_64, %dma_start3A_65] : memref<10240x128xf32, #tpu.memory_space<vmem_shared>> -> memref<10240x128xf32, #tpu.memory_space<vmem_shared>>
      tpu.enqueue_indirect_dma source(%arg12 : memref<128x128xf32, #tpu.memory_space<vmem>>) target(%dma_start3A_66 : memref<10240x128xf32, #tpu.memory_space<vmem_shared>>) offsets(%dma_start3A_63 : memref<128xi32, #tpu.memory_space<vmem>>) semaphore(%arg16 : memref<!tpu.dma_semaphore, #tpu.memory_space<semaphore_mem>>) {add = true}
      %dma_wait3A_67 = arith.constant 38 : i32
      %dma_wait3A_68 = arith.constant 0 : i32
      %dma_wait3A_69 = tpu.memref_slice %arg11[%dma_wait3A_67, %dma_wait3A_68] : memref<40x128xi32, #tpu.memory_space<vmem>> -> memref<1x128xi32, #tpu.memory_space<vmem>>
      %dma_wait3A_70 = tpu.memref_squeeze %dma_wait3A_69 : memref<1x128xi32, #tpu.memory_space<vmem>> -> memref<128xi32, #tpu.memory_space<vmem>>
      %dma_wait3A_71 = arith.constant 0 : i32
      %dma_wait3A_72 = arith.constant 0 : i32
      %dma_wait3A_73 = tpu.memref_slice %arg9[%dma_wait3A_71, %dma_wait3A_72] : memref<10240x128xf32, #tpu.memory_space<vmem_shared>> -> memref<10240x128xf32, #tpu.memory_space<vmem_shared>>
      tpu.wait_indirect_dma semaphore(%arg16 : memref<!tpu.dma_semaphore, #tpu.memory_space<semaphore_mem>>) src(%arg12 : memref<128x128xf32, #tpu.memory_space<vmem>>) dst(%dma_wait3A_73 : memref<10240x128xf32, #tpu.memory_space<vmem_shared>>)
      %dma_wait3A_74 = arith.constant 39 : i32
      %dma_wait3A_75 = arith.constant 0 : i32
      %dma_wait3A_76 = tpu.memref_slice %arg10[%dma_wait3A_74, %dma_wait3A_75] : memref<40x128xi32, #tpu.memory_space<vmem>> -> memref<1x128xi32, #tpu.memory_space<vmem>>
      %dma_wait3A_77 = tpu.memref_squeeze %dma_wait3A_76 : memref<1x128xi32, #tpu.memory_space<vmem>> -> memref<128xi32, #tpu.memory_space<vmem>>
      %dma_wait3A_78 = arith.constant 0 : i32
      %dma_wait3A_79 = arith.constant 0 : i32
      %dma_wait3A_80 = tpu.memref_slice %arg3[%dma_wait3A_78, %dma_wait3A_79] : memref<10240x128xf32, #tpu.memory_space<hbm>> -> memref<10240x128xf32, #tpu.memory_space<hbm>>
      tpu.wait_indirect_dma semaphore(%arg15 : memref<!tpu.dma_semaphore, #tpu.memory_space<semaphore_mem>>) src(%dma_wait3A_80 : memref<10240x128xf32, #tpu.memory_space<hbm>>) dst(%arg13 : memref<128x128xf32, #tpu.memory_space<vmem>>)
      %dma_start3A_81 = arith.constant 39 : i32
      %dma_start3A_82 = arith.constant 0 : i32
      %dma_start3A_83 = tpu.memref_slice %arg11[%dma_start3A_81, %dma_start3A_82] : memref<40x128xi32, #tpu.memory_space<vmem>> -> memref<1x128xi32, #tpu.memory_space<vmem>>
      %dma_start3A_84 = tpu.memref_squeeze %dma_start3A_83 : memref<1x128xi32, #tpu.memory_space<vmem>> -> memref<128xi32, #tpu.memory_space<vmem>>
      %dma_start3A_85 = arith.constant 0 : i32
      %dma_start3A_86 = arith.constant 0 : i32
      %dma_start3A_87 = tpu.memref_slice %arg9[%dma_start3A_85, %dma_start3A_86] : memref<10240x128xf32, #tpu.memory_space<vmem_shared>> -> memref<10240x128xf32, #tpu.memory_space<vmem_shared>>
      tpu.enqueue_indirect_dma source(%arg13 : memref<128x128xf32, #tpu.memory_space<vmem>>) target(%dma_start3A_87 : memref<10240x128xf32, #tpu.memory_space<vmem_shared>>) offsets(%dma_start3A_84 : memref<128xi32, #tpu.memory_space<vmem>>) semaphore(%arg17 : memref<!tpu.dma_semaphore, #tpu.memory_space<semaphore_mem>>) {add = true}
      %dma_wait3A_88 = arith.constant 39 : i32
      %dma_wait3A_89 = arith.constant 0 : i32
      %dma_wait3A_90 = tpu.memref_slice %arg11[%dma_wait3A_88, %dma_wait3A_89] : memref<40x128xi32, #tpu.memory_space<vmem>> -> memref<1x128xi32, #tpu.memory_space<vmem>>
      %dma_wait3A_91 = tpu.memref_squeeze %dma_wait3A_90 : memref<1x128xi32, #tpu.memory_space<vmem>> -> memref<128xi32, #tpu.memory_space<vmem>>
      %dma_wait3A_92 = arith.constant 0 : i32
      %dma_wait3A_93 = arith.constant 0 : i32
      %dma_wait3A_94 = tpu.memref_slice %arg9[%dma_wait3A_92, %dma_wait3A_93] : memref<10240x128xf32, #tpu.memory_space<vmem_shared>> -> memref<10240x128xf32, #tpu.memory_space<vmem_shared>>
      tpu.wait_indirect_dma semaphore(%arg17 : memref<!tpu.dma_semaphore, #tpu.memory_space<semaphore_mem>>) src(%arg13 : memref<128x128xf32, #tpu.memory_space<vmem>>) dst(%dma_wait3A_94 : memref<10240x128xf32, #tpu.memory_space<vmem_shared>>)
    }
    %scan3A_20 = arith.constant 2 : i32
    %barrier3A_21 = arith.constant 0 : index
    tpu.barrier barrier_id(%barrier3A_21)
    %mul3A_22 = arith.constant 640 : i32
    %mul3A_23 = arith.muli %arg1, %mul3A_22 : i32
    %mul3A_24 = arith.constant 640 : i32
    %mul3A_25 = arith.muli %arg1, %mul3A_24 : i32
    "tpu.region"() ({
      %run_scoped3A = tpu.sem_alloc : memref<!tpu.dma_semaphore, #tpu.memory_space<semaphore_mem>>
      %dma_start3A = arith.constant 0 : i32
      %dma_start3A_27 = tpu.memref_slice %arg8[%arg0, %mul3A_25, %dma_start3A] : memref<2x10240x128xf32, #tpu.memory_space<hbm>> -> memref<1x640x128xf32, #tpu.memory_space<hbm>>
      %dma_start3A_28 = tpu.memref_squeeze %dma_start3A_27 : memref<1x640x128xf32, #tpu.memory_space<hbm>> -> memref<640x128xf32, #tpu.memory_space<hbm>>
      %dma_start3A_29 = arith.constant 0 : i32
      %dma_start3A_30 = tpu.memref_slice %arg9[%mul3A_23, %dma_start3A_29] : memref<10240x128xf32, #tpu.memory_space<vmem_shared>> -> memref<640x128xf32, #tpu.memory_space<vmem_shared>>
      tpu.enqueue_dma source(%dma_start3A_30 : memref<640x128xf32, #tpu.memory_space<vmem_shared>>) target(%dma_start3A_28 : memref<640x128xf32, #tpu.memory_space<hbm>>) target_semaphore(%run_scoped3A : memref<!tpu.dma_semaphore, #tpu.memory_space<semaphore_mem>>)
      %dma_wait3A = arith.constant 0 : i32
      %dma_wait3A_31 = tpu.memref_slice %arg8[%arg0, %mul3A_25, %dma_wait3A] : memref<2x10240x128xf32, #tpu.memory_space<hbm>> -> memref<1x640x128xf32, #tpu.memory_space<hbm>>
      %dma_wait3A_32 = tpu.memref_squeeze %dma_wait3A_31 : memref<1x640x128xf32, #tpu.memory_space<hbm>> -> memref<640x128xf32, #tpu.memory_space<hbm>>
      %dma_wait3A_33 = arith.constant 0 : i32
      %dma_wait3A_34 = tpu.memref_slice %arg9[%mul3A_23, %dma_wait3A_33] : memref<10240x128xf32, #tpu.memory_space<vmem_shared>> -> memref<640x128xf32, #tpu.memory_space<vmem_shared>>
      tpu.wait_dma2 semaphore(%run_scoped3A : memref<!tpu.dma_semaphore, #tpu.memory_space<semaphore_mem>>) src(%dma_wait3A_34 : memref<640x128xf32, #tpu.memory_space<vmem_shared>>) dst(%dma_wait3A_32 : memref<640x128xf32, #tpu.memory_space<hbm>>)
      tpu.yield
    }) : () -> ()
    %barrier3A_26 = arith.constant 0 : index
    tpu.barrier barrier_id(%barrier3A_26)
    return
  }
}

#map = affine_map<(d0, d1) -> (0, 0)>
#map1 = affine_map<(d0, d1) -> (0, 0, 0)>
module attributes {stable_mosaic.version = 14 : i64} {
  func.func @body(%arg0: i32, %arg1: i32, %arg2: memref<10240x128xf32, #tpu.memory_space<hbm>>, %arg3: memref<32x80x128xi32, #tpu.memory_space<hbm>>, %arg4: memref<32x80x128xi32, #tpu.memory_space<hbm>>, %arg5: memref<640x128xf32, #tpu.memory_space<hbm>>, %arg6: memref<2x10240x128xf32, #tpu.memory_space<hbm>>, %arg7: memref<10240x128xf32, #tpu.memory_space<vmem_shared>>, %arg8: memref<40x128xi32, #tpu.memory_space<vmem>>, %arg9: memref<40x128xi32, #tpu.memory_space<vmem>>, %arg10: memref<128x128xf32, #tpu.memory_space<vmem>>, %arg11: memref<128x128xf32, #tpu.memory_space<vmem>>, %arg12: memref<!tpu.dma_semaphore, #tpu.memory_space<semaphore_mem>>, %arg13: memref<!tpu.dma_semaphore, #tpu.memory_space<semaphore_mem>>, %arg14: memref<!tpu.dma_semaphore, #tpu.memory_space<semaphore_mem>>, %arg15: memref<!tpu.dma_semaphore, #tpu.memory_space<semaphore_mem>>) attributes {dimension_semantics = [#tpu.dimension_semantics<core_parallel>, #tpu.dimension_semantics<subcore_parallel>], iteration_bounds = array<i64: 2, 16>, scalar_prefetch = 0 : i64, scratch_operands = 9 : i64, tpu.core_type = #tpu.core_type<sc_vector_subcore>, window_params = [{transform_indices = #map}, {transform_indices = #map1}, {transform_indices = #map1}, {transform_indices = #map}, {transform_indices = #map1}]} {
    %mul3A = arith.constant 16 : i32
    %mul3A_0 = arith.muli %arg0, %mul3A : i32
    %add3A = arith.addi %mul3A_0, %arg1 : i32
    %mul3A_1 = arith.constant 640 : i32
    %mul3A_2 = arith.muli %arg1, %mul3A_1 : i32
    "tpu.region"() ({
      %run_scoped3A = tpu.sem_alloc : memref<!tpu.dma_semaphore, #tpu.memory_space<semaphore_mem>>
      %dma_start3A = arith.constant 0 : i32
      %dma_start3A_13 = tpu.memref_slice %arg7[%mul3A_2, %dma_start3A] : memref<10240x128xf32, #tpu.memory_space<vmem_shared>> -> memref<640x128xf32, #tpu.memory_space<vmem_shared>>
      tpu.enqueue_dma source(%arg5 : memref<640x128xf32, #tpu.memory_space<hbm>>) target(%dma_start3A_13 : memref<640x128xf32, #tpu.memory_space<vmem_shared>>) target_semaphore(%run_scoped3A : memref<!tpu.dma_semaphore, #tpu.memory_space<semaphore_mem>>)
      %dma_wait3A = arith.constant 0 : i32
      %dma_wait3A_14 = tpu.memref_slice %arg7[%mul3A_2, %dma_wait3A] : memref<10240x128xf32, #tpu.memory_space<vmem_shared>> -> memref<640x128xf32, #tpu.memory_space<vmem_shared>>
      tpu.wait_dma2 semaphore(%run_scoped3A : memref<!tpu.dma_semaphore, #tpu.memory_space<semaphore_mem>>) src(%arg5 : memref<640x128xf32, #tpu.memory_space<hbm>>) dst(%dma_wait3A_14 : memref<640x128xf32, #tpu.memory_space<vmem_shared>>)
      tpu.yield
    }) : () -> ()
    %barrier3A = arith.constant 0 : index
    tpu.barrier barrier_id(%barrier3A)
    %scan3A = arith.constant 0 : i32
    %scan3A_3 = arith.constant 2 : i32
    %scan3A_4 = arith.addi %scan3A, %scan3A_3 : i32
    %scan3A_5 = arith.constant 1 : i32
    scf.for %scan3A_13 = %scan3A to %scan3A_4 step %scan3A_5  : i32 {
      %mul3A_14 = arith.constant 1 : i32
      %mul3A_15 = arith.muli %scan3A_13, %mul3A_14 : i32
      %add3A_16 = arith.constant 0 : i32
      %add3A_17 = arith.addi %add3A_16, %mul3A_15 : i32
      %mul3A_18 = arith.constant 40 : i32
      %mul3A_19 = arith.muli %add3A_17, %mul3A_18 : i32
      "tpu.region"() ({
        %run_scoped3A = tpu.sem_alloc : memref<!tpu.dma_semaphore, #tpu.memory_space<semaphore_mem>>
        %dma_start3A_81 = arith.constant 0 : i32
        %dma_start3A_82 = tpu.memref_slice %arg3[%add3A, %mul3A_19, %dma_start3A_81] : memref<32x80x128xi32, #tpu.memory_space<hbm>> -> memref<1x40x128xi32, #tpu.memory_space<hbm>>
        %dma_start3A_83 = tpu.memref_squeeze %dma_start3A_82 : memref<1x40x128xi32, #tpu.memory_space<hbm>> -> memref<40x128xi32, #tpu.memory_space<hbm>>
        %dma_start3A_84 = arith.constant 0 : i32
        %dma_start3A_85 = tpu.memref_slice %arg3[%add3A, %mul3A_19, %dma_start3A_84] : memref<32x80x128xi32, #tpu.memory_space<hbm>> -> memref<1x40x128xi32, #tpu.memory_space<hbm>>
        %dma_start3A_86 = tpu.memref_squeeze %dma_start3A_85 : memref<1x40x128xi32, #tpu.memory_space<hbm>> -> memref<40x128xi32, #tpu.memory_space<hbm>>
        tpu.enqueue_dma source(%dma_start3A_86 : memref<40x128xi32, #tpu.memory_space<hbm>>) target(%arg8 : memref<40x128xi32, #tpu.memory_space<vmem>>) target_semaphore(%run_scoped3A : memref<!tpu.dma_semaphore, #tpu.memory_space<semaphore_mem>>)
        %dma_wait3A_87 = arith.constant 0 : i32
        %dma_wait3A_88 = tpu.memref_slice %arg3[%add3A, %mul3A_19, %dma_wait3A_87] : memref<32x80x128xi32, #tpu.memory_space<hbm>> -> memref<1x40x128xi32, #tpu.memory_space<hbm>>
        %dma_wait3A_89 = tpu.memref_squeeze %dma_wait3A_88 : memref<1x40x128xi32, #tpu.memory_space<hbm>> -> memref<40x128xi32, #tpu.memory_space<hbm>>
        %dma_wait3A_90 = arith.constant 0 : i32
        %dma_wait3A_91 = tpu.memref_slice %arg3[%add3A, %mul3A_19, %dma_wait3A_90] : memref<32x80x128xi32, #tpu.memory_space<hbm>> -> memref<1x40x128xi32, #tpu.memory_space<hbm>>
        %dma_wait3A_92 = tpu.memref_squeeze %dma_wait3A_91 : memref<1x40x128xi32, #tpu.memory_space<hbm>> -> memref<40x128xi32, #tpu.memory_space<hbm>>
        tpu.wait_dma2 semaphore(%run_scoped3A : memref<!tpu.dma_semaphore, #tpu.memory_space<semaphore_mem>>) src(%dma_wait3A_92 : memref<40x128xi32, #tpu.memory_space<hbm>>) dst(%arg8 : memref<40x128xi32, #tpu.memory_space<vmem>>)
        tpu.yield
      }) : () -> ()
      %mul3A_20 = arith.constant 40 : i32
      %mul3A_21 = arith.muli %add3A_17, %mul3A_20 : i32
      "tpu.region"() ({
        %run_scoped3A = tpu.sem_alloc : memref<!tpu.dma_semaphore, #tpu.memory_space<semaphore_mem>>
        %dma_start3A_81 = arith.constant 0 : i32
        %dma_start3A_82 = tpu.memref_slice %arg4[%add3A, %mul3A_21, %dma_start3A_81] : memref<32x80x128xi32, #tpu.memory_space<hbm>> -> memref<1x40x128xi32, #tpu.memory_space<hbm>>
        %dma_start3A_83 = tpu.memref_squeeze %dma_start3A_82 : memref<1x40x128xi32, #tpu.memory_space<hbm>> -> memref<40x128xi32, #tpu.memory_space<hbm>>
        %dma_start3A_84 = arith.constant 0 : i32
        %dma_start3A_85 = tpu.memref_slice %arg4[%add3A, %mul3A_21, %dma_start3A_84] : memref<32x80x128xi32, #tpu.memory_space<hbm>> -> memref<1x40x128xi32, #tpu.memory_space<hbm>>
        %dma_start3A_86 = tpu.memref_squeeze %dma_start3A_85 : memref<1x40x128xi32, #tpu.memory_space<hbm>> -> memref<40x128xi32, #tpu.memory_space<hbm>>
        tpu.enqueue_dma source(%dma_start3A_86 : memref<40x128xi32, #tpu.memory_space<hbm>>) target(%arg9 : memref<40x128xi32, #tpu.memory_space<vmem>>) target_semaphore(%run_scoped3A : memref<!tpu.dma_semaphore, #tpu.memory_space<semaphore_mem>>)
        %dma_wait3A_87 = arith.constant 0 : i32
        %dma_wait3A_88 = tpu.memref_slice %arg4[%add3A, %mul3A_21, %dma_wait3A_87] : memref<32x80x128xi32, #tpu.memory_space<hbm>> -> memref<1x40x128xi32, #tpu.memory_space<hbm>>
        %dma_wait3A_89 = tpu.memref_squeeze %dma_wait3A_88 : memref<1x40x128xi32, #tpu.memory_space<hbm>> -> memref<40x128xi32, #tpu.memory_space<hbm>>
        %dma_wait3A_90 = arith.constant 0 : i32
        %dma_wait3A_91 = tpu.memref_slice %arg4[%add3A, %mul3A_21, %dma_wait3A_90] : memref<32x80x128xi32, #tpu.memory_space<hbm>> -> memref<1x40x128xi32, #tpu.memory_space<hbm>>
        %dma_wait3A_92 = tpu.memref_squeeze %dma_wait3A_91 : memref<1x40x128xi32, #tpu.memory_space<hbm>> -> memref<40x128xi32, #tpu.memory_space<hbm>>
        tpu.wait_dma2 semaphore(%run_scoped3A : memref<!tpu.dma_semaphore, #tpu.memory_space<semaphore_mem>>) src(%dma_wait3A_92 : memref<40x128xi32, #tpu.memory_space<hbm>>) dst(%arg9 : memref<40x128xi32, #tpu.memory_space<vmem>>)
        tpu.yield
      }) : () -> ()
      %dma_start3A = arith.constant 0 : i32
      %dma_start3A_22 = arith.constant 0 : i32
      %dma_start3A_23 = tpu.memref_slice %arg8[%dma_start3A, %dma_start3A_22] : memref<40x128xi32, #tpu.memory_space<vmem>> -> memref<1x128xi32, #tpu.memory_space<vmem>>
      %dma_start3A_24 = tpu.memref_squeeze %dma_start3A_23 : memref<1x128xi32, #tpu.memory_space<vmem>> -> memref<128xi32, #tpu.memory_space<vmem>>
      %dma_start3A_25 = arith.constant 0 : i32
      %dma_start3A_26 = arith.constant 0 : i32
      %dma_start3A_27 = tpu.memref_slice %arg2[%dma_start3A_25, %dma_start3A_26] : memref<10240x128xf32, #tpu.memory_space<hbm>> -> memref<10240x128xf32, #tpu.memory_space<hbm>>
      tpu.enqueue_indirect_dma source(%dma_start3A_27 : memref<10240x128xf32, #tpu.memory_space<hbm>>) target(%arg10 : memref<128x128xf32, #tpu.memory_space<vmem>>) offsets(%dma_start3A_24 : memref<128xi32, #tpu.memory_space<vmem>>) semaphore(%arg12 : memref<!tpu.dma_semaphore, #tpu.memory_space<semaphore_mem>>)
      %dma_start3A_28 = arith.constant 1 : i32
      %dma_start3A_29 = arith.constant 0 : i32
      %dma_start3A_30 = tpu.memref_slice %arg8[%dma_start3A_28, %dma_start3A_29] : memref<40x128xi32, #tpu.memory_space<vmem>> -> memref<1x128xi32, #tpu.memory_space<vmem>>
      %dma_start3A_31 = tpu.memref_squeeze %dma_start3A_30 : memref<1x128xi32, #tpu.memory_space<vmem>> -> memref<128xi32, #tpu.memory_space<vmem>>
      %dma_start3A_32 = arith.constant 0 : i32
      %dma_start3A_33 = arith.constant 0 : i32
      %dma_start3A_34 = tpu.memref_slice %arg2[%dma_start3A_32, %dma_start3A_33] : memref<10240x128xf32, #tpu.memory_space<hbm>> -> memref<10240x128xf32, #tpu.memory_space<hbm>>
      tpu.enqueue_indirect_dma source(%dma_start3A_34 : memref<10240x128xf32, #tpu.memory_space<hbm>>) target(%arg11 : memref<128x128xf32, #tpu.memory_space<vmem>>) offsets(%dma_start3A_31 : memref<128xi32, #tpu.memory_space<vmem>>) semaphore(%arg13 : memref<!tpu.dma_semaphore, #tpu.memory_space<semaphore_mem>>)
      %scan3A_35 = arith.constant 0 : i32
      %scan3A_36 = arith.constant 19 : i32
      %scan3A_37 = arith.addi %scan3A_35, %scan3A_36 : i32
      %scan3A_38 = arith.constant 1 : i32
      scf.for %scan3A_81 = %scan3A_35 to %scan3A_37 step %scan3A_38  : i32 {
        %mul3A_82 = arith.constant 1 : i32
        %mul3A_83 = arith.muli %scan3A_81, %mul3A_82 : i32
        %add3A_84 = arith.constant 0 : i32
        %add3A_85 = arith.addi %add3A_84, %mul3A_83 : i32
        %mul3A_86 = arith.constant 2 : i32
        %mul3A_87 = arith.muli %add3A_85, %mul3A_86 : i32
        %dma_wait3A_88 = arith.constant 0 : i32
        %dma_wait3A_89 = tpu.memref_slice %arg8[%mul3A_87, %dma_wait3A_88] : memref<40x128xi32, #tpu.memory_space<vmem>> -> memref<1x128xi32, #tpu.memory_space<vmem>>
        %dma_wait3A_90 = tpu.memref_squeeze %dma_wait3A_89 : memref<1x128xi32, #tpu.memory_space<vmem>> -> memref<128xi32, #tpu.memory_space<vmem>>
        %dma_wait3A_91 = arith.constant 0 : i32
        %dma_wait3A_92 = arith.constant 0 : i32
        %dma_wait3A_93 = tpu.memref_slice %arg2[%dma_wait3A_91, %dma_wait3A_92] : memref<10240x128xf32, #tpu.memory_space<hbm>> -> memref<10240x128xf32, #tpu.memory_space<hbm>>
        tpu.wait_indirect_dma semaphore(%arg12 : memref<!tpu.dma_semaphore, #tpu.memory_space<semaphore_mem>>) src(%dma_wait3A_93 : memref<10240x128xf32, #tpu.memory_space<hbm>>) dst(%arg10 : memref<128x128xf32, #tpu.memory_space<vmem>>)
        %dma_start3A_94 = arith.constant 0 : i32
        %dma_start3A_95 = tpu.memref_slice %arg9[%mul3A_87, %dma_start3A_94] : memref<40x128xi32, #tpu.memory_space<vmem>> -> memref<1x128xi32, #tpu.memory_space<vmem>>
        %dma_start3A_96 = tpu.memref_squeeze %dma_start3A_95 : memref<1x128xi32, #tpu.memory_space<vmem>> -> memref<128xi32, #tpu.memory_space<vmem>>
        %dma_start3A_97 = arith.constant 0 : i32
        %dma_start3A_98 = arith.constant 0 : i32
        %dma_start3A_99 = tpu.memref_slice %arg7[%dma_start3A_97, %dma_start3A_98] : memref<10240x128xf32, #tpu.memory_space<vmem_shared>> -> memref<10240x128xf32, #tpu.memory_space<vmem_shared>>
        tpu.enqueue_indirect_dma source(%arg10 : memref<128x128xf32, #tpu.memory_space<vmem>>) target(%dma_start3A_99 : memref<10240x128xf32, #tpu.memory_space<vmem_shared>>) offsets(%dma_start3A_96 : memref<128xi32, #tpu.memory_space<vmem>>) semaphore(%arg14 : memref<!tpu.dma_semaphore, #tpu.memory_space<semaphore_mem>>) {add = true}
        %dma_wait3A_100 = arith.constant 0 : i32
        %dma_wait3A_101 = tpu.memref_slice %arg9[%mul3A_87, %dma_wait3A_100] : memref<40x128xi32, #tpu.memory_space<vmem>> -> memref<1x128xi32, #tpu.memory_space<vmem>>
        %dma_wait3A_102 = tpu.memref_squeeze %dma_wait3A_101 : memref<1x128xi32, #tpu.memory_space<vmem>> -> memref<128xi32, #tpu.memory_space<vmem>>
        %dma_wait3A_103 = arith.constant 0 : i32
        %dma_wait3A_104 = arith.constant 0 : i32
        %dma_wait3A_105 = tpu.memref_slice %arg7[%dma_wait3A_103, %dma_wait3A_104] : memref<10240x128xf32, #tpu.memory_space<vmem_shared>> -> memref<10240x128xf32, #tpu.memory_space<vmem_shared>>
        tpu.wait_indirect_dma semaphore(%arg14 : memref<!tpu.dma_semaphore, #tpu.memory_space<semaphore_mem>>) src(%arg10 : memref<128x128xf32, #tpu.memory_space<vmem>>) dst(%dma_wait3A_105 : memref<10240x128xf32, #tpu.memory_space<vmem_shared>>)
        %add3A_106 = arith.constant 2 : i32
        %add3A_107 = arith.addi %mul3A_87, %add3A_106 : i32
        %dma_start3A_108 = arith.constant 0 : i32
        %dma_start3A_109 = tpu.memref_slice %arg8[%add3A_107, %dma_start3A_108] : memref<40x128xi32, #tpu.memory_space<vmem>> -> memref<1x128xi32, #tpu.memory_space<vmem>>
        %dma_start3A_110 = tpu.memref_squeeze %dma_start3A_109 : memref<1x128xi32, #tpu.memory_space<vmem>> -> memref<128xi32, #tpu.memory_space<vmem>>
        %dma_start3A_111 = arith.constant 0 : i32
        %dma_start3A_112 = arith.constant 0 : i32
        %dma_start3A_113 = tpu.memref_slice %arg2[%dma_start3A_111, %dma_start3A_112] : memref<10240x128xf32, #tpu.memory_space<hbm>> -> memref<10240x128xf32, #tpu.memory_space<hbm>>
        tpu.enqueue_indirect_dma source(%dma_start3A_113 : memref<10240x128xf32, #tpu.memory_space<hbm>>) target(%arg10 : memref<128x128xf32, #tpu.memory_space<vmem>>) offsets(%dma_start3A_110 : memref<128xi32, #tpu.memory_space<vmem>>) semaphore(%arg12 : memref<!tpu.dma_semaphore, #tpu.memory_space<semaphore_mem>>)
        %add3A_114 = arith.constant 1 : i32
        %add3A_115 = arith.addi %mul3A_87, %add3A_114 : i32
        %dma_wait3A_116 = arith.constant 0 : i32
        %dma_wait3A_117 = tpu.memref_slice %arg8[%add3A_115, %dma_wait3A_116] : memref<40x128xi32, #tpu.memory_space<vmem>> -> memref<1x128xi32, #tpu.memory_space<vmem>>
        %dma_wait3A_118 = tpu.memref_squeeze %dma_wait3A_117 : memref<1x128xi32, #tpu.memory_space<vmem>> -> memref<128xi32, #tpu.memory_space<vmem>>
        %dma_wait3A_119 = arith.constant 0 : i32
        %dma_wait3A_120 = arith.constant 0 : i32
        %dma_wait3A_121 = tpu.memref_slice %arg2[%dma_wait3A_119, %dma_wait3A_120] : memref<10240x128xf32, #tpu.memory_space<hbm>> -> memref<10240x128xf32, #tpu.memory_space<hbm>>
        tpu.wait_indirect_dma semaphore(%arg13 : memref<!tpu.dma_semaphore, #tpu.memory_space<semaphore_mem>>) src(%dma_wait3A_121 : memref<10240x128xf32, #tpu.memory_space<hbm>>) dst(%arg11 : memref<128x128xf32, #tpu.memory_space<vmem>>)
        %add3A_122 = arith.constant 1 : i32
        %add3A_123 = arith.addi %mul3A_87, %add3A_122 : i32
        %dma_start3A_124 = arith.constant 0 : i32
        %dma_start3A_125 = tpu.memref_slice %arg9[%add3A_123, %dma_start3A_124] : memref<40x128xi32, #tpu.memory_space<vmem>> -> memref<1x128xi32, #tpu.memory_space<vmem>>
        %dma_start3A_126 = tpu.memref_squeeze %dma_start3A_125 : memref<1x128xi32, #tpu.memory_space<vmem>> -> memref<128xi32, #tpu.memory_space<vmem>>
        %dma_start3A_127 = arith.constant 0 : i32
        %dma_start3A_128 = arith.constant 0 : i32
        %dma_start3A_129 = tpu.memref_slice %arg7[%dma_start3A_127, %dma_start3A_128] : memref<10240x128xf32, #tpu.memory_space<vmem_shared>> -> memref<10240x128xf32, #tpu.memory_space<vmem_shared>>
        tpu.enqueue_indirect_dma source(%arg11 : memref<128x128xf32, #tpu.memory_space<vmem>>) target(%dma_start3A_129 : memref<10240x128xf32, #tpu.memory_space<vmem_shared>>) offsets(%dma_start3A_126 : memref<128xi32, #tpu.memory_space<vmem>>) semaphore(%arg15 : memref<!tpu.dma_semaphore, #tpu.memory_space<semaphore_mem>>) {add = true}
        %dma_wait3A_130 = arith.constant 0 : i32
        %dma_wait3A_131 = tpu.memref_slice %arg9[%add3A_123, %dma_wait3A_130] : memref<40x128xi32, #tpu.memory_space<vmem>> -> memref<1x128xi32, #tpu.memory_space<vmem>>
        %dma_wait3A_132 = tpu.memref_squeeze %dma_wait3A_131 : memref<1x128xi32, #tpu.memory_space<vmem>> -> memref<128xi32, #tpu.memory_space<vmem>>
        %dma_wait3A_133 = arith.constant 0 : i32
        %dma_wait3A_134 = arith.constant 0 : i32
        %dma_wait3A_135 = tpu.memref_slice %arg7[%dma_wait3A_133, %dma_wait3A_134] : memref<10240x128xf32, #tpu.memory_space<vmem_shared>> -> memref<10240x128xf32, #tpu.memory_space<vmem_shared>>
        tpu.wait_indirect_dma semaphore(%arg15 : memref<!tpu.dma_semaphore, #tpu.memory_space<semaphore_mem>>) src(%arg11 : memref<128x128xf32, #tpu.memory_space<vmem>>) dst(%dma_wait3A_135 : memref<10240x128xf32, #tpu.memory_space<vmem_shared>>)
        %add3A_136 = arith.constant 3 : i32
        %add3A_137 = arith.addi %mul3A_87, %add3A_136 : i32
        %dma_start3A_138 = arith.constant 0 : i32
        %dma_start3A_139 = tpu.memref_slice %arg8[%add3A_137, %dma_start3A_138] : memref<40x128xi32, #tpu.memory_space<vmem>> -> memref<1x128xi32, #tpu.memory_space<vmem>>
        %dma_start3A_140 = tpu.memref_squeeze %dma_start3A_139 : memref<1x128xi32, #tpu.memory_space<vmem>> -> memref<128xi32, #tpu.memory_space<vmem>>
        %dma_start3A_141 = arith.constant 0 : i32
        %dma_start3A_142 = arith.constant 0 : i32
        %dma_start3A_143 = tpu.memref_slice %arg2[%dma_start3A_141, %dma_start3A_142] : memref<10240x128xf32, #tpu.memory_space<hbm>> -> memref<10240x128xf32, #tpu.memory_space<hbm>>
        tpu.enqueue_indirect_dma source(%dma_start3A_143 : memref<10240x128xf32, #tpu.memory_space<hbm>>) target(%arg11 : memref<128x128xf32, #tpu.memory_space<vmem>>) offsets(%dma_start3A_140 : memref<128xi32, #tpu.memory_space<vmem>>) semaphore(%arg13 : memref<!tpu.dma_semaphore, #tpu.memory_space<semaphore_mem>>)
      }
      %scan3A_39 = arith.constant 19 : i32
      %dma_wait3A = arith.constant 38 : i32
      %dma_wait3A_40 = arith.constant 0 : i32
      %dma_wait3A_41 = tpu.memref_slice %arg8[%dma_wait3A, %dma_wait3A_40] : memref<40x128xi32, #tpu.memory_space<vmem>> -> memref<1x128xi32, #tpu.memory_space<vmem>>
      %dma_wait3A_42 = tpu.memref_squeeze %dma_wait3A_41 : memref<1x128xi32, #tpu.memory_space<vmem>> -> memref<128xi32, #tpu.memory_space<vmem>>
      %dma_wait3A_43 = arith.constant 0 : i32
      %dma_wait3A_44 = arith.constant 0 : i32
      %dma_wait3A_45 = tpu.memref_slice %arg2[%dma_wait3A_43, %dma_wait3A_44] : memref<10240x128xf32, #tpu.memory_space<hbm>> -> memref<10240x128xf32, #tpu.memory_space<hbm>>
      tpu.wait_indirect_dma semaphore(%arg12 : memref<!tpu.dma_semaphore, #tpu.memory_space<semaphore_mem>>) src(%dma_wait3A_45 : memref<10240x128xf32, #tpu.memory_space<hbm>>) dst(%arg10 : memref<128x128xf32, #tpu.memory_space<vmem>>)
      %dma_start3A_46 = arith.constant 38 : i32
      %dma_start3A_47 = arith.constant 0 : i32
      %dma_start3A_48 = tpu.memref_slice %arg9[%dma_start3A_46, %dma_start3A_47] : memref<40x128xi32, #tpu.memory_space<vmem>> -> memref<1x128xi32, #tpu.memory_space<vmem>>
      %dma_start3A_49 = tpu.memref_squeeze %dma_start3A_48 : memref<1x128xi32, #tpu.memory_space<vmem>> -> memref<128xi32, #tpu.memory_space<vmem>>
      %dma_start3A_50 = arith.constant 0 : i32
      %dma_start3A_51 = arith.constant 0 : i32
      %dma_start3A_52 = tpu.memref_slice %arg7[%dma_start3A_50, %dma_start3A_51] : memref<10240x128xf32, #tpu.memory_space<vmem_shared>> -> memref<10240x128xf32, #tpu.memory_space<vmem_shared>>
      tpu.enqueue_indirect_dma source(%arg10 : memref<128x128xf32, #tpu.memory_space<vmem>>) target(%dma_start3A_52 : memref<10240x128xf32, #tpu.memory_space<vmem_shared>>) offsets(%dma_start3A_49 : memref<128xi32, #tpu.memory_space<vmem>>) semaphore(%arg14 : memref<!tpu.dma_semaphore, #tpu.memory_space<semaphore_mem>>) {add = true}
      %dma_wait3A_53 = arith.constant 38 : i32
      %dma_wait3A_54 = arith.constant 0 : i32
      %dma_wait3A_55 = tpu.memref_slice %arg9[%dma_wait3A_53, %dma_wait3A_54] : memref<40x128xi32, #tpu.memory_space<vmem>> -> memref<1x128xi32, #tpu.memory_space<vmem>>
      %dma_wait3A_56 = tpu.memref_squeeze %dma_wait3A_55 : memref<1x128xi32, #tpu.memory_space<vmem>> -> memref<128xi32, #tpu.memory_space<vmem>>
      %dma_wait3A_57 = arith.constant 0 : i32
      %dma_wait3A_58 = arith.constant 0 : i32
      %dma_wait3A_59 = tpu.memref_slice %arg7[%dma_wait3A_57, %dma_wait3A_58] : memref<10240x128xf32, #tpu.memory_space<vmem_shared>> -> memref<10240x128xf32, #tpu.memory_space<vmem_shared>>
      tpu.wait_indirect_dma semaphore(%arg14 : memref<!tpu.dma_semaphore, #tpu.memory_space<semaphore_mem>>) src(%arg10 : memref<128x128xf32, #tpu.memory_space<vmem>>) dst(%dma_wait3A_59 : memref<10240x128xf32, #tpu.memory_space<vmem_shared>>)
      %dma_wait3A_60 = arith.constant 39 : i32
      %dma_wait3A_61 = arith.constant 0 : i32
      %dma_wait3A_62 = tpu.memref_slice %arg8[%dma_wait3A_60, %dma_wait3A_61] : memref<40x128xi32, #tpu.memory_space<vmem>> -> memref<1x128xi32, #tpu.memory_space<vmem>>
      %dma_wait3A_63 = tpu.memref_squeeze %dma_wait3A_62 : memref<1x128xi32, #tpu.memory_space<vmem>> -> memref<128xi32, #tpu.memory_space<vmem>>
      %dma_wait3A_64 = arith.constant 0 : i32
      %dma_wait3A_65 = arith.constant 0 : i32
      %dma_wait3A_66 = tpu.memref_slice %arg2[%dma_wait3A_64, %dma_wait3A_65] : memref<10240x128xf32, #tpu.memory_space<hbm>> -> memref<10240x128xf32, #tpu.memory_space<hbm>>
      tpu.wait_indirect_dma semaphore(%arg13 : memref<!tpu.dma_semaphore, #tpu.memory_space<semaphore_mem>>) src(%dma_wait3A_66 : memref<10240x128xf32, #tpu.memory_space<hbm>>) dst(%arg11 : memref<128x128xf32, #tpu.memory_space<vmem>>)
      %dma_start3A_67 = arith.constant 39 : i32
      %dma_start3A_68 = arith.constant 0 : i32
      %dma_start3A_69 = tpu.memref_slice %arg9[%dma_start3A_67, %dma_start3A_68] : memref<40x128xi32, #tpu.memory_space<vmem>> -> memref<1x128xi32, #tpu.memory_space<vmem>>
      %dma_start3A_70 = tpu.memref_squeeze %dma_start3A_69 : memref<1x128xi32, #tpu.memory_space<vmem>> -> memref<128xi32, #tpu.memory_space<vmem>>
      %dma_start3A_71 = arith.constant 0 : i32
      %dma_start3A_72 = arith.constant 0 : i32
      %dma_start3A_73 = tpu.memref_slice %arg7[%dma_start3A_71, %dma_start3A_72] : memref<10240x128xf32, #tpu.memory_space<vmem_shared>> -> memref<10240x128xf32, #tpu.memory_space<vmem_shared>>
      tpu.enqueue_indirect_dma source(%arg11 : memref<128x128xf32, #tpu.memory_space<vmem>>) target(%dma_start3A_73 : memref<10240x128xf32, #tpu.memory_space<vmem_shared>>) offsets(%dma_start3A_70 : memref<128xi32, #tpu.memory_space<vmem>>) semaphore(%arg15 : memref<!tpu.dma_semaphore, #tpu.memory_space<semaphore_mem>>) {add = true}
      %dma_wait3A_74 = arith.constant 39 : i32
      %dma_wait3A_75 = arith.constant 0 : i32
      %dma_wait3A_76 = tpu.memref_slice %arg9[%dma_wait3A_74, %dma_wait3A_75] : memref<40x128xi32, #tpu.memory_space<vmem>> -> memref<1x128xi32, #tpu.memory_space<vmem>>
      %dma_wait3A_77 = tpu.memref_squeeze %dma_wait3A_76 : memref<1x128xi32, #tpu.memory_space<vmem>> -> memref<128xi32, #tpu.memory_space<vmem>>
      %dma_wait3A_78 = arith.constant 0 : i32
      %dma_wait3A_79 = arith.constant 0 : i32
      %dma_wait3A_80 = tpu.memref_slice %arg7[%dma_wait3A_78, %dma_wait3A_79] : memref<10240x128xf32, #tpu.memory_space<vmem_shared>> -> memref<10240x128xf32, #tpu.memory_space<vmem_shared>>
      tpu.wait_indirect_dma semaphore(%arg15 : memref<!tpu.dma_semaphore, #tpu.memory_space<semaphore_mem>>) src(%arg11 : memref<128x128xf32, #tpu.memory_space<vmem>>) dst(%dma_wait3A_80 : memref<10240x128xf32, #tpu.memory_space<vmem_shared>>)
    }
    %scan3A_6 = arith.constant 2 : i32
    %barrier3A_7 = arith.constant 0 : index
    tpu.barrier barrier_id(%barrier3A_7)
    %mul3A_8 = arith.constant 640 : i32
    %mul3A_9 = arith.muli %arg1, %mul3A_8 : i32
    %mul3A_10 = arith.constant 640 : i32
    %mul3A_11 = arith.muli %arg1, %mul3A_10 : i32
    "tpu.region"() ({
      %run_scoped3A = tpu.sem_alloc : memref<!tpu.dma_semaphore, #tpu.memory_space<semaphore_mem>>
      %dma_start3A = arith.constant 0 : i32
      %dma_start3A_13 = tpu.memref_slice %arg6[%arg0, %mul3A_11, %dma_start3A] : memref<2x10240x128xf32, #tpu.memory_space<hbm>> -> memref<1x640x128xf32, #tpu.memory_space<hbm>>
      %dma_start3A_14 = tpu.memref_squeeze %dma_start3A_13 : memref<1x640x128xf32, #tpu.memory_space<hbm>> -> memref<640x128xf32, #tpu.memory_space<hbm>>
      %dma_start3A_15 = arith.constant 0 : i32
      %dma_start3A_16 = tpu.memref_slice %arg7[%mul3A_9, %dma_start3A_15] : memref<10240x128xf32, #tpu.memory_space<vmem_shared>> -> memref<640x128xf32, #tpu.memory_space<vmem_shared>>
      tpu.enqueue_dma source(%dma_start3A_16 : memref<640x128xf32, #tpu.memory_space<vmem_shared>>) target(%dma_start3A_14 : memref<640x128xf32, #tpu.memory_space<hbm>>) target_semaphore(%run_scoped3A : memref<!tpu.dma_semaphore, #tpu.memory_space<semaphore_mem>>)
      %dma_wait3A = arith.constant 0 : i32
      %dma_wait3A_17 = tpu.memref_slice %arg6[%arg0, %mul3A_11, %dma_wait3A] : memref<2x10240x128xf32, #tpu.memory_space<hbm>> -> memref<1x640x128xf32, #tpu.memory_space<hbm>>
      %dma_wait3A_18 = tpu.memref_squeeze %dma_wait3A_17 : memref<1x640x128xf32, #tpu.memory_space<hbm>> -> memref<640x128xf32, #tpu.memory_space<hbm>>
      %dma_wait3A_19 = arith.constant 0 : i32
      %dma_wait3A_20 = tpu.memref_slice %arg7[%mul3A_9, %dma_wait3A_19] : memref<10240x128xf32, #tpu.memory_space<vmem_shared>> -> memref<640x128xf32, #tpu.memory_space<vmem_shared>>
      tpu.wait_dma2 semaphore(%run_scoped3A : memref<!tpu.dma_semaphore, #tpu.memory_space<semaphore_mem>>) src(%dma_wait3A_20 : memref<640x128xf32, #tpu.memory_space<vmem_shared>>) dst(%dma_wait3A_18 : memref<640x128xf32, #tpu.memory_space<hbm>>)
      tpu.yield
    }) : () -> ()
    %barrier3A_12 = arith.constant 0 : index
    tpu.barrier barrier_id(%barrier3A_12)
    return
  }
}

#map = affine_map<(d0, d1) -> (0, 0)>
#map1 = affine_map<(d0, d1) -> (0, 0, 0)>
module attributes {stable_mosaic.version = 14 : i64} {
  func.func @body(%arg0: i32, %arg1: i32, %arg2: memref<10240x128xf32, #tpu.memory_space<hbm>>, %arg3: memref<32x80x128xi32, #tpu.memory_space<hbm>>, %arg4: memref<32x80x128xi32, #tpu.memory_space<hbm>>, %arg5: memref<640x128xf32, #tpu.memory_space<hbm>>, %arg6: memref<2x10240x128xf32, #tpu.memory_space<hbm>>, %arg7: memref<10240x128xf32, #tpu.memory_space<vmem_shared>>, %arg8: memref<40x128xi32, #tpu.memory_space<vmem>>, %arg9: memref<40x128xi32, #tpu.memory_space<vmem>>, %arg10: memref<128x128xf32, #tpu.memory_space<vmem>>, %arg11: memref<128x128xf32, #tpu.memory_space<vmem>>, %arg12: memref<!tpu.dma_semaphore, #tpu.memory_space<semaphore_mem>>, %arg13: memref<!tpu.dma_semaphore, #tpu.memory_space<semaphore_mem>>, %arg14: memref<!tpu.dma_semaphore, #tpu.memory_space<semaphore_mem>>, %arg15: memref<!tpu.dma_semaphore, #tpu.memory_space<semaphore_mem>>) attributes {dimension_semantics = [#tpu.dimension_semantics<core_parallel>, #tpu.dimension_semantics<subcore_parallel>], iteration_bounds = array<i64: 2, 16>, scalar_prefetch = 0 : i64, scratch_operands = 9 : i64, tpu.core_type = #tpu.core_type<sc_vector_subcore>, window_params = [{transform_indices = #map}, {transform_indices = #map1}, {transform_indices = #map1}, {transform_indices = #map}, {transform_indices = #map1}]} {
    %mul3A = arith.constant 16 : i32
    %mul3A_0 = arith.muli %arg0, %mul3A : i32
    %add3A = arith.addi %mul3A_0, %arg1 : i32
    %mul3A_1 = arith.constant 640 : i32
    %mul3A_2 = arith.muli %arg1, %mul3A_1 : i32
    "tpu.region"() ({
      %run_scoped3A = tpu.sem_alloc : memref<!tpu.dma_semaphore, #tpu.memory_space<semaphore_mem>>
      %dma_start3A = arith.constant 0 : i32
      %dma_start3A_13 = tpu.memref_slice %arg7[%mul3A_2, %dma_start3A] : memref<10240x128xf32, #tpu.memory_space<vmem_shared>> -> memref<640x128xf32, #tpu.memory_space<vmem_shared>>
      tpu.enqueue_dma source(%arg5 : memref<640x128xf32, #tpu.memory_space<hbm>>) target(%dma_start3A_13 : memref<640x128xf32, #tpu.memory_space<vmem_shared>>) target_semaphore(%run_scoped3A : memref<!tpu.dma_semaphore, #tpu.memory_space<semaphore_mem>>)
      %dma_wait3A = arith.constant 0 : i32
      %dma_wait3A_14 = tpu.memref_slice %arg7[%mul3A_2, %dma_wait3A] : memref<10240x128xf32, #tpu.memory_space<vmem_shared>> -> memref<640x128xf32, #tpu.memory_space<vmem_shared>>
      tpu.wait_dma2 semaphore(%run_scoped3A : memref<!tpu.dma_semaphore, #tpu.memory_space<semaphore_mem>>) src(%arg5 : memref<640x128xf32, #tpu.memory_space<hbm>>) dst(%dma_wait3A_14 : memref<640x128xf32, #tpu.memory_space<vmem_shared>>)
      tpu.yield
    }) : () -> ()
    %barrier3A = arith.constant 0 : index
    tpu.barrier barrier_id(%barrier3A)
    %scan3A = arith.constant 0 : i32
    %scan3A_3 = arith.constant 2 : i32
    %scan3A_4 = arith.addi %scan3A, %scan3A_3 : i32
    %scan3A_5 = arith.constant 1 : i32
    scf.for %scan3A_13 = %scan3A to %scan3A_4 step %scan3A_5  : i32 {
      %mul3A_14 = arith.constant 1 : i32
      %mul3A_15 = arith.muli %scan3A_13, %mul3A_14 : i32
      %add3A_16 = arith.constant 0 : i32
      %add3A_17 = arith.addi %add3A_16, %mul3A_15 : i32
      %mul3A_18 = arith.constant 40 : i32
      %mul3A_19 = arith.muli %add3A_17, %mul3A_18 : i32
      "tpu.region"() ({
        %run_scoped3A = tpu.sem_alloc : memref<!tpu.dma_semaphore, #tpu.memory_space<semaphore_mem>>
        %dma_start3A_81 = arith.constant 0 : i32
        %dma_start3A_82 = tpu.memref_slice %arg3[%add3A, %mul3A_19, %dma_start3A_81] : memref<32x80x128xi32, #tpu.memory_space<hbm>> -> memref<1x40x128xi32, #tpu.memory_space<hbm>>
        %dma_start3A_83 = tpu.memref_squeeze %dma_start3A_82 : memref<1x40x128xi32, #tpu.memory_space<hbm>> -> memref<40x128xi32, #tpu.memory_space<hbm>>
        %dma_start3A_84 = arith.constant 0 : i32
        %dma_start3A_85 = tpu.memref_slice %arg3[%add3A, %mul3A_19, %dma_start3A_84] : memref<32x80x128xi32, #tpu.memory_space<hbm>> -> memref<1x40x128xi32, #tpu.memory_space<hbm>>
        %dma_start3A_86 = tpu.memref_squeeze %dma_start3A_85 : memref<1x40x128xi32, #tpu.memory_space<hbm>> -> memref<40x128xi32, #tpu.memory_space<hbm>>
        tpu.enqueue_dma source(%dma_start3A_86 : memref<40x128xi32, #tpu.memory_space<hbm>>) target(%arg8 : memref<40x128xi32, #tpu.memory_space<vmem>>) target_semaphore(%run_scoped3A : memref<!tpu.dma_semaphore, #tpu.memory_space<semaphore_mem>>)
        %dma_wait3A_87 = arith.constant 0 : i32
        %dma_wait3A_88 = tpu.memref_slice %arg3[%add3A, %mul3A_19, %dma_wait3A_87] : memref<32x80x128xi32, #tpu.memory_space<hbm>> -> memref<1x40x128xi32, #tpu.memory_space<hbm>>
        %dma_wait3A_89 = tpu.memref_squeeze %dma_wait3A_88 : memref<1x40x128xi32, #tpu.memory_space<hbm>> -> memref<40x128xi32, #tpu.memory_space<hbm>>
        %dma_wait3A_90 = arith.constant 0 : i32
        %dma_wait3A_91 = tpu.memref_slice %arg3[%add3A, %mul3A_19, %dma_wait3A_90] : memref<32x80x128xi32, #tpu.memory_space<hbm>> -> memref<1x40x128xi32, #tpu.memory_space<hbm>>
        %dma_wait3A_92 = tpu.memref_squeeze %dma_wait3A_91 : memref<1x40x128xi32, #tpu.memory_space<hbm>> -> memref<40x128xi32, #tpu.memory_space<hbm>>
        tpu.wait_dma2 semaphore(%run_scoped3A : memref<!tpu.dma_semaphore, #tpu.memory_space<semaphore_mem>>) src(%dma_wait3A_92 : memref<40x128xi32, #tpu.memory_space<hbm>>) dst(%arg8 : memref<40x128xi32, #tpu.memory_space<vmem>>)
        tpu.yield
      }) : () -> ()
      %mul3A_20 = arith.constant 40 : i32
      %mul3A_21 = arith.muli %add3A_17, %mul3A_20 : i32
      "tpu.region"() ({
        %run_scoped3A = tpu.sem_alloc : memref<!tpu.dma_semaphore, #tpu.memory_space<semaphore_mem>>
        %dma_start3A_81 = arith.constant 0 : i32
        %dma_start3A_82 = tpu.memref_slice %arg4[%add3A, %mul3A_21, %dma_start3A_81] : memref<32x80x128xi32, #tpu.memory_space<hbm>> -> memref<1x40x128xi32, #tpu.memory_space<hbm>>
        %dma_start3A_83 = tpu.memref_squeeze %dma_start3A_82 : memref<1x40x128xi32, #tpu.memory_space<hbm>> -> memref<40x128xi32, #tpu.memory_space<hbm>>
        %dma_start3A_84 = arith.constant 0 : i32
        %dma_start3A_85 = tpu.memref_slice %arg4[%add3A, %mul3A_21, %dma_start3A_84] : memref<32x80x128xi32, #tpu.memory_space<hbm>> -> memref<1x40x128xi32, #tpu.memory_space<hbm>>
        %dma_start3A_86 = tpu.memref_squeeze %dma_start3A_85 : memref<1x40x128xi32, #tpu.memory_space<hbm>> -> memref<40x128xi32, #tpu.memory_space<hbm>>
        tpu.enqueue_dma source(%dma_start3A_86 : memref<40x128xi32, #tpu.memory_space<hbm>>) target(%arg9 : memref<40x128xi32, #tpu.memory_space<vmem>>) target_semaphore(%run_scoped3A : memref<!tpu.dma_semaphore, #tpu.memory_space<semaphore_mem>>)
        %dma_wait3A_87 = arith.constant 0 : i32
        %dma_wait3A_88 = tpu.memref_slice %arg4[%add3A, %mul3A_21, %dma_wait3A_87] : memref<32x80x128xi32, #tpu.memory_space<hbm>> -> memref<1x40x128xi32, #tpu.memory_space<hbm>>
        %dma_wait3A_89 = tpu.memref_squeeze %dma_wait3A_88 : memref<1x40x128xi32, #tpu.memory_space<hbm>> -> memref<40x128xi32, #tpu.memory_space<hbm>>
        %dma_wait3A_90 = arith.constant 0 : i32
        %dma_wait3A_91 = tpu.memref_slice %arg4[%add3A, %mul3A_21, %dma_wait3A_90] : memref<32x80x128xi32, #tpu.memory_space<hbm>> -> memref<1x40x128xi32, #tpu.memory_space<hbm>>
        %dma_wait3A_92 = tpu.memref_squeeze %dma_wait3A_91 : memref<1x40x128xi32, #tpu.memory_space<hbm>> -> memref<40x128xi32, #tpu.memory_space<hbm>>
        tpu.wait_dma2 semaphore(%run_scoped3A : memref<!tpu.dma_semaphore, #tpu.memory_space<semaphore_mem>>) src(%dma_wait3A_92 : memref<40x128xi32, #tpu.memory_space<hbm>>) dst(%arg9 : memref<40x128xi32, #tpu.memory_space<vmem>>)
        tpu.yield
      }) : () -> ()
      %dma_start3A = arith.constant 0 : i32
      %dma_start3A_22 = arith.constant 0 : i32
      %dma_start3A_23 = tpu.memref_slice %arg8[%dma_start3A, %dma_start3A_22] : memref<40x128xi32, #tpu.memory_space<vmem>> -> memref<1x128xi32, #tpu.memory_space<vmem>>
      %dma_start3A_24 = tpu.memref_squeeze %dma_start3A_23 : memref<1x128xi32, #tpu.memory_space<vmem>> -> memref<128xi32, #tpu.memory_space<vmem>>
      %dma_start3A_25 = arith.constant 0 : i32
      %dma_start3A_26 = arith.constant 0 : i32
      %dma_start3A_27 = tpu.memref_slice %arg2[%dma_start3A_25, %dma_start3A_26] : memref<10240x128xf32, #tpu.memory_space<hbm>> -> memref<10240x128xf32, #tpu.memory_space<hbm>>
      tpu.enqueue_indirect_dma source(%dma_start3A_27 : memref<10240x128xf32, #tpu.memory_space<hbm>>) target(%arg10 : memref<128x128xf32, #tpu.memory_space<vmem>>) offsets(%dma_start3A_24 : memref<128xi32, #tpu.memory_space<vmem>>) semaphore(%arg12 : memref<!tpu.dma_semaphore, #tpu.memory_space<semaphore_mem>>)
      %dma_start3A_28 = arith.constant 1 : i32
      %dma_start3A_29 = arith.constant 0 : i32
      %dma_start3A_30 = tpu.memref_slice %arg8[%dma_start3A_28, %dma_start3A_29] : memref<40x128xi32, #tpu.memory_space<vmem>> -> memref<1x128xi32, #tpu.memory_space<vmem>>
      %dma_start3A_31 = tpu.memref_squeeze %dma_start3A_30 : memref<1x128xi32, #tpu.memory_space<vmem>> -> memref<128xi32, #tpu.memory_space<vmem>>
      %dma_start3A_32 = arith.constant 0 : i32
      %dma_start3A_33 = arith.constant 0 : i32
      %dma_start3A_34 = tpu.memref_slice %arg2[%dma_start3A_32, %dma_start3A_33] : memref<10240x128xf32, #tpu.memory_space<hbm>> -> memref<10240x128xf32, #tpu.memory_space<hbm>>
      tpu.enqueue_indirect_dma source(%dma_start3A_34 : memref<10240x128xf32, #tpu.memory_space<hbm>>) target(%arg11 : memref<128x128xf32, #tpu.memory_space<vmem>>) offsets(%dma_start3A_31 : memref<128xi32, #tpu.memory_space<vmem>>) semaphore(%arg13 : memref<!tpu.dma_semaphore, #tpu.memory_space<semaphore_mem>>)
      %scan3A_35 = arith.constant 0 : i32
      %scan3A_36 = arith.constant 19 : i32
      %scan3A_37 = arith.addi %scan3A_35, %scan3A_36 : i32
      %scan3A_38 = arith.constant 1 : i32
      scf.for %scan3A_81 = %scan3A_35 to %scan3A_37 step %scan3A_38  : i32 {
        %mul3A_82 = arith.constant 1 : i32
        %mul3A_83 = arith.muli %scan3A_81, %mul3A_82 : i32
        %add3A_84 = arith.constant 0 : i32
        %add3A_85 = arith.addi %add3A_84, %mul3A_83 : i32
        %mul3A_86 = arith.constant 2 : i32
        %mul3A_87 = arith.muli %add3A_85, %mul3A_86 : i32
        %dma_wait3A_88 = arith.constant 0 : i32
        %dma_wait3A_89 = tpu.memref_slice %arg8[%mul3A_87, %dma_wait3A_88] : memref<40x128xi32, #tpu.memory_space<vmem>> -> memref<1x128xi32, #tpu.memory_space<vmem>>
        %dma_wait3A_90 = tpu.memref_squeeze %dma_wait3A_89 : memref<1x128xi32, #tpu.memory_space<vmem>> -> memref<128xi32, #tpu.memory_space<vmem>>
        %dma_wait3A_91 = arith.constant 0 : i32
        %dma_wait3A_92 = arith.constant 0 : i32
        %dma_wait3A_93 = tpu.memref_slice %arg2[%dma_wait3A_91, %dma_wait3A_92] : memref<10240x128xf32, #tpu.memory_space<hbm>> -> memref<10240x128xf32, #tpu.memory_space<hbm>>
        tpu.wait_indirect_dma semaphore(%arg12 : memref<!tpu.dma_semaphore, #tpu.memory_space<semaphore_mem>>) src(%dma_wait3A_93 : memref<10240x128xf32, #tpu.memory_space<hbm>>) dst(%arg10 : memref<128x128xf32, #tpu.memory_space<vmem>>)
        %dma_start3A_94 = arith.constant 0 : i32
        %dma_start3A_95 = tpu.memref_slice %arg9[%mul3A_87, %dma_start3A_94] : memref<40x128xi32, #tpu.memory_space<vmem>> -> memref<1x128xi32, #tpu.memory_space<vmem>>
        %dma_start3A_96 = tpu.memref_squeeze %dma_start3A_95 : memref<1x128xi32, #tpu.memory_space<vmem>> -> memref<128xi32, #tpu.memory_space<vmem>>
        %dma_start3A_97 = arith.constant 0 : i32
        %dma_start3A_98 = arith.constant 0 : i32
        %dma_start3A_99 = tpu.memref_slice %arg7[%dma_start3A_97, %dma_start3A_98] : memref<10240x128xf32, #tpu.memory_space<vmem_shared>> -> memref<10240x128xf32, #tpu.memory_space<vmem_shared>>
        tpu.enqueue_indirect_dma source(%arg10 : memref<128x128xf32, #tpu.memory_space<vmem>>) target(%dma_start3A_99 : memref<10240x128xf32, #tpu.memory_space<vmem_shared>>) offsets(%dma_start3A_96 : memref<128xi32, #tpu.memory_space<vmem>>) semaphore(%arg14 : memref<!tpu.dma_semaphore, #tpu.memory_space<semaphore_mem>>) {add = true}
        %dma_wait3A_100 = arith.constant 0 : i32
        %dma_wait3A_101 = tpu.memref_slice %arg9[%mul3A_87, %dma_wait3A_100] : memref<40x128xi32, #tpu.memory_space<vmem>> -> memref<1x128xi32, #tpu.memory_space<vmem>>
        %dma_wait3A_102 = tpu.memref_squeeze %dma_wait3A_101 : memref<1x128xi32, #tpu.memory_space<vmem>> -> memref<128xi32, #tpu.memory_space<vmem>>
        %dma_wait3A_103 = arith.constant 0 : i32
        %dma_wait3A_104 = arith.constant 0 : i32
        %dma_wait3A_105 = tpu.memref_slice %arg7[%dma_wait3A_103, %dma_wait3A_104] : memref<10240x128xf32, #tpu.memory_space<vmem_shared>> -> memref<10240x128xf32, #tpu.memory_space<vmem_shared>>
        tpu.wait_indirect_dma semaphore(%arg14 : memref<!tpu.dma_semaphore, #tpu.memory_space<semaphore_mem>>) src(%arg10 : memref<128x128xf32, #tpu.memory_space<vmem>>) dst(%dma_wait3A_105 : memref<10240x128xf32, #tpu.memory_space<vmem_shared>>)
        %add3A_106 = arith.constant 2 : i32
        %add3A_107 = arith.addi %mul3A_87, %add3A_106 : i32
        %dma_start3A_108 = arith.constant 0 : i32
        %dma_start3A_109 = tpu.memref_slice %arg8[%add3A_107, %dma_start3A_108] : memref<40x128xi32, #tpu.memory_space<vmem>> -> memref<1x128xi32, #tpu.memory_space<vmem>>
        %dma_start3A_110 = tpu.memref_squeeze %dma_start3A_109 : memref<1x128xi32, #tpu.memory_space<vmem>> -> memref<128xi32, #tpu.memory_space<vmem>>
        %dma_start3A_111 = arith.constant 0 : i32
        %dma_start3A_112 = arith.constant 0 : i32
        %dma_start3A_113 = tpu.memref_slice %arg2[%dma_start3A_111, %dma_start3A_112] : memref<10240x128xf32, #tpu.memory_space<hbm>> -> memref<10240x128xf32, #tpu.memory_space<hbm>>
        tpu.enqueue_indirect_dma source(%dma_start3A_113 : memref<10240x128xf32, #tpu.memory_space<hbm>>) target(%arg10 : memref<128x128xf32, #tpu.memory_space<vmem>>) offsets(%dma_start3A_110 : memref<128xi32, #tpu.memory_space<vmem>>) semaphore(%arg12 : memref<!tpu.dma_semaphore, #tpu.memory_space<semaphore_mem>>)
        %add3A_114 = arith.constant 1 : i32
        %add3A_115 = arith.addi %mul3A_87, %add3A_114 : i32
        %dma_wait3A_116 = arith.constant 0 : i32
        %dma_wait3A_117 = tpu.memref_slice %arg8[%add3A_115, %dma_wait3A_116] : memref<40x128xi32, #tpu.memory_space<vmem>> -> memref<1x128xi32, #tpu.memory_space<vmem>>
        %dma_wait3A_118 = tpu.memref_squeeze %dma_wait3A_117 : memref<1x128xi32, #tpu.memory_space<vmem>> -> memref<128xi32, #tpu.memory_space<vmem>>
        %dma_wait3A_119 = arith.constant 0 : i32
        %dma_wait3A_120 = arith.constant 0 : i32
        %dma_wait3A_121 = tpu.memref_slice %arg2[%dma_wait3A_119, %dma_wait3A_120] : memref<10240x128xf32, #tpu.memory_space<hbm>> -> memref<10240x128xf32, #tpu.memory_space<hbm>>
        tpu.wait_indirect_dma semaphore(%arg13 : memref<!tpu.dma_semaphore, #tpu.memory_space<semaphore_mem>>) src(%dma_wait3A_121 : memref<10240x128xf32, #tpu.memory_space<hbm>>) dst(%arg11 : memref<128x128xf32, #tpu.memory_space<vmem>>)
        %add3A_122 = arith.constant 1 : i32
        %add3A_123 = arith.addi %mul3A_87, %add3A_122 : i32
        %dma_start3A_124 = arith.constant 0 : i32
        %dma_start3A_125 = tpu.memref_slice %arg9[%add3A_123, %dma_start3A_124] : memref<40x128xi32, #tpu.memory_space<vmem>> -> memref<1x128xi32, #tpu.memory_space<vmem>>
        %dma_start3A_126 = tpu.memref_squeeze %dma_start3A_125 : memref<1x128xi32, #tpu.memory_space<vmem>> -> memref<128xi32, #tpu.memory_space<vmem>>
        %dma_start3A_127 = arith.constant 0 : i32
        %dma_start3A_128 = arith.constant 0 : i32
        %dma_start3A_129 = tpu.memref_slice %arg7[%dma_start3A_127, %dma_start3A_128] : memref<10240x128xf32, #tpu.memory_space<vmem_shared>> -> memref<10240x128xf32, #tpu.memory_space<vmem_shared>>
        tpu.enqueue_indirect_dma source(%arg11 : memref<128x128xf32, #tpu.memory_space<vmem>>) target(%dma_start3A_129 : memref<10240x128xf32, #tpu.memory_space<vmem_shared>>) offsets(%dma_start3A_126 : memref<128xi32, #tpu.memory_space<vmem>>) semaphore(%arg15 : memref<!tpu.dma_semaphore, #tpu.memory_space<semaphore_mem>>) {add = true}
        %dma_wait3A_130 = arith.constant 0 : i32
        %dma_wait3A_131 = tpu.memref_slice %arg9[%add3A_123, %dma_wait3A_130] : memref<40x128xi32, #tpu.memory_space<vmem>> -> memref<1x128xi32, #tpu.memory_space<vmem>>
        %dma_wait3A_132 = tpu.memref_squeeze %dma_wait3A_131 : memref<1x128xi32, #tpu.memory_space<vmem>> -> memref<128xi32, #tpu.memory_space<vmem>>
        %dma_wait3A_133 = arith.constant 0 : i32
        %dma_wait3A_134 = arith.constant 0 : i32
        %dma_wait3A_135 = tpu.memref_slice %arg7[%dma_wait3A_133, %dma_wait3A_134] : memref<10240x128xf32, #tpu.memory_space<vmem_shared>> -> memref<10240x128xf32, #tpu.memory_space<vmem_shared>>
        tpu.wait_indirect_dma semaphore(%arg15 : memref<!tpu.dma_semaphore, #tpu.memory_space<semaphore_mem>>) src(%arg11 : memref<128x128xf32, #tpu.memory_space<vmem>>) dst(%dma_wait3A_135 : memref<10240x128xf32, #tpu.memory_space<vmem_shared>>)
        %add3A_136 = arith.constant 3 : i32
        %add3A_137 = arith.addi %mul3A_87, %add3A_136 : i32
        %dma_start3A_138 = arith.constant 0 : i32
        %dma_start3A_139 = tpu.memref_slice %arg8[%add3A_137, %dma_start3A_138] : memref<40x128xi32, #tpu.memory_space<vmem>> -> memref<1x128xi32, #tpu.memory_space<vmem>>
        %dma_start3A_140 = tpu.memref_squeeze %dma_start3A_139 : memref<1x128xi32, #tpu.memory_space<vmem>> -> memref<128xi32, #tpu.memory_space<vmem>>
        %dma_start3A_141 = arith.constant 0 : i32
        %dma_start3A_142 = arith.constant 0 : i32
        %dma_start3A_143 = tpu.memref_slice %arg2[%dma_start3A_141, %dma_start3A_142] : memref<10240x128xf32, #tpu.memory_space<hbm>> -> memref<10240x128xf32, #tpu.memory_space<hbm>>
        tpu.enqueue_indirect_dma source(%dma_start3A_143 : memref<10240x128xf32, #tpu.memory_space<hbm>>) target(%arg11 : memref<128x128xf32, #tpu.memory_space<vmem>>) offsets(%dma_start3A_140 : memref<128xi32, #tpu.memory_space<vmem>>) semaphore(%arg13 : memref<!tpu.dma_semaphore, #tpu.memory_space<semaphore_mem>>)
      }
      %scan3A_39 = arith.constant 19 : i32
      %dma_wait3A = arith.constant 38 : i32
      %dma_wait3A_40 = arith.constant 0 : i32
      %dma_wait3A_41 = tpu.memref_slice %arg8[%dma_wait3A, %dma_wait3A_40] : memref<40x128xi32, #tpu.memory_space<vmem>> -> memref<1x128xi32, #tpu.memory_space<vmem>>
      %dma_wait3A_42 = tpu.memref_squeeze %dma_wait3A_41 : memref<1x128xi32, #tpu.memory_space<vmem>> -> memref<128xi32, #tpu.memory_space<vmem>>
      %dma_wait3A_43 = arith.constant 0 : i32
      %dma_wait3A_44 = arith.constant 0 : i32
      %dma_wait3A_45 = tpu.memref_slice %arg2[%dma_wait3A_43, %dma_wait3A_44] : memref<10240x128xf32, #tpu.memory_space<hbm>> -> memref<10240x128xf32, #tpu.memory_space<hbm>>
      tpu.wait_indirect_dma semaphore(%arg12 : memref<!tpu.dma_semaphore, #tpu.memory_space<semaphore_mem>>) src(%dma_wait3A_45 : memref<10240x128xf32, #tpu.memory_space<hbm>>) dst(%arg10 : memref<128x128xf32, #tpu.memory_space<vmem>>)
      %dma_start3A_46 = arith.constant 38 : i32
      %dma_start3A_47 = arith.constant 0 : i32
      %dma_start3A_48 = tpu.memref_slice %arg9[%dma_start3A_46, %dma_start3A_47] : memref<40x128xi32, #tpu.memory_space<vmem>> -> memref<1x128xi32, #tpu.memory_space<vmem>>
      %dma_start3A_49 = tpu.memref_squeeze %dma_start3A_48 : memref<1x128xi32, #tpu.memory_space<vmem>> -> memref<128xi32, #tpu.memory_space<vmem>>
      %dma_start3A_50 = arith.constant 0 : i32
      %dma_start3A_51 = arith.constant 0 : i32
      %dma_start3A_52 = tpu.memref_slice %arg7[%dma_start3A_50, %dma_start3A_51] : memref<10240x128xf32, #tpu.memory_space<vmem_shared>> -> memref<10240x128xf32, #tpu.memory_space<vmem_shared>>
      tpu.enqueue_indirect_dma source(%arg10 : memref<128x128xf32, #tpu.memory_space<vmem>>) target(%dma_start3A_52 : memref<10240x128xf32, #tpu.memory_space<vmem_shared>>) offsets(%dma_start3A_49 : memref<128xi32, #tpu.memory_space<vmem>>) semaphore(%arg14 : memref<!tpu.dma_semaphore, #tpu.memory_space<semaphore_mem>>) {add = true}
      %dma_wait3A_53 = arith.constant 38 : i32
      %dma_wait3A_54 = arith.constant 0 : i32
      %dma_wait3A_55 = tpu.memref_slice %arg9[%dma_wait3A_53, %dma_wait3A_54] : memref<40x128xi32, #tpu.memory_space<vmem>> -> memref<1x128xi32, #tpu.memory_space<vmem>>
      %dma_wait3A_56 = tpu.memref_squeeze %dma_wait3A_55 : memref<1x128xi32, #tpu.memory_space<vmem>> -> memref<128xi32, #tpu.memory_space<vmem>>
      %dma_wait3A_57 = arith.constant 0 : i32
      %dma_wait3A_58 = arith.constant 0 : i32
      %dma_wait3A_59 = tpu.memref_slice %arg7[%dma_wait3A_57, %dma_wait3A_58] : memref<10240x128xf32, #tpu.memory_space<vmem_shared>> -> memref<10240x128xf32, #tpu.memory_space<vmem_shared>>
      tpu.wait_indirect_dma semaphore(%arg14 : memref<!tpu.dma_semaphore, #tpu.memory_space<semaphore_mem>>) src(%arg10 : memref<128x128xf32, #tpu.memory_space<vmem>>) dst(%dma_wait3A_59 : memref<10240x128xf32, #tpu.memory_space<vmem_shared>>)
      %dma_wait3A_60 = arith.constant 39 : i32
      %dma_wait3A_61 = arith.constant 0 : i32
      %dma_wait3A_62 = tpu.memref_slice %arg8[%dma_wait3A_60, %dma_wait3A_61] : memref<40x128xi32, #tpu.memory_space<vmem>> -> memref<1x128xi32, #tpu.memory_space<vmem>>
      %dma_wait3A_63 = tpu.memref_squeeze %dma_wait3A_62 : memref<1x128xi32, #tpu.memory_space<vmem>> -> memref<128xi32, #tpu.memory_space<vmem>>
      %dma_wait3A_64 = arith.constant 0 : i32
      %dma_wait3A_65 = arith.constant 0 : i32
      %dma_wait3A_66 = tpu.memref_slice %arg2[%dma_wait3A_64, %dma_wait3A_65] : memref<10240x128xf32, #tpu.memory_space<hbm>> -> memref<10240x128xf32, #tpu.memory_space<hbm>>
      tpu.wait_indirect_dma semaphore(%arg13 : memref<!tpu.dma_semaphore, #tpu.memory_space<semaphore_mem>>) src(%dma_wait3A_66 : memref<10240x128xf32, #tpu.memory_space<hbm>>) dst(%arg11 : memref<128x128xf32, #tpu.memory_space<vmem>>)
      %dma_start3A_67 = arith.constant 39 : i32
      %dma_start3A_68 = arith.constant 0 : i32
      %dma_start3A_69 = tpu.memref_slice %arg9[%dma_start3A_67, %dma_start3A_68] : memref<40x128xi32, #tpu.memory_space<vmem>> -> memref<1x128xi32, #tpu.memory_space<vmem>>
      %dma_start3A_70 = tpu.memref_squeeze %dma_start3A_69 : memref<1x128xi32, #tpu.memory_space<vmem>> -> memref<128xi32, #tpu.memory_space<vmem>>
      %dma_start3A_71 = arith.constant 0 : i32
      %dma_start3A_72 = arith.constant 0 : i32
      %dma_start3A_73 = tpu.memref_slice %arg7[%dma_start3A_71, %dma_start3A_72] : memref<10240x128xf32, #tpu.memory_space<vmem_shared>> -> memref<10240x128xf32, #tpu.memory_space<vmem_shared>>
      tpu.enqueue_indirect_dma source(%arg11 : memref<128x128xf32, #tpu.memory_space<vmem>>) target(%dma_start3A_73 : memref<10240x128xf32, #tpu.memory_space<vmem_shared>>) offsets(%dma_start3A_70 : memref<128xi32, #tpu.memory_space<vmem>>) semaphore(%arg15 : memref<!tpu.dma_semaphore, #tpu.memory_space<semaphore_mem>>) {add = true}
      %dma_wait3A_74 = arith.constant 39 : i32
      %dma_wait3A_75 = arith.constant 0 : i32
      %dma_wait3A_76 = tpu.memref_slice %arg9[%dma_wait3A_74, %dma_wait3A_75] : memref<40x128xi32, #tpu.memory_space<vmem>> -> memref<1x128xi32, #tpu.memory_space<vmem>>
      %dma_wait3A_77 = tpu.memref_squeeze %dma_wait3A_76 : memref<1x128xi32, #tpu.memory_space<vmem>> -> memref<128xi32, #tpu.memory_space<vmem>>
      %dma_wait3A_78 = arith.constant 0 : i32
      %dma_wait3A_79 = arith.constant 0 : i32
      %dma_wait3A_80 = tpu.memref_slice %arg7[%dma_wait3A_78, %dma_wait3A_79] : memref<10240x128xf32, #tpu.memory_space<vmem_shared>> -> memref<10240x128xf32, #tpu.memory_space<vmem_shared>>
      tpu.wait_indirect_dma semaphore(%arg15 : memref<!tpu.dma_semaphore, #tpu.memory_space<semaphore_mem>>) src(%arg11 : memref<128x128xf32, #tpu.memory_space<vmem>>) dst(%dma_wait3A_80 : memref<10240x128xf32, #tpu.memory_space<vmem_shared>>)
    }
    %scan3A_6 = arith.constant 2 : i32
    %barrier3A_7 = arith.constant 0 : index
    tpu.barrier barrier_id(%barrier3A_7)
    %mul3A_8 = arith.constant 640 : i32
    %mul3A_9 = arith.muli %arg1, %mul3A_8 : i32
    %mul3A_10 = arith.constant 640 : i32
    %mul3A_11 = arith.muli %arg1, %mul3A_10 : i32
    "tpu.region"() ({
      %run_scoped3A = tpu.sem_alloc : memref<!tpu.dma_semaphore, #tpu.memory_space<semaphore_mem>>
      %dma_start3A = arith.constant 0 : i32
      %dma_start3A_13 = tpu.memref_slice %arg6[%arg0, %mul3A_11, %dma_start3A] : memref<2x10240x128xf32, #tpu.memory_space<hbm>> -> memref<1x640x128xf32, #tpu.memory_space<hbm>>
      %dma_start3A_14 = tpu.memref_squeeze %dma_start3A_13 : memref<1x640x128xf32, #tpu.memory_space<hbm>> -> memref<640x128xf32, #tpu.memory_space<hbm>>
      %dma_start3A_15 = arith.constant 0 : i32
      %dma_start3A_16 = tpu.memref_slice %arg7[%mul3A_9, %dma_start3A_15] : memref<10240x128xf32, #tpu.memory_space<vmem_shared>> -> memref<640x128xf32, #tpu.memory_space<vmem_shared>>
      tpu.enqueue_dma source(%dma_start3A_16 : memref<640x128xf32, #tpu.memory_space<vmem_shared>>) target(%dma_start3A_14 : memref<640x128xf32, #tpu.memory_space<hbm>>) target_semaphore(%run_scoped3A : memref<!tpu.dma_semaphore, #tpu.memory_space<semaphore_mem>>)
      %dma_wait3A = arith.constant 0 : i32
      %dma_wait3A_17 = tpu.memref_slice %arg6[%arg0, %mul3A_11, %dma_wait3A] : memref<2x10240x128xf32, #tpu.memory_space<hbm>> -> memref<1x640x128xf32, #tpu.memory_space<hbm>>
      %dma_wait3A_18 = tpu.memref_squeeze %dma_wait3A_17 : memref<1x640x128xf32, #tpu.memory_space<hbm>> -> memref<640x128xf32, #tpu.memory_space<hbm>>
      %dma_wait3A_19 = arith.constant 0 : i32
      %dma_wait3A_20 = tpu.memref_slice %arg7[%mul3A_9, %dma_wait3A_19] : memref<10240x128xf32, #tpu.memory_space<vmem_shared>> -> memref<640x128xf32, #tpu.memory_space<vmem_shared>>
      tpu.wait_dma2 semaphore(%run_scoped3A : memref<!tpu.dma_semaphore, #tpu.memory_space<semaphore_mem>>) src(%dma_wait3A_20 : memref<640x128xf32, #tpu.memory_space<vmem_shared>>) dst(%dma_wait3A_18 : memref<640x128xf32, #tpu.memory_space<hbm>>)
      tpu.yield
    }) : () -> ()
    %barrier3A_12 = arith.constant 0 : index
    tpu.barrier barrier_id(%barrier3A_12)
    return
  }
}

#map = affine_map<(d0, d1) -> (0, 0, 0)>
#map1 = affine_map<(d0, d1) -> (0, 0)>
module attributes {stable_mosaic.version = 14 : i64} {
  func.func @_deg_body(%arg0: i32, %arg1: i32, %arg2: memref<32x80x128xi32, #tpu.memory_space<hbm>>, %arg3: memref<2x640x128xf32, #tpu.memory_space<hbm>>, %arg4: memref<128x128xf32, #tpu.memory_space<hbm>>, %arg5: memref<2x10240x128xf32, #tpu.memory_space<hbm>>, %arg6: memref<10240x128xf32, #tpu.memory_space<vmem_shared>>, %arg7: memref<80x128xi32, #tpu.memory_space<vmem>>, %arg8: memref<128x128xf32, #tpu.memory_space<vmem>>, %arg9: memref<!tpu.dma_semaphore, #tpu.memory_space<semaphore_mem>>) attributes {dimension_semantics = [#tpu.dimension_semantics<core_parallel>, #tpu.dimension_semantics<subcore_parallel>], iteration_bounds = array<i64: 2, 16>, scalar_prefetch = 0 : i64, scratch_operands = 4 : i64, tpu.core_type = #tpu.core_type<sc_vector_subcore>, window_params = [{transform_indices = #map}, {transform_indices = #map}, {transform_indices = #map1}, {transform_indices = #map}]} {
    %mul3A = arith.constant 16 : i32
    %mul3A_0 = arith.muli %arg0, %mul3A : i32
    %add3A = arith.addi %mul3A_0, %arg1 : i32
    "tpu.region"() ({
      %run_scoped3A = tpu.sem_alloc : memref<!tpu.dma_semaphore, #tpu.memory_space<semaphore_mem>>
      %dma_start3A = arith.constant 0 : i32
      %dma_start3A_12 = arith.constant 0 : i32
      %dma_start3A_13 = tpu.memref_slice %arg2[%add3A, %dma_start3A, %dma_start3A_12] : memref<32x80x128xi32, #tpu.memory_space<hbm>> -> memref<1x80x128xi32, #tpu.memory_space<hbm>>
      %dma_start3A_14 = tpu.memref_squeeze %dma_start3A_13 : memref<1x80x128xi32, #tpu.memory_space<hbm>> -> memref<80x128xi32, #tpu.memory_space<hbm>>
      %dma_start3A_15 = arith.constant 0 : i32
      %dma_start3A_16 = arith.constant 0 : i32
      %dma_start3A_17 = tpu.memref_slice %arg2[%add3A, %dma_start3A_15, %dma_start3A_16] : memref<32x80x128xi32, #tpu.memory_space<hbm>> -> memref<1x80x128xi32, #tpu.memory_space<hbm>>
      %dma_start3A_18 = tpu.memref_squeeze %dma_start3A_17 : memref<1x80x128xi32, #tpu.memory_space<hbm>> -> memref<80x128xi32, #tpu.memory_space<hbm>>
      tpu.enqueue_dma source(%dma_start3A_18 : memref<80x128xi32, #tpu.memory_space<hbm>>) target(%arg7 : memref<80x128xi32, #tpu.memory_space<vmem>>) target_semaphore(%run_scoped3A : memref<!tpu.dma_semaphore, #tpu.memory_space<semaphore_mem>>)
      %dma_wait3A = arith.constant 0 : i32
      %dma_wait3A_19 = arith.constant 0 : i32
      %dma_wait3A_20 = tpu.memref_slice %arg2[%add3A, %dma_wait3A, %dma_wait3A_19] : memref<32x80x128xi32, #tpu.memory_space<hbm>> -> memref<1x80x128xi32, #tpu.memory_space<hbm>>
      %dma_wait3A_21 = tpu.memref_squeeze %dma_wait3A_20 : memref<1x80x128xi32, #tpu.memory_space<hbm>> -> memref<80x128xi32, #tpu.memory_space<hbm>>
      %dma_wait3A_22 = arith.constant 0 : i32
      %dma_wait3A_23 = arith.constant 0 : i32
      %dma_wait3A_24 = tpu.memref_slice %arg2[%add3A, %dma_wait3A_22, %dma_wait3A_23] : memref<32x80x128xi32, #tpu.memory_space<hbm>> -> memref<1x80x128xi32, #tpu.memory_space<hbm>>
      %dma_wait3A_25 = tpu.memref_squeeze %dma_wait3A_24 : memref<1x80x128xi32, #tpu.memory_space<hbm>> -> memref<80x128xi32, #tpu.memory_space<hbm>>
      tpu.wait_dma2 semaphore(%run_scoped3A : memref<!tpu.dma_semaphore, #tpu.memory_space<semaphore_mem>>) src(%dma_wait3A_25 : memref<80x128xi32, #tpu.memory_space<hbm>>) dst(%arg7 : memref<80x128xi32, #tpu.memory_space<vmem>>)
      tpu.yield
    }) : () -> ()
    "tpu.region"() ({
      %run_scoped3A = tpu.sem_alloc : memref<!tpu.dma_semaphore, #tpu.memory_space<semaphore_mem>>
      tpu.enqueue_dma source(%arg4 : memref<128x128xf32, #tpu.memory_space<hbm>>) target(%arg8 : memref<128x128xf32, #tpu.memory_space<vmem>>) target_semaphore(%run_scoped3A : memref<!tpu.dma_semaphore, #tpu.memory_space<semaphore_mem>>)
      tpu.wait_dma2 semaphore(%run_scoped3A : memref<!tpu.dma_semaphore, #tpu.memory_space<semaphore_mem>>) src(%arg4 : memref<128x128xf32, #tpu.memory_space<hbm>>) dst(%arg8 : memref<128x128xf32, #tpu.memory_space<vmem>>)
      tpu.yield
    }) : () -> ()
    %mul3A_1 = arith.constant 640 : i32
    %mul3A_2 = arith.muli %arg1, %mul3A_1 : i32
    "tpu.region"() ({
      %run_scoped3A = tpu.sem_alloc : memref<!tpu.dma_semaphore, #tpu.memory_space<semaphore_mem>>
      %dma_start3A = arith.constant 0 : i32
      %dma_start3A_12 = tpu.memref_slice %arg6[%mul3A_2, %dma_start3A] : memref<10240x128xf32, #tpu.memory_space<vmem_shared>> -> memref<640x128xf32, #tpu.memory_space<vmem_shared>>
      %dma_start3A_13 = arith.constant 0 : i32
      %dma_start3A_14 = arith.constant 0 : i32
      %dma_start3A_15 = tpu.memref_slice %arg3[%arg0, %dma_start3A_13, %dma_start3A_14] : memref<2x640x128xf32, #tpu.memory_space<hbm>> -> memref<1x640x128xf32, #tpu.memory_space<hbm>>
      %dma_start3A_16 = tpu.memref_squeeze %dma_start3A_15 : memref<1x640x128xf32, #tpu.memory_space<hbm>> -> memref<640x128xf32, #tpu.memory_space<hbm>>
      tpu.enqueue_dma source(%dma_start3A_16 : memref<640x128xf32, #tpu.memory_space<hbm>>) target(%dma_start3A_12 : memref<640x128xf32, #tpu.memory_space<vmem_shared>>) target_semaphore(%run_scoped3A : memref<!tpu.dma_semaphore, #tpu.memory_space<semaphore_mem>>)
      %dma_wait3A = arith.constant 0 : i32
      %dma_wait3A_17 = tpu.memref_slice %arg6[%mul3A_2, %dma_wait3A] : memref<10240x128xf32, #tpu.memory_space<vmem_shared>> -> memref<640x128xf32, #tpu.memory_space<vmem_shared>>
      %dma_wait3A_18 = arith.constant 0 : i32
      %dma_wait3A_19 = arith.constant 0 : i32
      %dma_wait3A_20 = tpu.memref_slice %arg3[%arg0, %dma_wait3A_18, %dma_wait3A_19] : memref<2x640x128xf32, #tpu.memory_space<hbm>> -> memref<1x640x128xf32, #tpu.memory_space<hbm>>
      %dma_wait3A_21 = tpu.memref_squeeze %dma_wait3A_20 : memref<1x640x128xf32, #tpu.memory_space<hbm>> -> memref<640x128xf32, #tpu.memory_space<hbm>>
      tpu.wait_dma2 semaphore(%run_scoped3A : memref<!tpu.dma_semaphore, #tpu.memory_space<semaphore_mem>>) src(%dma_wait3A_21 : memref<640x128xf32, #tpu.memory_space<hbm>>) dst(%dma_wait3A_17 : memref<640x128xf32, #tpu.memory_space<vmem_shared>>)
      tpu.yield
    }) : () -> ()
    %barrier3A = arith.constant 0 : index
    tpu.barrier barrier_id(%barrier3A)
    %scan3A = arith.constant 0 : i32
    %scan3A_3 = arith.constant 10 : i32
    %scan3A_4 = arith.addi %scan3A, %scan3A_3 : i32
    %scan3A_5 = arith.constant 1 : i32
    scf.for %scan3A_12 = %scan3A to %scan3A_4 step %scan3A_5  : i32 {
      %mul3A_13 = arith.constant 1 : i32
      %mul3A_14 = arith.muli %scan3A_12, %mul3A_13 : i32
      %add3A_15 = arith.constant 0 : i32
      %add3A_16 = arith.addi %add3A_15, %mul3A_14 : i32
      %mul3A_17 = arith.constant 8 : i32
      %mul3A_18 = arith.muli %add3A_16, %mul3A_17 : i32
      %add3A_19 = arith.constant 0 : i32
      %add3A_20 = arith.addi %mul3A_18, %add3A_19 : i32
      %dma_start3A = arith.constant 0 : i32
      %dma_start3A_21 = tpu.memref_slice %arg7[%add3A_20, %dma_start3A] : memref<80x128xi32, #tpu.memory_space<vmem>> -> memref<1x128xi32, #tpu.memory_space<vmem>>
      %dma_start3A_22 = tpu.memref_squeeze %dma_start3A_21 : memref<1x128xi32, #tpu.memory_space<vmem>> -> memref<128xi32, #tpu.memory_space<vmem>>
      %dma_start3A_23 = arith.constant 0 : i32
      %dma_start3A_24 = arith.constant 0 : i32
      %dma_start3A_25 = tpu.memref_slice %arg6[%dma_start3A_23, %dma_start3A_24] : memref<10240x128xf32, #tpu.memory_space<vmem_shared>> -> memref<10240x128xf32, #tpu.memory_space<vmem_shared>>
      tpu.enqueue_indirect_dma source(%arg8 : memref<128x128xf32, #tpu.memory_space<vmem>>) target(%dma_start3A_25 : memref<10240x128xf32, #tpu.memory_space<vmem_shared>>) offsets(%dma_start3A_22 : memref<128xi32, #tpu.memory_space<vmem>>) semaphore(%arg9 : memref<!tpu.dma_semaphore, #tpu.memory_space<semaphore_mem>>) {add = true}
      %mul3A_26 = arith.constant 8 : i32
      %mul3A_27 = arith.muli %add3A_16, %mul3A_26 : i32
      %add3A_28 = arith.constant 1 : i32
      %add3A_29 = arith.addi %mul3A_27, %add3A_28 : i32
      %dma_start3A_30 = arith.constant 0 : i32
      %dma_start3A_31 = tpu.memref_slice %arg7[%add3A_29, %dma_start3A_30] : memref<80x128xi32, #tpu.memory_space<vmem>> -> memref<1x128xi32, #tpu.memory_space<vmem>>
      %dma_start3A_32 = tpu.memref_squeeze %dma_start3A_31 : memref<1x128xi32, #tpu.memory_space<vmem>> -> memref<128xi32, #tpu.memory_space<vmem>>
      %dma_start3A_33 = arith.constant 0 : i32
      %dma_start3A_34 = arith.constant 0 : i32
      %dma_start3A_35 = tpu.memref_slice %arg6[%dma_start3A_33, %dma_start3A_34] : memref<10240x128xf32, #tpu.memory_space<vmem_shared>> -> memref<10240x128xf32, #tpu.memory_space<vmem_shared>>
      tpu.enqueue_indirect_dma source(%arg8 : memref<128x128xf32, #tpu.memory_space<vmem>>) target(%dma_start3A_35 : memref<10240x128xf32, #tpu.memory_space<vmem_shared>>) offsets(%dma_start3A_32 : memref<128xi32, #tpu.memory_space<vmem>>) semaphore(%arg9 : memref<!tpu.dma_semaphore, #tpu.memory_space<semaphore_mem>>) {add = true}
      %mul3A_36 = arith.constant 8 : i32
      %mul3A_37 = arith.muli %add3A_16, %mul3A_36 : i32
      %add3A_38 = arith.constant 2 : i32
      %add3A_39 = arith.addi %mul3A_37, %add3A_38 : i32
      %dma_start3A_40 = arith.constant 0 : i32
      %dma_start3A_41 = tpu.memref_slice %arg7[%add3A_39, %dma_start3A_40] : memref<80x128xi32, #tpu.memory_space<vmem>> -> memref<1x128xi32, #tpu.memory_space<vmem>>
      %dma_start3A_42 = tpu.memref_squeeze %dma_start3A_41 : memref<1x128xi32, #tpu.memory_space<vmem>> -> memref<128xi32, #tpu.memory_space<vmem>>
      %dma_start3A_43 = arith.constant 0 : i32
      %dma_start3A_44 = arith.constant 0 : i32
      %dma_start3A_45 = tpu.memref_slice %arg6[%dma_start3A_43, %dma_start3A_44] : memref<10240x128xf32, #tpu.memory_space<vmem_shared>> -> memref<10240x128xf32, #tpu.memory_space<vmem_shared>>
      tpu.enqueue_indirect_dma source(%arg8 : memref<128x128xf32, #tpu.memory_space<vmem>>) target(%dma_start3A_45 : memref<10240x128xf32, #tpu.memory_space<vmem_shared>>) offsets(%dma_start3A_42 : memref<128xi32, #tpu.memory_space<vmem>>) semaphore(%arg9 : memref<!tpu.dma_semaphore, #tpu.memory_space<semaphore_mem>>) {add = true}
      %mul3A_46 = arith.constant 8 : i32
      %mul3A_47 = arith.muli %add3A_16, %mul3A_46 : i32
      %add3A_48 = arith.constant 3 : i32
      %add3A_49 = arith.addi %mul3A_47, %add3A_48 : i32
      %dma_start3A_50 = arith.constant 0 : i32
      %dma_start3A_51 = tpu.memref_slice %arg7[%add3A_49, %dma_start3A_50] : memref<80x128xi32, #tpu.memory_space<vmem>> -> memref<1x128xi32, #tpu.memory_space<vmem>>
      %dma_start3A_52 = tpu.memref_squeeze %dma_start3A_51 : memref<1x128xi32, #tpu.memory_space<vmem>> -> memref<128xi32, #tpu.memory_space<vmem>>
      %dma_start3A_53 = arith.constant 0 : i32
      %dma_start3A_54 = arith.constant 0 : i32
      %dma_start3A_55 = tpu.memref_slice %arg6[%dma_start3A_53, %dma_start3A_54] : memref<10240x128xf32, #tpu.memory_space<vmem_shared>> -> memref<10240x128xf32, #tpu.memory_space<vmem_shared>>
      tpu.enqueue_indirect_dma source(%arg8 : memref<128x128xf32, #tpu.memory_space<vmem>>) target(%dma_start3A_55 : memref<10240x128xf32, #tpu.memory_space<vmem_shared>>) offsets(%dma_start3A_52 : memref<128xi32, #tpu.memory_space<vmem>>) semaphore(%arg9 : memref<!tpu.dma_semaphore, #tpu.memory_space<semaphore_mem>>) {add = true}
      %mul3A_56 = arith.constant 8 : i32
      %mul3A_57 = arith.muli %add3A_16, %mul3A_56 : i32
      %add3A_58 = arith.constant 4 : i32
      %add3A_59 = arith.addi %mul3A_57, %add3A_58 : i32
      %dma_start3A_60 = arith.constant 0 : i32
      %dma_start3A_61 = tpu.memref_slice %arg7[%add3A_59, %dma_start3A_60] : memref<80x128xi32, #tpu.memory_space<vmem>> -> memref<1x128xi32, #tpu.memory_space<vmem>>
      %dma_start3A_62 = tpu.memref_squeeze %dma_start3A_61 : memref<1x128xi32, #tpu.memory_space<vmem>> -> memref<128xi32, #tpu.memory_space<vmem>>
      %dma_start3A_63 = arith.constant 0 : i32
      %dma_start3A_64 = arith.constant 0 : i32
      %dma_start3A_65 = tpu.memref_slice %arg6[%dma_start3A_63, %dma_start3A_64] : memref<10240x128xf32, #tpu.memory_space<vmem_shared>> -> memref<10240x128xf32, #tpu.memory_space<vmem_shared>>
      tpu.enqueue_indirect_dma source(%arg8 : memref<128x128xf32, #tpu.memory_space<vmem>>) target(%dma_start3A_65 : memref<10240x128xf32, #tpu.memory_space<vmem_shared>>) offsets(%dma_start3A_62 : memref<128xi32, #tpu.memory_space<vmem>>) semaphore(%arg9 : memref<!tpu.dma_semaphore, #tpu.memory_space<semaphore_mem>>) {add = true}
      %mul3A_66 = arith.constant 8 : i32
      %mul3A_67 = arith.muli %add3A_16, %mul3A_66 : i32
      %add3A_68 = arith.constant 5 : i32
      %add3A_69 = arith.addi %mul3A_67, %add3A_68 : i32
      %dma_start3A_70 = arith.constant 0 : i32
      %dma_start3A_71 = tpu.memref_slice %arg7[%add3A_69, %dma_start3A_70] : memref<80x128xi32, #tpu.memory_space<vmem>> -> memref<1x128xi32, #tpu.memory_space<vmem>>
      %dma_start3A_72 = tpu.memref_squeeze %dma_start3A_71 : memref<1x128xi32, #tpu.memory_space<vmem>> -> memref<128xi32, #tpu.memory_space<vmem>>
      %dma_start3A_73 = arith.constant 0 : i32
      %dma_start3A_74 = arith.constant 0 : i32
      %dma_start3A_75 = tpu.memref_slice %arg6[%dma_start3A_73, %dma_start3A_74] : memref<10240x128xf32, #tpu.memory_space<vmem_shared>> -> memref<10240x128xf32, #tpu.memory_space<vmem_shared>>
      tpu.enqueue_indirect_dma source(%arg8 : memref<128x128xf32, #tpu.memory_space<vmem>>) target(%dma_start3A_75 : memref<10240x128xf32, #tpu.memory_space<vmem_shared>>) offsets(%dma_start3A_72 : memref<128xi32, #tpu.memory_space<vmem>>) semaphore(%arg9 : memref<!tpu.dma_semaphore, #tpu.memory_space<semaphore_mem>>) {add = true}
      %mul3A_76 = arith.constant 8 : i32
      %mul3A_77 = arith.muli %add3A_16, %mul3A_76 : i32
      %add3A_78 = arith.constant 6 : i32
      %add3A_79 = arith.addi %mul3A_77, %add3A_78 : i32
      %dma_start3A_80 = arith.constant 0 : i32
      %dma_start3A_81 = tpu.memref_slice %arg7[%add3A_79, %dma_start3A_80] : memref<80x128xi32, #tpu.memory_space<vmem>> -> memref<1x128xi32, #tpu.memory_space<vmem>>
      %dma_start3A_82 = tpu.memref_squeeze %dma_start3A_81 : memref<1x128xi32, #tpu.memory_space<vmem>> -> memref<128xi32, #tpu.memory_space<vmem>>
      %dma_start3A_83 = arith.constant 0 : i32
      %dma_start3A_84 = arith.constant 0 : i32
      %dma_start3A_85 = tpu.memref_slice %arg6[%dma_start3A_83, %dma_start3A_84] : memref<10240x128xf32, #tpu.memory_space<vmem_shared>> -> memref<10240x128xf32, #tpu.memory_space<vmem_shared>>
      tpu.enqueue_indirect_dma source(%arg8 : memref<128x128xf32, #tpu.memory_space<vmem>>) target(%dma_start3A_85 : memref<10240x128xf32, #tpu.memory_space<vmem_shared>>) offsets(%dma_start3A_82 : memref<128xi32, #tpu.memory_space<vmem>>) semaphore(%arg9 : memref<!tpu.dma_semaphore, #tpu.memory_space<semaphore_mem>>) {add = true}
      %mul3A_86 = arith.constant 8 : i32
      %mul3A_87 = arith.muli %add3A_16, %mul3A_86 : i32
      %add3A_88 = arith.constant 7 : i32
      %add3A_89 = arith.addi %mul3A_87, %add3A_88 : i32
      %dma_start3A_90 = arith.constant 0 : i32
      %dma_start3A_91 = tpu.memref_slice %arg7[%add3A_89, %dma_start3A_90] : memref<80x128xi32, #tpu.memory_space<vmem>> -> memref<1x128xi32, #tpu.memory_space<vmem>>
      %dma_start3A_92 = tpu.memref_squeeze %dma_start3A_91 : memref<1x128xi32, #tpu.memory_space<vmem>> -> memref<128xi32, #tpu.memory_space<vmem>>
      %dma_start3A_93 = arith.constant 0 : i32
      %dma_start3A_94 = arith.constant 0 : i32
      %dma_start3A_95 = tpu.memref_slice %arg6[%dma_start3A_93, %dma_start3A_94] : memref<10240x128xf32, #tpu.memory_space<vmem_shared>> -> memref<10240x128xf32, #tpu.memory_space<vmem_shared>>
      tpu.enqueue_indirect_dma source(%arg8 : memref<128x128xf32, #tpu.memory_space<vmem>>) target(%dma_start3A_95 : memref<10240x128xf32, #tpu.memory_space<vmem_shared>>) offsets(%dma_start3A_92 : memref<128xi32, #tpu.memory_space<vmem>>) semaphore(%arg9 : memref<!tpu.dma_semaphore, #tpu.memory_space<semaphore_mem>>) {add = true}
      %dma_wait3A = arith.constant 0 : i32
      %dma_wait3A_96 = tpu.memref_slice %arg7[%add3A_20, %dma_wait3A] : memref<80x128xi32, #tpu.memory_space<vmem>> -> memref<1x128xi32, #tpu.memory_space<vmem>>
      %dma_wait3A_97 = tpu.memref_squeeze %dma_wait3A_96 : memref<1x128xi32, #tpu.memory_space<vmem>> -> memref<128xi32, #tpu.memory_space<vmem>>
      %dma_wait3A_98 = arith.constant 0 : i32
      %dma_wait3A_99 = arith.constant 0 : i32
      %dma_wait3A_100 = tpu.memref_slice %arg6[%dma_wait3A_98, %dma_wait3A_99] : memref<10240x128xf32, #tpu.memory_space<vmem_shared>> -> memref<10240x128xf32, #tpu.memory_space<vmem_shared>>
      tpu.wait_indirect_dma semaphore(%arg9 : memref<!tpu.dma_semaphore, #tpu.memory_space<semaphore_mem>>) src(%arg8 : memref<128x128xf32, #tpu.memory_space<vmem>>) dst(%dma_wait3A_100 : memref<10240x128xf32, #tpu.memory_space<vmem_shared>>)
      %dma_wait3A_101 = arith.constant 0 : i32
      %dma_wait3A_102 = tpu.memref_slice %arg7[%add3A_29, %dma_wait3A_101] : memref<80x128xi32, #tpu.memory_space<vmem>> -> memref<1x128xi32, #tpu.memory_space<vmem>>
      %dma_wait3A_103 = tpu.memref_squeeze %dma_wait3A_102 : memref<1x128xi32, #tpu.memory_space<vmem>> -> memref<128xi32, #tpu.memory_space<vmem>>
      %dma_wait3A_104 = arith.constant 0 : i32
      %dma_wait3A_105 = arith.constant 0 : i32
      %dma_wait3A_106 = tpu.memref_slice %arg6[%dma_wait3A_104, %dma_wait3A_105] : memref<10240x128xf32, #tpu.memory_space<vmem_shared>> -> memref<10240x128xf32, #tpu.memory_space<vmem_shared>>
      tpu.wait_indirect_dma semaphore(%arg9 : memref<!tpu.dma_semaphore, #tpu.memory_space<semaphore_mem>>) src(%arg8 : memref<128x128xf32, #tpu.memory_space<vmem>>) dst(%dma_wait3A_106 : memref<10240x128xf32, #tpu.memory_space<vmem_shared>>)
      %dma_wait3A_107 = arith.constant 0 : i32
      %dma_wait3A_108 = tpu.memref_slice %arg7[%add3A_39, %dma_wait3A_107] : memref<80x128xi32, #tpu.memory_space<vmem>> -> memref<1x128xi32, #tpu.memory_space<vmem>>
      %dma_wait3A_109 = tpu.memref_squeeze %dma_wait3A_108 : memref<1x128xi32, #tpu.memory_space<vmem>> -> memref<128xi32, #tpu.memory_space<vmem>>
      %dma_wait3A_110 = arith.constant 0 : i32
      %dma_wait3A_111 = arith.constant 0 : i32
      %dma_wait3A_112 = tpu.memref_slice %arg6[%dma_wait3A_110, %dma_wait3A_111] : memref<10240x128xf32, #tpu.memory_space<vmem_shared>> -> memref<10240x128xf32, #tpu.memory_space<vmem_shared>>
      tpu.wait_indirect_dma semaphore(%arg9 : memref<!tpu.dma_semaphore, #tpu.memory_space<semaphore_mem>>) src(%arg8 : memref<128x128xf32, #tpu.memory_space<vmem>>) dst(%dma_wait3A_112 : memref<10240x128xf32, #tpu.memory_space<vmem_shared>>)
      %dma_wait3A_113 = arith.constant 0 : i32
      %dma_wait3A_114 = tpu.memref_slice %arg7[%add3A_49, %dma_wait3A_113] : memref<80x128xi32, #tpu.memory_space<vmem>> -> memref<1x128xi32, #tpu.memory_space<vmem>>
      %dma_wait3A_115 = tpu.memref_squeeze %dma_wait3A_114 : memref<1x128xi32, #tpu.memory_space<vmem>> -> memref<128xi32, #tpu.memory_space<vmem>>
      %dma_wait3A_116 = arith.constant 0 : i32
      %dma_wait3A_117 = arith.constant 0 : i32
      %dma_wait3A_118 = tpu.memref_slice %arg6[%dma_wait3A_116, %dma_wait3A_117] : memref<10240x128xf32, #tpu.memory_space<vmem_shared>> -> memref<10240x128xf32, #tpu.memory_space<vmem_shared>>
      tpu.wait_indirect_dma semaphore(%arg9 : memref<!tpu.dma_semaphore, #tpu.memory_space<semaphore_mem>>) src(%arg8 : memref<128x128xf32, #tpu.memory_space<vmem>>) dst(%dma_wait3A_118 : memref<10240x128xf32, #tpu.memory_space<vmem_shared>>)
      %dma_wait3A_119 = arith.constant 0 : i32
      %dma_wait3A_120 = tpu.memref_slice %arg7[%add3A_59, %dma_wait3A_119] : memref<80x128xi32, #tpu.memory_space<vmem>> -> memref<1x128xi32, #tpu.memory_space<vmem>>
      %dma_wait3A_121 = tpu.memref_squeeze %dma_wait3A_120 : memref<1x128xi32, #tpu.memory_space<vmem>> -> memref<128xi32, #tpu.memory_space<vmem>>
      %dma_wait3A_122 = arith.constant 0 : i32
      %dma_wait3A_123 = arith.constant 0 : i32
      %dma_wait3A_124 = tpu.memref_slice %arg6[%dma_wait3A_122, %dma_wait3A_123] : memref<10240x128xf32, #tpu.memory_space<vmem_shared>> -> memref<10240x128xf32, #tpu.memory_space<vmem_shared>>
      tpu.wait_indirect_dma semaphore(%arg9 : memref<!tpu.dma_semaphore, #tpu.memory_space<semaphore_mem>>) src(%arg8 : memref<128x128xf32, #tpu.memory_space<vmem>>) dst(%dma_wait3A_124 : memref<10240x128xf32, #tpu.memory_space<vmem_shared>>)
      %dma_wait3A_125 = arith.constant 0 : i32
      %dma_wait3A_126 = tpu.memref_slice %arg7[%add3A_69, %dma_wait3A_125] : memref<80x128xi32, #tpu.memory_space<vmem>> -> memref<1x128xi32, #tpu.memory_space<vmem>>
      %dma_wait3A_127 = tpu.memref_squeeze %dma_wait3A_126 : memref<1x128xi32, #tpu.memory_space<vmem>> -> memref<128xi32, #tpu.memory_space<vmem>>
      %dma_wait3A_128 = arith.constant 0 : i32
      %dma_wait3A_129 = arith.constant 0 : i32
      %dma_wait3A_130 = tpu.memref_slice %arg6[%dma_wait3A_128, %dma_wait3A_129] : memref<10240x128xf32, #tpu.memory_space<vmem_shared>> -> memref<10240x128xf32, #tpu.memory_space<vmem_shared>>
      tpu.wait_indirect_dma semaphore(%arg9 : memref<!tpu.dma_semaphore, #tpu.memory_space<semaphore_mem>>) src(%arg8 : memref<128x128xf32, #tpu.memory_space<vmem>>) dst(%dma_wait3A_130 : memref<10240x128xf32, #tpu.memory_space<vmem_shared>>)
      %dma_wait3A_131 = arith.constant 0 : i32
      %dma_wait3A_132 = tpu.memref_slice %arg7[%add3A_79, %dma_wait3A_131] : memref<80x128xi32, #tpu.memory_space<vmem>> -> memref<1x128xi32, #tpu.memory_space<vmem>>
      %dma_wait3A_133 = tpu.memref_squeeze %dma_wait3A_132 : memref<1x128xi32, #tpu.memory_space<vmem>> -> memref<128xi32, #tpu.memory_space<vmem>>
      %dma_wait3A_134 = arith.constant 0 : i32
      %dma_wait3A_135 = arith.constant 0 : i32
      %dma_wait3A_136 = tpu.memref_slice %arg6[%dma_wait3A_134, %dma_wait3A_135] : memref<10240x128xf32, #tpu.memory_space<vmem_shared>> -> memref<10240x128xf32, #tpu.memory_space<vmem_shared>>
      tpu.wait_indirect_dma semaphore(%arg9 : memref<!tpu.dma_semaphore, #tpu.memory_space<semaphore_mem>>) src(%arg8 : memref<128x128xf32, #tpu.memory_space<vmem>>) dst(%dma_wait3A_136 : memref<10240x128xf32, #tpu.memory_space<vmem_shared>>)
      %dma_wait3A_137 = arith.constant 0 : i32
      %dma_wait3A_138 = tpu.memref_slice %arg7[%add3A_89, %dma_wait3A_137] : memref<80x128xi32, #tpu.memory_space<vmem>> -> memref<1x128xi32, #tpu.memory_space<vmem>>
      %dma_wait3A_139 = tpu.memref_squeeze %dma_wait3A_138 : memref<1x128xi32, #tpu.memory_space<vmem>> -> memref<128xi32, #tpu.memory_space<vmem>>
      %dma_wait3A_140 = arith.constant 0 : i32
      %dma_wait3A_141 = arith.constant 0 : i32
      %dma_wait3A_142 = tpu.memref_slice %arg6[%dma_wait3A_140, %dma_wait3A_141] : memref<10240x128xf32, #tpu.memory_space<vmem_shared>> -> memref<10240x128xf32, #tpu.memory_space<vmem_shared>>
      tpu.wait_indirect_dma semaphore(%arg9 : memref<!tpu.dma_semaphore, #tpu.memory_space<semaphore_mem>>) src(%arg8 : memref<128x128xf32, #tpu.memory_space<vmem>>) dst(%dma_wait3A_142 : memref<10240x128xf32, #tpu.memory_space<vmem_shared>>)
    }
    %scan3A_6 = arith.constant 10 : i32
    %barrier3A_7 = arith.constant 0 : index
    tpu.barrier barrier_id(%barrier3A_7)
    %mul3A_8 = arith.constant 640 : i32
    %mul3A_9 = arith.muli %arg1, %mul3A_8 : i32
    %mul3A_10 = arith.constant 640 : i32
    %mul3A_11 = arith.muli %arg1, %mul3A_10 : i32
    "tpu.region"() ({
      %run_scoped3A = tpu.sem_alloc : memref<!tpu.dma_semaphore, #tpu.memory_space<semaphore_mem>>
      %dma_start3A = arith.constant 0 : i32
      %dma_start3A_12 = tpu.memref_slice %arg5[%arg0, %mul3A_11, %dma_start3A] : memref<2x10240x128xf32, #tpu.memory_space<hbm>> -> memref<1x640x128xf32, #tpu.memory_space<hbm>>
      %dma_start3A_13 = tpu.memref_squeeze %dma_start3A_12 : memref<1x640x128xf32, #tpu.memory_space<hbm>> -> memref<640x128xf32, #tpu.memory_space<hbm>>
      %dma_start3A_14 = arith.constant 0 : i32
      %dma_start3A_15 = tpu.memref_slice %arg6[%mul3A_9, %dma_start3A_14] : memref<10240x128xf32, #tpu.memory_space<vmem_shared>> -> memref<640x128xf32, #tpu.memory_space<vmem_shared>>
      tpu.enqueue_dma source(%dma_start3A_15 : memref<640x128xf32, #tpu.memory_space<vmem_shared>>) target(%dma_start3A_13 : memref<640x128xf32, #tpu.memory_space<hbm>>) target_semaphore(%run_scoped3A : memref<!tpu.dma_semaphore, #tpu.memory_space<semaphore_mem>>)
      %dma_wait3A = arith.constant 0 : i32
      %dma_wait3A_16 = tpu.memref_slice %arg5[%arg0, %mul3A_11, %dma_wait3A] : memref<2x10240x128xf32, #tpu.memory_space<hbm>> -> memref<1x640x128xf32, #tpu.memory_space<hbm>>
      %dma_wait3A_17 = tpu.memref_squeeze %dma_wait3A_16 : memref<1x640x128xf32, #tpu.memory_space<hbm>> -> memref<640x128xf32, #tpu.memory_space<hbm>>
      %dma_wait3A_18 = arith.constant 0 : i32
      %dma_wait3A_19 = tpu.memref_slice %arg6[%mul3A_9, %dma_wait3A_18] : memref<10240x128xf32, #tpu.memory_space<vmem_shared>> -> memref<640x128xf32, #tpu.memory_space<vmem_shared>>
      tpu.wait_dma2 semaphore(%run_scoped3A : memref<!tpu.dma_semaphore, #tpu.memory_space<semaphore_mem>>) src(%dma_wait3A_19 : memref<640x128xf32, #tpu.memory_space<vmem_shared>>) dst(%dma_wait3A_17 : memref<640x128xf32, #tpu.memory_space<hbm>>)
      tpu.yield
    }) : () -> ()
    return
  }
}

module attributes {stable_mosaic.version = 14 : i64} {
  func.func @_dinv_body(%arg0: i32, %arg1: memref<2x1024x128xf32, #tpu.memory_space<vmem>>, %arg2: memref<1024x128xf32, #tpu.memory_space<vmem>>, %arg3: memref<1024x16xf32, #tpu.memory_space<vmem>>, %arg4: memref<1024x128xf32, #tpu.memory_space<vmem>>) attributes {dimension_semantics = [#tpu.dimension_semantics<arbitrary>], iteration_bounds = array<i64: 10>, scalar_prefetch = 0 : i64, scratch_operands = 0 : i64, tpu.core_type = #tpu.core_type<tc>, window_params = [{transform_indices = @transform_0, window_bounds = array<i64: 2, 1024, 128>}, {transform_indices = @transform_1, window_bounds = array<i64: 1024, 128>}, {transform_indices = @transform_2, window_bounds = array<i64: 1024, 16>}, {transform_indices = @transform_3, window_bounds = array<i64: 1024, 128>}]} {
    %get3A = arith.constant 0 : index
    %get3A_0 = arith.constant 0 : index
    %get3A_1 = arith.constant 0 : index
    %get3A_2 = vector.load %arg1[%get3A, %get3A_0, %get3A_1] : memref<2x1024x128xf32, #tpu.memory_space<vmem>>, vector<1x1024x1xf32>
    %get3A_3 = vector.shape_cast %get3A_2 : vector<1x1024x1xf32> to vector<1024x1xf32>
    %get3A_4 = arith.constant 1 : index
    %get3A_5 = arith.constant 0 : index
    %get3A_6 = arith.constant 0 : index
    %get3A_7 = vector.load %arg1[%get3A_4, %get3A_5, %get3A_6] : memref<2x1024x128xf32, #tpu.memory_space<vmem>>, vector<1x1024x1xf32>
    %get3A_8 = vector.shape_cast %get3A_7 : vector<1x1024x1xf32> to vector<1024x1xf32>
    %add3A = arith.addf %get3A_3, %get3A_8 : vector<1024x1xf32>
    %max3A = arith.constant 1.000000e+00 : f32
    %max3A_9 = vector.broadcast %max3A : f32 to vector<1024x1xf32>
    %max3A_10 = arith.maximumf %add3A, %max3A_9 : vector<1024x1xf32>
    %rsqrt3A = math.rsqrt %max3A_10 : vector<1024x1xf32>
    %broadcast_in_dim3A = vector.shape_cast %rsqrt3A : vector<1024x1xf32> to vector<1024x1xf32>
    %broadcast_in_dim3A_11 = vector.broadcast %broadcast_in_dim3A : vector<1024x1xf32> to vector<1024x16xf32>
    %swap3A = arith.constant 0 : index
    %swap3A_12 = arith.constant 0 : index
    %swap3A_13 = vector.load %arg3[%swap3A, %swap3A_12] : memref<1024x16xf32, #tpu.memory_space<vmem>>, vector<1024x16xf32>
    tpu.vector_store %arg3[%swap3A, %swap3A_12], %broadcast_in_dim3A_11 {strides = array<i32>} : memref<1024x16xf32, #tpu.memory_space<vmem>>, vector<1024x16xf32>,
    %get3A_14 = arith.constant 0 : index
    %get3A_15 = arith.constant 0 : index
    %get3A_16 = vector.load %arg2[%get3A_14, %get3A_15] : memref<1024x128xf32, #tpu.memory_space<vmem>>, vector<1024x128xf32>
    %mul3A = vector.broadcast %rsqrt3A : vector<1024x1xf32> to vector<1024x128xf32>
    %mul3A_17 = arith.mulf %get3A_16, %mul3A : vector<1024x128xf32>
    %swap3A_18 = arith.constant 0 : index
    %swap3A_19 = arith.constant 0 : index
    %swap3A_20 = vector.load %arg4[%swap3A_18, %swap3A_19] : memref<1024x128xf32, #tpu.memory_space<vmem>>, vector<1024x128xf32>
    tpu.vector_store %arg4[%swap3A_18, %swap3A_19], %mul3A_17 {strides = array<i32>} : memref<1024x128xf32, #tpu.memory_space<vmem>>, vector<1024x128xf32>,
    return
  }
  func.func @transform_0(%arg0: i32) -> (i32, i32, i32) {
    %c0_i32 = arith.constant 0 : i32
    %c0_i32_0 = arith.constant 0 : i32
    %c0_i32_1 = arith.constant 0 : i32
    return %c0_i32, %arg0, %c0_i32_0 : i32, i32, i32
  }
  func.func @transform_1(%arg0: i32) -> (i32, i32) {
    %c0_i32 = arith.constant 0 : i32
    %c0_i32_0 = arith.constant 0 : i32
    return %arg0, %c0_i32 : i32, i32
  }
  func.func @transform_2(%arg0: i32) -> (i32, i32) {
    %c0_i32 = arith.constant 0 : i32
    %c0_i32_0 = arith.constant 0 : i32
    return %arg0, %c0_i32 : i32, i32
  }
  func.func @transform_3(%arg0: i32) -> (i32, i32) {
    %c0_i32 = arith.constant 0 : i32
    %c0_i32_0 = arith.constant 0 : i32
    return %arg0, %c0_i32 : i32, i32
  }
}

module attributes {stable_mosaic.version = 14 : i64} {
  func.func @_mm1_body(%arg0: i32, %arg1: memref<2x1024x128xf32, #tpu.memory_space<vmem>>, %arg2: memref<1024x128xf32, #tpu.memory_space<vmem>>, %arg3: memref<1024x16xf32, #tpu.memory_space<vmem>>, %arg4: memref<128x256xf32, #tpu.memory_space<vmem>>, %arg5: memref<1x256xf32, #tpu.memory_space<vmem>>, %arg6: memref<1024x256xf32, #tpu.memory_space<vmem>>, %arg7: memref<1024x128xf32, #tpu.memory_space<vmem>>, %arg8: memref<1024x128xf32, #tpu.memory_space<vmem>>) attributes {dimension_semantics = [#tpu.dimension_semantics<arbitrary>], iteration_bounds = array<i64: 10>, scalar_prefetch = 0 : i64, scratch_operands = 0 : i64, tpu.core_type = #tpu.core_type<tc>, window_params = [{transform_indices = @transform_0, window_bounds = array<i64: 2, 1024, 128>}, {transform_indices = @transform_1, window_bounds = array<i64: 1024, 128>}, {transform_indices = @transform_2, window_bounds = array<i64: 1024, 16>}, {pipeline_mode = #tpu.pipeline_mode<synchronous>, transform_indices = @transform_3, window_bounds = array<i64: 128, 256>}, {pipeline_mode = #tpu.pipeline_mode<synchronous>, transform_indices = @transform_4, window_bounds = array<i64: 1, 256>}, {transform_indices = @transform_5, window_bounds = array<i64: 1024, 256>}, {transform_indices = @transform_6, window_bounds = array<i64: 1024, 128>}, {transform_indices = @transform_7, window_bounds = array<i64: 1024, 128>}]} {
    %get3A = arith.constant 0 : index
    %get3A_0 = arith.constant 0 : index
    %get3A_1 = vector.load %arg3[%get3A, %get3A_0] : memref<1024x16xf32, #tpu.memory_space<vmem>>, vector<1024x1xf32>
    %get3A_2 = arith.constant 0 : index
    %get3A_3 = arith.constant 0 : index
    %get3A_4 = arith.constant 0 : index
    %get3A_5 = vector.load %arg1[%get3A_2, %get3A_3, %get3A_4] : memref<2x1024x128xf32, #tpu.memory_space<vmem>>, vector<1x1024x128xf32>
    %get3A_6 = vector.shape_cast %get3A_5 : vector<1x1024x128xf32> to vector<1024x128xf32>
    %get3A_7 = arith.constant 1 : index
    %get3A_8 = arith.constant 0 : index
    %get3A_9 = arith.constant 0 : index
    %get3A_10 = vector.load %arg1[%get3A_7, %get3A_8, %get3A_9] : memref<2x1024x128xf32, #tpu.memory_space<vmem>>, vector<1x1024x128xf32>
    %get3A_11 = vector.shape_cast %get3A_10 : vector<1x1024x128xf32> to vector<1024x128xf32>
    %add3A = arith.addf %get3A_6, %get3A_11 : vector<1024x128xf32>
    %get3A_12 = arith.constant 0 : index
    %get3A_13 = arith.constant 0 : index
    %get3A_14 = vector.load %arg2[%get3A_12, %get3A_13] : memref<1024x128xf32, #tpu.memory_space<vmem>>, vector<1024x128xf32>
    %add3A_15 = arith.addf %add3A, %get3A_14 : vector<1024x128xf32>
    %mul3A = vector.broadcast %get3A_1 : vector<1024x1xf32> to vector<1024x128xf32>
    %mul3A_16 = arith.mulf %add3A_15, %mul3A : vector<1024x128xf32>
    %get3A_17 = arith.constant 0 : index
    %get3A_18 = arith.constant 0 : index
    %get3A_19 = vector.load %arg4[%get3A_17, %get3A_18] : memref<128x256xf32, #tpu.memory_space<vmem>>, vector<128x256xf32>
    %dot_general3A = arith.constant dense<0.000000e+00> : vector<1024x256xf32>
    %dot_general3A_20 = tpu.matmul %mul3A_16, %get3A_19, %dot_general3A {dimension_numbers = #tpu.dot_dimension_numbers<[1], [0], [0], [1], [0, 0, 1, 1], [], []>, transpose_lhs_hint = false} : vector<1024x128xf32>, vector<128x256xf32>, vector<1024x256xf32> -> vector<1024x256xf32>
    %get3A_21 = arith.constant 0 : index
    %get3A_22 = arith.constant 0 : index
    %get3A_23 = vector.load %arg5[%get3A_21, %get3A_22] : memref<1x256xf32, #tpu.memory_space<vmem>>, vector<1x256xf32>
    %add3A_24 = vector.broadcast %get3A_23 : vector<1x256xf32> to vector<1024x256xf32>
    %add3A_25 = arith.addf %dot_general3A_20, %add3A_24 : vector<1024x256xf32>
    %max3A = arith.constant 0.000000e+00 : f32
    %max3A_26 = vector.broadcast %max3A : f32 to vector<1024x256xf32>
    %max3A_27 = arith.maximumf %add3A_25, %max3A_26 : vector<1024x256xf32>
    %swap3A = arith.constant 0 : index
    %swap3A_28 = arith.constant 0 : index
    %swap3A_29 = vector.load %arg6[%swap3A, %swap3A_28] : memref<1024x256xf32, #tpu.memory_space<vmem>>, vector<1024x256xf32>
    tpu.vector_store %arg6[%swap3A, %swap3A_28], %max3A_27 {strides = array<i32>} : memref<1024x256xf32, #tpu.memory_space<vmem>>, vector<1024x256xf32>,
    %slice3A = vector.extract_strided_slice %max3A_27 {offsets = [0, 0], sizes = [1024, 128], strides = [1, 1]} : vector<1024x256xf32> to vector<1024x128xf32>
    %mul3A_30 = vector.broadcast %get3A_1 : vector<1024x1xf32> to vector<1024x128xf32>
    %mul3A_31 = arith.mulf %slice3A, %mul3A_30 : vector<1024x128xf32>
    %swap3A_32 = arith.constant 0 : index
    %swap3A_33 = arith.constant 0 : index
    %swap3A_34 = vector.load %arg7[%swap3A_32, %swap3A_33] : memref<1024x128xf32, #tpu.memory_space<vmem>>, vector<1024x128xf32>
    tpu.vector_store %arg7[%swap3A_32, %swap3A_33], %mul3A_31 {strides = array<i32>} : memref<1024x128xf32, #tpu.memory_space<vmem>>, vector<1024x128xf32>,
    %slice3A_35 = vector.extract_strided_slice %max3A_27 {offsets = [0, 128], sizes = [1024, 128], strides = [1, 1]} : vector<1024x256xf32> to vector<1024x128xf32>
    %mul3A_36 = vector.broadcast %get3A_1 : vector<1024x1xf32> to vector<1024x128xf32>
    %mul3A_37 = arith.mulf %slice3A_35, %mul3A_36 : vector<1024x128xf32>
    %swap3A_38 = arith.constant 0 : index
    %swap3A_39 = arith.constant 0 : index
    %swap3A_40 = vector.load %arg8[%swap3A_38, %swap3A_39] : memref<1024x128xf32, #tpu.memory_space<vmem>>, vector<1024x128xf32>
    tpu.vector_store %arg8[%swap3A_38, %swap3A_39], %mul3A_37 {strides = array<i32>} : memref<1024x128xf32, #tpu.memory_space<vmem>>, vector<1024x128xf32>,
    return
  }
  func.func @transform_0(%arg0: i32) -> (i32, i32, i32) {
    %c0_i32 = arith.constant 0 : i32
    %c0_i32_0 = arith.constant 0 : i32
    %c0_i32_1 = arith.constant 0 : i32
    return %c0_i32, %arg0, %c0_i32_0 : i32, i32, i32
  }
  func.func @transform_1(%arg0: i32) -> (i32, i32) {
    %c0_i32 = arith.constant 0 : i32
    %c0_i32_0 = arith.constant 0 : i32
    return %arg0, %c0_i32 : i32, i32
  }
  func.func @transform_2(%arg0: i32) -> (i32, i32) {
    %c0_i32 = arith.constant 0 : i32
    %c0_i32_0 = arith.constant 0 : i32
    return %arg0, %c0_i32 : i32, i32
  }
  func.func @transform_3(%arg0: i32) -> (i32, i32) {
    %c0_i32 = arith.constant 0 : i32
    %c0_i32_0 = arith.constant 0 : i32
    %c0_i32_1 = arith.constant 0 : i32
    return %c0_i32, %c0_i32_0 : i32, i32
  }
  func.func @transform_4(%arg0: i32) -> (i32, i32) {
    %c0_i32 = arith.constant 0 : i32
    %c0_i32_0 = arith.constant 0 : i32
    %c0_i32_1 = arith.constant 0 : i32
    return %c0_i32, %c0_i32_0 : i32, i32
  }
  func.func @transform_5(%arg0: i32) -> (i32, i32) {
    %c0_i32 = arith.constant 0 : i32
    %c0_i32_0 = arith.constant 0 : i32
    return %arg0, %c0_i32 : i32, i32
  }
  func.func @transform_6(%arg0: i32) -> (i32, i32) {
    %c0_i32 = arith.constant 0 : i32
    %c0_i32_0 = arith.constant 0 : i32
    return %arg0, %c0_i32 : i32, i32
  }
  func.func @transform_7(%arg0: i32) -> (i32, i32) {
    %c0_i32 = arith.constant 0 : i32
    %c0_i32_0 = arith.constant 0 : i32
    return %arg0, %c0_i32 : i32, i32
  }
}

module attributes {stable_mosaic.version = 14 : i64} {
  func.func @_mm2_body(%arg0: i32, %arg1: memref<2x1024x128xf32, #tpu.memory_space<vmem>>, %arg2: memref<2x1024x128xf32, #tpu.memory_space<vmem>>, %arg3: memref<1024x128xf32, #tpu.memory_space<vmem>>, %arg4: memref<1024x128xf32, #tpu.memory_space<vmem>>, %arg5: memref<1024x16xf32, #tpu.memory_space<vmem>>, %arg6: memref<256x256xf32, #tpu.memory_space<vmem>>, %arg7: memref<1x256xf32, #tpu.memory_space<vmem>>, %arg8: memref<256x128xf32, #tpu.memory_space<vmem>>, %arg9: memref<1024x256xf32, #tpu.memory_space<vmem>>, %arg10: memref<1024x128xf32, #tpu.memory_space<vmem>>) attributes {dimension_semantics = [#tpu.dimension_semantics<arbitrary>], iteration_bounds = array<i64: 10>, scalar_prefetch = 0 : i64, scratch_operands = 0 : i64, tpu.core_type = #tpu.core_type<tc>, window_params = [{transform_indices = @transform_0, window_bounds = array<i64: 2, 1024, 128>}, {transform_indices = @transform_1, window_bounds = array<i64: 2, 1024, 128>}, {transform_indices = @transform_2, window_bounds = array<i64: 1024, 128>}, {transform_indices = @transform_3, window_bounds = array<i64: 1024, 128>}, {transform_indices = @transform_4, window_bounds = array<i64: 1024, 16>}, {pipeline_mode = #tpu.pipeline_mode<synchronous>, transform_indices = @transform_5, window_bounds = array<i64: 256, 256>}, {pipeline_mode = #tpu.pipeline_mode<synchronous>, transform_indices = @transform_6, window_bounds = array<i64: 1, 256>}, {pipeline_mode = #tpu.pipeline_mode<synchronous>, transform_indices = @transform_7, window_bounds = array<i64: 256, 128>}, {transform_indices = @transform_8, window_bounds = array<i64: 1024, 256>}, {transform_indices = @transform_9, window_bounds = array<i64: 1024, 128>}]} {
    %get3A = arith.constant 0 : index
    %get3A_0 = arith.constant 0 : index
    %get3A_1 = vector.load %arg5[%get3A, %get3A_0] : memref<1024x16xf32, #tpu.memory_space<vmem>>, vector<1024x1xf32>
    %get3A_2 = arith.constant 0 : index
    %get3A_3 = arith.constant 0 : index
    %get3A_4 = arith.constant 0 : index
    %get3A_5 = vector.load %arg1[%get3A_2, %get3A_3, %get3A_4] : memref<2x1024x128xf32, #tpu.memory_space<vmem>>, vector<1x1024x128xf32>
    %get3A_6 = vector.shape_cast %get3A_5 : vector<1x1024x128xf32> to vector<1024x128xf32>
    %get3A_7 = arith.constant 1 : index
    %get3A_8 = arith.constant 0 : index
    %get3A_9 = arith.constant 0 : index
    %get3A_10 = vector.load %arg1[%get3A_7, %get3A_8, %get3A_9] : memref<2x1024x128xf32, #tpu.memory_space<vmem>>, vector<1x1024x128xf32>
    %get3A_11 = vector.shape_cast %get3A_10 : vector<1x1024x128xf32> to vector<1024x128xf32>
    %add3A = arith.addf %get3A_6, %get3A_11 : vector<1024x128xf32>
    %get3A_12 = arith.constant 0 : index
    %get3A_13 = arith.constant 0 : index
    %get3A_14 = vector.load %arg3[%get3A_12, %get3A_13] : memref<1024x128xf32, #tpu.memory_space<vmem>>, vector<1024x128xf32>
    %add3A_15 = arith.addf %add3A, %get3A_14 : vector<1024x128xf32>
    %mul3A = vector.broadcast %get3A_1 : vector<1024x1xf32> to vector<1024x128xf32>
    %mul3A_16 = arith.mulf %add3A_15, %mul3A : vector<1024x128xf32>
    %get3A_17 = arith.constant 0 : index
    %get3A_18 = arith.constant 0 : index
    %get3A_19 = arith.constant 0 : index
    %get3A_20 = vector.load %arg2[%get3A_17, %get3A_18, %get3A_19] : memref<2x1024x128xf32, #tpu.memory_space<vmem>>, vector<1x1024x128xf32>
    %get3A_21 = vector.shape_cast %get3A_20 : vector<1x1024x128xf32> to vector<1024x128xf32>
    %get3A_22 = arith.constant 1 : index
    %get3A_23 = arith.constant 0 : index
    %get3A_24 = arith.constant 0 : index
    %get3A_25 = vector.load %arg2[%get3A_22, %get3A_23, %get3A_24] : memref<2x1024x128xf32, #tpu.memory_space<vmem>>, vector<1x1024x128xf32>
    %get3A_26 = vector.shape_cast %get3A_25 : vector<1x1024x128xf32> to vector<1024x128xf32>
    %add3A_27 = arith.addf %get3A_21, %get3A_26 : vector<1024x128xf32>
    %get3A_28 = arith.constant 0 : index
    %get3A_29 = arith.constant 0 : index
    %get3A_30 = vector.load %arg4[%get3A_28, %get3A_29] : memref<1024x128xf32, #tpu.memory_space<vmem>>, vector<1024x128xf32>
    %add3A_31 = arith.addf %add3A_27, %get3A_30 : vector<1024x128xf32>
    %mul3A_32 = vector.broadcast %get3A_1 : vector<1024x1xf32> to vector<1024x128xf32>
    %mul3A_33 = arith.mulf %add3A_31, %mul3A_32 : vector<1024x128xf32>
    %get3A_34 = arith.constant 0 : index
    %get3A_35 = arith.constant 0 : index
    %get3A_36 = vector.load %arg6[%get3A_34, %get3A_35] : memref<256x256xf32, #tpu.memory_space<vmem>>, vector<256x256xf32>
    %slice3A = vector.extract_strided_slice %get3A_36 {offsets = [0, 0], sizes = [128, 256], strides = [1, 1]} : vector<256x256xf32> to vector<128x256xf32>
    %dot_general3A = arith.constant dense<0.000000e+00> : vector<1024x256xf32>
    %dot_general3A_37 = tpu.matmul %mul3A_16, %slice3A, %dot_general3A {dimension_numbers = #tpu.dot_dimension_numbers<[1], [0], [0], [1], [0, 0, 1, 1], [], []>, transpose_lhs_hint = false} : vector<1024x128xf32>, vector<128x256xf32>, vector<1024x256xf32> -> vector<1024x256xf32>
    %slice3A_38 = vector.extract_strided_slice %get3A_36 {offsets = [128, 0], sizes = [128, 256], strides = [1, 1]} : vector<256x256xf32> to vector<128x256xf32>
    %dot_general3A_39 = arith.constant dense<0.000000e+00> : vector<1024x256xf32>
    %dot_general3A_40 = tpu.matmul %mul3A_33, %slice3A_38, %dot_general3A_39 {dimension_numbers = #tpu.dot_dimension_numbers<[1], [0], [0], [1], [0, 0, 1, 1], [], []>, transpose_lhs_hint = false} : vector<1024x128xf32>, vector<128x256xf32>, vector<1024x256xf32> -> vector<1024x256xf32>
    %add3A_41 = arith.addf %dot_general3A_37, %dot_general3A_40 : vector<1024x256xf32>
    %get3A_42 = arith.constant 0 : index
    %get3A_43 = arith.constant 0 : index
    %get3A_44 = vector.load %arg7[%get3A_42, %get3A_43] : memref<1x256xf32, #tpu.memory_space<vmem>>, vector<1x256xf32>
    %add3A_45 = vector.broadcast %get3A_44 : vector<1x256xf32> to vector<1024x256xf32>
    %add3A_46 = arith.addf %add3A_41, %add3A_45 : vector<1024x256xf32>
    %max3A = arith.constant 0.000000e+00 : f32
    %max3A_47 = vector.broadcast %max3A : f32 to vector<1024x256xf32>
    %max3A_48 = arith.maximumf %add3A_46, %max3A_47 : vector<1024x256xf32>
    %swap3A = arith.constant 0 : index
    %swap3A_49 = arith.constant 0 : index
    %swap3A_50 = vector.load %arg9[%swap3A, %swap3A_49] : memref<1024x256xf32, #tpu.memory_space<vmem>>, vector<1024x256xf32>
    tpu.vector_store %arg9[%swap3A, %swap3A_49], %max3A_48 {strides = array<i32>} : memref<1024x256xf32, #tpu.memory_space<vmem>>, vector<1024x256xf32>,
    %mul3A_51 = vector.broadcast %get3A_1 : vector<1024x1xf32> to vector<1024x256xf32>
    %mul3A_52 = arith.mulf %max3A_48, %mul3A_51 : vector<1024x256xf32>
    %get3A_53 = arith.constant 0 : index
    %get3A_54 = arith.constant 0 : index
    %get3A_55 = vector.load %arg8[%get3A_53, %get3A_54] : memref<256x128xf32, #tpu.memory_space<vmem>>, vector<256x128xf32>
    %slice3A_56 = vector.extract_strided_slice %mul3A_52 {offsets = [0, 0], sizes = [1024, 128], strides = [1, 1]} : vector<1024x256xf32> to vector<1024x128xf32>
    %slice3A_57 = vector.extract_strided_slice %get3A_55 {offsets = [0, 0], sizes = [128, 128], strides = [1, 1]} : vector<256x128xf32> to vector<128x128xf32>
    %dot_general3A_58 = arith.constant dense<0.000000e+00> : vector<1024x128xf32>
    %dot_general3A_59 = tpu.matmul %slice3A_56, %slice3A_57, %dot_general3A_58 {dimension_numbers = #tpu.dot_dimension_numbers<[1], [0], [0], [1], [0, 0, 1, 1], [], []>, transpose_lhs_hint = false} : vector<1024x128xf32>, vector<128x128xf32>, vector<1024x128xf32> -> vector<1024x128xf32>
    %slice3A_60 = vector.extract_strided_slice %mul3A_52 {offsets = [0, 128], sizes = [1024, 128], strides = [1, 1]} : vector<1024x256xf32> to vector<1024x128xf32>
    %slice3A_61 = vector.extract_strided_slice %get3A_55 {offsets = [128, 0], sizes = [128, 128], strides = [1, 1]} : vector<256x128xf32> to vector<128x128xf32>
    %dot_general3A_62 = arith.constant dense<0.000000e+00> : vector<1024x128xf32>
    %dot_general3A_63 = tpu.matmul %slice3A_60, %slice3A_61, %dot_general3A_62 {dimension_numbers = #tpu.dot_dimension_numbers<[1], [0], [0], [1], [0, 0, 1, 1], [], []>, transpose_lhs_hint = false} : vector<1024x128xf32>, vector<128x128xf32>, vector<1024x128xf32> -> vector<1024x128xf32>
    %add3A_64 = arith.addf %dot_general3A_59, %dot_general3A_63 : vector<1024x128xf32>
    %swap3A_65 = arith.constant 0 : index
    %swap3A_66 = arith.constant 0 : index
    %swap3A_67 = vector.load %arg10[%swap3A_65, %swap3A_66] : memref<1024x128xf32, #tpu.memory_space<vmem>>, vector<1024x128xf32>
    tpu.vector_store %arg10[%swap3A_65, %swap3A_66], %add3A_64 {strides = array<i32>} : memref<1024x128xf32, #tpu.memory_space<vmem>>, vector<1024x128xf32>,
    return
  }
  func.func @transform_0(%arg0: i32) -> (i32, i32, i32) {
    %c0_i32 = arith.constant 0 : i32
    %c0_i32_0 = arith.constant 0 : i32
    %c0_i32_1 = arith.constant 0 : i32
    return %c0_i32, %arg0, %c0_i32_0 : i32, i32, i32
  }
  func.func @transform_1(%arg0: i32) -> (i32, i32, i32) {
    %c0_i32 = arith.constant 0 : i32
    %c0_i32_0 = arith.constant 0 : i32
    %c0_i32_1 = arith.constant 0 : i32
    return %c0_i32, %arg0, %c0_i32_0 : i32, i32, i32
  }
  func.func @transform_2(%arg0: i32) -> (i32, i32) {
    %c0_i32 = arith.constant 0 : i32
    %c0_i32_0 = arith.constant 0 : i32
    return %arg0, %c0_i32 : i32, i32
  }
  func.func @transform_3(%arg0: i32) -> (i32, i32) {
    %c0_i32 = arith.constant 0 : i32
    %c0_i32_0 = arith.constant 0 : i32
    return %arg0, %c0_i32 : i32, i32
  }
  func.func @transform_4(%arg0: i32) -> (i32, i32) {
    %c0_i32 = arith.constant 0 : i32
    %c0_i32_0 = arith.constant 0 : i32
    return %arg0, %c0_i32 : i32, i32
  }
  func.func @transform_5(%arg0: i32) -> (i32, i32) {
    %c0_i32 = arith.constant 0 : i32
    %c0_i32_0 = arith.constant 0 : i32
    %c0_i32_1 = arith.constant 0 : i32
    return %c0_i32, %c0_i32_0 : i32, i32
  }
  func.func @transform_6(%arg0: i32) -> (i32, i32) {
    %c0_i32 = arith.constant 0 : i32
    %c0_i32_0 = arith.constant 0 : i32
    %c0_i32_1 = arith.constant 0 : i32
    return %c0_i32, %c0_i32_0 : i32, i32
  }
  func.func @transform_7(%arg0: i32) -> (i32, i32) {
    %c0_i32 = arith.constant 0 : i32
    %c0_i32_0 = arith.constant 0 : i32
    %c0_i32_1 = arith.constant 0 : i32
    return %c0_i32, %c0_i32_0 : i32, i32
  }
  func.func @transform_8(%arg0: i32) -> (i32, i32) {
    %c0_i32 = arith.constant 0 : i32
    %c0_i32_0 = arith.constant 0 : i32
    return %arg0, %c0_i32 : i32, i32
  }
  func.func @transform_9(%arg0: i32) -> (i32, i32) {
    %c0_i32 = arith.constant 0 : i32
    %c0_i32_0 = arith.constant 0 : i32
    return %arg0, %c0_i32 : i32, i32
  }
}

module attributes {stable_mosaic.version = 14 : i64} {
  func.func @_fin_body(%arg0: i32, %arg1: memref<2x1024x128xf32, #tpu.memory_space<vmem>>, %arg2: memref<1024x128xf32, #tpu.memory_space<vmem>>, %arg3: memref<1024x16xf32, #tpu.memory_space<vmem>>, %arg4: memref<1x128xf32, #tpu.memory_space<vmem>>, %arg5: memref<1024x128xf32, #tpu.memory_space<vmem>>) attributes {dimension_semantics = [#tpu.dimension_semantics<arbitrary>], iteration_bounds = array<i64: 10>, scalar_prefetch = 0 : i64, scratch_operands = 0 : i64, tpu.core_type = #tpu.core_type<tc>, window_params = [{transform_indices = @transform_0, window_bounds = array<i64: 2, 1024, 128>}, {transform_indices = @transform_1, window_bounds = array<i64: 1024, 128>}, {transform_indices = @transform_2, window_bounds = array<i64: 1024, 16>}, {pipeline_mode = #tpu.pipeline_mode<synchronous>, transform_indices = @transform_3, window_bounds = array<i64: 1, 128>}, {transform_indices = @transform_4, window_bounds = array<i64: 1024, 128>}]} {
    %get3A = arith.constant 0 : index
    %get3A_0 = arith.constant 0 : index
    %get3A_1 = vector.load %arg3[%get3A, %get3A_0] : memref<1024x16xf32, #tpu.memory_space<vmem>>, vector<1024x1xf32>
    %get3A_2 = arith.constant 0 : index
    %get3A_3 = arith.constant 0 : index
    %get3A_4 = arith.constant 0 : index
    %get3A_5 = vector.load %arg1[%get3A_2, %get3A_3, %get3A_4] : memref<2x1024x128xf32, #tpu.memory_space<vmem>>, vector<1x1024x128xf32>
    %get3A_6 = vector.shape_cast %get3A_5 : vector<1x1024x128xf32> to vector<1024x128xf32>
    %get3A_7 = arith.constant 1 : index
    %get3A_8 = arith.constant 0 : index
    %get3A_9 = arith.constant 0 : index
    %get3A_10 = vector.load %arg1[%get3A_7, %get3A_8, %get3A_9] : memref<2x1024x128xf32, #tpu.memory_space<vmem>>, vector<1x1024x128xf32>
    %get3A_11 = vector.shape_cast %get3A_10 : vector<1x1024x128xf32> to vector<1024x128xf32>
    %add3A = arith.addf %get3A_6, %get3A_11 : vector<1024x128xf32>
    %get3A_12 = arith.constant 0 : index
    %get3A_13 = arith.constant 0 : index
    %get3A_14 = vector.load %arg2[%get3A_12, %get3A_13] : memref<1024x128xf32, #tpu.memory_space<vmem>>, vector<1024x128xf32>
    %add3A_15 = arith.addf %add3A, %get3A_14 : vector<1024x128xf32>
    %mul3A = vector.broadcast %get3A_1 : vector<1024x1xf32> to vector<1024x128xf32>
    %mul3A_16 = arith.mulf %add3A_15, %mul3A : vector<1024x128xf32>
    %get3A_17 = arith.constant 0 : index
    %get3A_18 = arith.constant 0 : index
    %get3A_19 = vector.load %arg4[%get3A_17, %get3A_18] : memref<1x128xf32, #tpu.memory_space<vmem>>, vector<1x128xf32>
    %add3A_20 = vector.broadcast %get3A_19 : vector<1x128xf32> to vector<1024x128xf32>
    %add3A_21 = arith.addf %mul3A_16, %add3A_20 : vector<1024x128xf32>
    %swap3A = arith.constant 0 : index
    %swap3A_22 = arith.constant 0 : index
    %swap3A_23 = vector.load %arg5[%swap3A, %swap3A_22] : memref<1024x128xf32, #tpu.memory_space<vmem>>, vector<1024x128xf32>
    tpu.vector_store %arg5[%swap3A, %swap3A_22], %add3A_21 {strides = array<i32>} : memref<1024x128xf32, #tpu.memory_space<vmem>>, vector<1024x128xf32>,
    return
  }
  func.func @transform_0(%arg0: i32) -> (i32, i32, i32) {
    %c0_i32 = arith.constant 0 : i32
    %c0_i32_0 = arith.constant 0 : i32
    %c0_i32_1 = arith.constant 0 : i32
    return %c0_i32, %arg0, %c0_i32_0 : i32, i32, i32
  }
  func.func @transform_1(%arg0: i32) -> (i32, i32) {
    %c0_i32 = arith.constant 0 : i32
    %c0_i32_0 = arith.constant 0 : i32
    return %arg0, %c0_i32 : i32, i32
  }
  func.func @transform_2(%arg0: i32) -> (i32, i32) {
    %c0_i32 = arith.constant 0 : i32
    %c0_i32_0 = arith.constant 0 : i32
    return %arg0, %c0_i32 : i32, i32
  }
  func.func @transform_3(%arg0: i32) -> (i32, i32) {
    %c0_i32 = arith.constant 0 : i32
    %c0_i32_0 = arith.constant 0 : i32
    %c0_i32_1 = arith.constant 0 : i32
    return %c0_i32, %c0_i32_0 : i32, i32
  }
  func.func @transform_4(%arg0: i32) -> (i32, i32) {
    %c0_i32 = arith.constant 0 : i32
    %c0_i32_0 = arith.constant 0 : i32
    return %arg0, %c0_i32 : i32, i32
  }
}

</mosaic_0001>

<sc_bundles>
// kernel: kernel.10.cloned.1.call-start
scs
__scs_entry_jumppad:
0x0: {  	(pc) =	sbr.rel $0x88, $3  }
0x1: {  	(tag) =	ssettag $0x0;
	lr =	simm.s32 $0x1  }
0x2: {  	[smem:$0x3F99] =	sst lr;
	_ =	strace $0xD0000000  }
0x3: {  	_ = 	snop  }
0x4: {  	_ = 	snop  }
0x5: {  	_ = 	snop  }
0x6: {  	_ = 	snop  }
0x7: {  	_ = 	snop  }
__scs_overlays_trampoline_lowered:
0x8: {  	[smem:$0x3FA8] =	sst s0  }
0x9: {  	[smem:$0x3FA9] =	sst s1  }
0xa: {  	[smem:$0x3FAA] =	sst s2  }
0xb: {  	[smem:$0x3FAB] =	sst s3  }
0xc: {  	[smem:$0x3FAC] =	sst s4  }
0xd: {  	[smem:$0x3FAD] =	sst s5  }
0xe: {  	[smem:$0x3FAE] =	sst s6  }
0xf: {  	[smem:$0x3FAF] =	sst s7  }
0x10: {  	[smem:$0x3FB0] =	sst s8  }
0x11: {  	[smem:$0x3FB1] =	sst s9;
	s0 =	simm.s32 @!p0 $0x0  }
0x12: {  	s1 =	sld [smem:$0x3F97];
	s0 =	simm.s32 @p0 $0x1  }
0x13: {  	[smem:$0x3FB2] =	sst s0;
	s0 =	simm.s32 @!p1 $0x0  }
0x14: {  	s2 =	sld [smem:$0x3F96];
	s0 =	simm.s32 @p1 $0x1  }
0x15: {  	[smem:$0x3FB3] =	sst s0;
	s0 =	simm.s32 @!p2 $0x0  }
0x16: {  	s3 =	sld [smem:$0x3FDB];
	s0 =	simm.s32 @p2 $0x1  }
0x17: {  	s4 =	simm.s32 $0x1BF5;
	[smem:$0x3FB5] =	sst s0  }
0x18: {  	s0 =	sld [smem:$0x3F98];
	_ =	swait.ge [sflag:s4], $0x0  }
0x19: {  	s7 =	sld [smem:$0x3F99]  }
0x1a: {  	s8 =	sadd.s32 $0xFFFFE003, lr  }
0x1b: {  	s9 =	sadd.s32 $0xFFFFFEF7, lr;
	s5 =	simm.s32 $0xFFFFFFFF;
	p2 =	slt.u32 s8, $0xFFFFF086  }
0x1c: {  	p1 =	slt.u32 s9, $0xF7A;
	s5 =	simm.s32 @!p2 $0x0  }
0x1d: {  	s5 =	simm.s32 @p1 $0x1;
	p0 =	seq.s32 s7, s2  }
0x1e: {  	s7 =	smul.u32 @!p0 $0xF7A, s2;
	p2 =	seq.s32 @!p0 s5, $0x0  }
0x1f: {  	s9 =	smul.u32 $0xF7A, s1;
	s8 =	simm.s32 @!p0 $0x1BF5;
	p2 =	por !p2, p0  }
0x20: {  	[sflag:s8] =	ssyncset.s32 @!p0 $0xFFFFF086;
	s6 =	sadd.s32 @!p0 s3, s7;
	s7 =	simm.s32 @!p0 $0x108  }
0x21: {  	s3 =	sadd.s32 s3, s9;
	s6 =	sadd.s32 @!p0 $0x88, s6;
	s7 =	simm.s32 @p2 $0x1082  }
0x22: {  	[simem:s7], [sflag:s8] =	dma.local @!p0 [hbm:s6], $0xF7A  }
0x23: {  	s9 =	sor.u32 $0xD0000000, s2;
	s6 =	simm.s32 $0x108;
	_ =	swait.ge @!p0 [sflag:s8], $0x0  }
0x24: {  	s3 =	sadd.s32 $0x88, s3;
	s6 =	simm.s32 @!p1 $0x1082;
	[sflag:s4] =	ssyncset.s32 $0xFFFFF086  }
0x25: {  	[simem:s6], [sflag:s4] =	dma.local [hbm:s3], $0xF7A  }
0x26: {  	[smem:$0x3F99] =	sst s1;
	(tag) =	ssettag s2;
	_ =	strace s9  }
0x27: {  	s1 =	sld [smem:$0x3FA9]  }
0x28: {  	s2 =	sld [smem:$0x3FAA]  }
0x29: {  	s4 =	sld [smem:$0x3FAC]  }
0x2a: {  	p0 =	seq.s32 s5, $0x0;
	s5 =	sld [smem:$0x3FAD]  }
0x2b: {  	s6 =	sld [smem:$0x3FAE]  }
0x2c: {  	s7 =	sld [smem:$0x3FAF]  }
0x2d: {  	s3 =	simm.s32 $0x108;
	s8 =	sld [smem:$0x3FB0]  }
0x2e: {  	s3 =	simm.s32 @!p0 $0x1082;
	s9 =	sld [smem:$0x3FB1]  }
0x2f: {  	lr =	sadd.s32 s0, s3;
	s0 =	sld [smem:$0x3FA8]  }
0x30: {  	s3 =	sld [smem:$0x3FAB]  }
0x31: {  	[smem:$0x3FB4] =	sst s10  }
0x32: {  	s10 =	sld [smem:$0x3FB2];
	_ =	sdelay $0x3  }
0x33: {  	p0 =	seq.s32 s10, $0x1;
	s10 =	sld [smem:$0x3FB4];
	_ =	sdelay $0x3  }
0x34: {  	[smem:$0x3FB4] =	sst s10  }
0x35: {  	s10 =	sld [smem:$0x3FB3];
	_ =	sdelay $0x3  }
0x36: {  	p1 =	seq.s32 s10, $0x1;
	s10 =	sld [smem:$0x3FB4];
	_ =	sdelay $0x3  }
0x37: {  	[smem:$0x3FB4] =	sst s10  }
0x38: {  	s10 =	sld [smem:$0x3FB5]  }
0x39: {  	_ = 	snop;
	(pc) =	sbr.ind lr, $3  }
0x3a: {  	_ = 	snop  }
0x3b: {  	_ = 	snop  }
0x3c: {  	p2 =	seq.s32 s10, $0x1;
	s10 =	sld [smem:$0x3FB4]  }
0x3d: {  	_ =	shalt  }
0x3e: {  	_ =	shalt  }
0x3f: {  	_ =	shalt  }
0x40: {  	_ =	shalt  }
0x41: {  	_ =	shalt  }
0x42: {  	_ =	shalt  }
0x43: {  	_ =	shalt  }
0x44: {  	_ =	shalt  }
0x45: {  	_ =	shalt  }
0x46: {  	_ =	shalt  }
0x47: {  	_ =	shalt  }
0x48: {  	_ =	shalt  }
0x49: {  	_ =	shalt  }
0x4a: {  	_ =	shalt  }
0x4b: {  	_ =	shalt  }
0x4c: {  	_ =	shalt  }
0x4d: {  	_ =	shalt  }
0x4e: {  	_ =	shalt  }
0x4f: {  	_ =	shalt  }
0x50: {  	_ =	shalt  }
0x51: {  	_ =	shalt  }
0x52: {  	_ =	shalt  }
0x53: {  	_ =	shalt  }
0x54: {  	_ =	shalt  }
0x55: {  	_ =	shalt  }
0x56: {  	_ =	shalt  }
0x57: {  	_ =	shalt  }
0x58: {  	_ =	shalt  }
0x59: {  	_ =	shalt  }
0x5a: {  	_ =	shalt  }
0x5b: {  	_ =	shalt  }
0x5c: {  	_ =	shalt  }
0x5d: {  	_ =	shalt  }
0x5e: {  	_ =	shalt  }
0x5f: {  	_ =	shalt  }
0x60: {  	_ =	shalt  }
0x61: {  	_ =	shalt  }
0x62: {  	_ =	shalt  }
0x63: {  	_ =	shalt  }
0x64: {  	_ =	shalt  }
0x65: {  	_ =	shalt  }
0x66: {  	_ =	shalt  }
0x67: {  	_ =	shalt  }
0x68: {  	_ =	shalt  }
0x69: {  	_ =	shalt  }
0x6a: {  	_ =	shalt  }
0x6b: {  	_ =	shalt  }
0x6c: {  	_ =	shalt  }
0x6d: {  	_ =	shalt  }
0x6e: {  	_ =	shalt  }
0x6f: {  	_ =	shalt  }
0x70: {  	_ =	shalt  }
0x71: {  	_ =	shalt  }
0x72: {  	_ =	shalt  }
0x73: {  	_ =	shalt  }
0x74: {  	_ =	shalt  }
0x75: {  	_ =	shalt  }
0x76: {  	_ =	shalt  }
0x77: {  	_ =	shalt  }
0x78: {  	_ =	shalt  }
0x79: {  	_ =	shalt  }
0x7a: {  	_ =	shalt  }
0x7b: {  	_ =	shalt  }
0x7c: {  	_ =	shalt  }
0x7d: {  	_ =	shalt  }
0x7e: {  	_ =	shalt  }
0x7f: {  	_ =	shalt  }
0x80: {  	_ =	shalt  }
0x81: {  	_ =	shalt  }
0x82: {  	_ =	shalt  }
0x83: {  	_ =	shalt  }
0x84: {  	_ =	shalt  }
0x85: {  	_ =	shalt  }
0x86: {  	_ =	shalt  }
0x87: {  	_ =	shalt  }
.Lfunc_end0:
.L_simem_size_0:
called_computation_lowered:
.L_overlay_start_0:
0x88: {  	s2 =	sld [smem:$0x3FD9]  }
0x89: {  	s3 =	sld [smem:$0x3FFE];
	_ =	sdelay $0x1  }
0x8a: {  	s1 =	srdreg.scid  }
0x8b: {  	s0 =	sand.u32 $0x1, s1  }
0x8c: {  	s14 =	sshll.u32 s0, $0xA;
	s2 =	sadd.s32 s3, s2  }
0x8d: {  	s2 =	sadd.s32 s2, s14  }
0x8e: {  	[smem:$0x3FC0] =	sst s2  }
0x8f: {  	_ = 	snop  }
0x90: {  	s2 =	sld [smem:$0x3FD0];
	_ =	sdelay $0x2  }
0x91: {  	s15 =	simm.s32 $0xA;
	s4 =	simm.s32 $0x10  }
0x92: {  	[smem:s4], [sflag:s15] =	dma.local [hbm:s2], $0x1  }
0x93: {  	_ =	swait.eq [sflag:s15], $0x1  }
0x94: {  	s16 =	sld [smem:$0x11];
	[sflag:s15] =	ssyncset.done $0x0  }
0x95: {  	s17 =	sld [smem:$0x12];
	[sflag:s15] =	ssyncadd.s32 $0xFFFFFFFF  }
0x96: {  	s18 =	sld [smem:$0x13];
	(tm) =	ssettm $0x1  }
0x97: {  	s5 =	sld [smem:$0x3FFB];
	_ =	sdelay $0x3  }
0x98: {  	_ =	strace s5  }
0x99: {  	s5 =	sld [smem:$0x3FFC];
	_ =	sdelay $0x3  }
0x9a: {  	_ =	strace s5  }
0x9b: {  	s5 =	sld [smem:$0x3FFD];
	_ =	sdelay $0x3  }
0x9c: {  	_ =	strace s5  }
0x9d: {  	_ =	strace $0x8FFFFFFF  }
0x9e: {  	s19 =	sld [smem:$0x3FDB];
	_ =	sdelay $0x1  }
0x9f: {  	s6 =	simm.s32 $_scs_section_size  }
0xa0: {  	s7 =	simm.s32 $_size__tile_overlayer_lowered;
	s8 =	simm.s32 $_tile_overlayer_lowered  }
0xa1: {  	s22 =	simm.s32 $0x1BFF;
	s21 =	sshll.u32 s8, $0x1;
	s5 =	sadd.s32 s6, s19  }
0xa2: {  	s9 =	simm.s32 $0x0;
	s20 =	sshll.u32 s7, $0x1;
	s7 =	sadd.s32 s21, s5  }
0xa3: {  	[timem:s9], [sflag:s22] =	dma.local [hbm:s7], s20  }
0xa4: {  	_ =	swait.ge [sflag:s22], s20  }
0xa5: {  	s6 =	ssub.s32 $0x0, s20;
	[sflag:s22] =	ssyncset.done $0x0  }
0xa6: {  	[sflag:s22] =	ssyncadd.s32 s6;
	_ =	sdelay $0x1  }
0xa7: {  	s23 =	simm.s32 $0x1B8B  }
0xa8: {  	_ =	swait.ge [sflag:s23], $0x1  }
0xa9: {  	[sflag:s23] =	ssyncset.done $0x0  }
0xaa: {  	s25 =	simm.s32 $0x1B8E;
	s24 =	sld [smem:$0x3FFE];
	[sflag:s23] =	ssyncadd.s32 $0xFFFFFFFF  }
0xab: {  	s26 =	simm.s32 $execute0_lowered;
	[smem:$0x3FD2] =	sst s25  }
0xac: {  	s7 =	sshll.u32 s26, $0x1;
	_ =	strace $0x80000046;
	[dreg:$0x1] =	wrdreg $0xFFFFFFFF  }
0xad: {  	s28 =	simm.s32 $_size_execute0_lowered;
	s5 =	sadd.s32 s5, s7;
	[dreg:$0x0] =	wrdreg $0x0  }
0xae: {  	s7 =	sshll.u32 s28, $0x1;
	[dreg:$0x2] =	wrdreg s5  }
0xaf: {  	[dreg:$0x3] =	wrdreg s7  }
0xb0: {  	[dreg:$0x4] =	wrdreg $0xC0  }
0xb1: {  	_ =	task [dreg:s9], $0x5FFFF  }
0xb2: {  	[dreg:$0x1] =	wrdreg $0xFFFFFFFF  }
0xb3: {  	[dreg:$0x0] =	wrdreg $0x60  }
0xb4: {  	[dreg:$0x2] =	wrdreg s18  }
0xb5: {  	[dreg:$0x3] =	wrdreg s17  }
0xb6: {  	[dreg:$0x4] =	wrdreg s16  }
0xb7: {  	[dreg:$0x5] =	wrdreg s24  }
0xb8: {  	[dreg:$0x6] =	wrdreg $0x0  }
0xb9: {  	[dreg:$0x7] =	wrdreg $0x9  }
0xba: {  	_ =	task.clear_ibuf [dreg:s9], $0x8FFFF;
	_ =	strace $0x90000046  }
0xbb: {  	s29 =	simm.s32 $0x9;
	_ =	strace $0x80000048  }
0xbc: {  	_ =	swait.ge [sflag:s29], $0x1  }
0xbd: {  	[sflag:s29] =	ssyncadd.s32 $0xFFFFFFFF  }
0xbe: {  	_ =	strace $0x90000048  }
0xbf: {  	_ =	sfence  }
0xc0: {  	s30 =	sld [smem:$0x0];
	_ =	sdelay $0x2  }
0xc1: {  	s31 =	sshll.u32 s1, $0xD;
	s1 =	sshrl.u32 s1, $0x2  }
0xc2: {  	s3 =	sand.u32 $0x4000, s31;
	s1 =	sadd.s32 s1, s30  }
0xc3: {  	s0 =	sor.u32 s3, s0;
	s1 =	sshll.u32 s1, $0x11  }
0xc4: {  	s0 =	sor.u32 s1, s0  }
0xc5: {  	s0 =	sadd.s32 $0x8F2B, s0  }
0xc6: {  	[sflag:s0] =	ssyncadd.remote.s32 $0x1  }
0xc7: {  	_ =	sfence.sel $0xFFFF  }
0xc8: {  	[dreg:$0x0] =	wrdreg $0xFFFFFFFF;
	(pc) =	sbr.abs _section_cstart, $3  }
0xc9: {  	[dreg:$0x1] =	wrdreg $0xFFFFFFFF  }
0xca: {  	_ =	task.clear_ibuf [dreg:s9], $0x2FFFF;
	_ =	strace $0x9FFFFFFF  }
0xcb: {  	(tm) =	ssettm $0x7FFFFFFF  }
tec
execute0_lowered:
.L_overlay_start_1:
0x0: {  	(tag) =	ssettag $0x1  }
0x1: {  	s5 =	rddreg [dreg:$0x0]  }
0x2: {  	s6 =	rddreg [dreg:$0x1]  }
0x3: {  	s0 =	rddreg [dreg:$0x2]  }
0x4: {  	s7 =	rddreg [dreg:$0x3];
	s1 =	srdreg.scid  }
0x5: {  	s3 =	rddreg [dreg:$0x4];
	s2 =	stileid.u32  }
0x6: {  	s4 =	simm.s32 $0x0;
	s14 =	simm.s32 $0x80;
	s15 =	simm.s32 $0x1  }
0x7: {  	s8 =	sand.u32 $0x1, s1;
	s1 =	rddreg [dreg:$0x5];
	s10 =	smul.u32 $0x14000, s2  }
0x8: {  	s16 =	simm.s32 $0x0;
	[smem:$0x7FF] =	sst s4;
	s11 =	smul.u32 $0x50000, s2  }
0x9: {  	s31 =	sshll.u32 s2, $0x6;
	s9 =	smul.u32 $0x140000, s8;
	_ =	strace $0x80000047  }
0xa: {  	s29 =	sshll.u32 s8, $0x4;
	s30 =	ssub.s32 $0x2, s8;
	s8 =	smul.u32 $0x2800, s8  }
0xb: {  	s12 =	sshrl.u32 s30, $0x1;
	s11 =	sshrl.u32 s11, $0x2;
	s9 =	sadd.s32 s10, s9  }
0xc: {  	s10 =	sor.u32 s2, s29;
	s13 =	sadd.s32 s11, s3;
	s6 =	sadd.s32 s6, s8  }
0xd: {  	s11 =	simm.s32 $0x16800;
	s9 =	sshrl.u32 s9, $0x3;
	s10 =	smul.u32 $0x500, s10  }
0xe: {  	s13 =	sshrl.u32 s13, $0x3;
	s7 =	sadd.s32 s9, s7;
	s9 =	ssub.s32 s30, s12  }
0xf: {  	s12 =	sor.u32 $0x1C02, s31;
	s5 =	sadd.s32 s5, s10;
	s7 =	sadd.s32 $0x5000, s7  }
0x10: {  	s8 =	smax.u32 s9, $0x1;
	s9 =	simm.s32 $0x14000;
	s10 =	simm.s32 $0x2  }
.LBB2_1:
0x11: {  	[tilespmem:s9], [sflag:$0x2] =	stream.linear.gather [hbm4b:s5+s4], $0x2800, $0x38;
	[tilespmem:$0x1A800] =	vst v63  }
0x12: {  	_ =	swait.ge [sflag:s10], $0x2800  }
0x13: {  	[sflag:s10] =	ssyncset.done $0x0  }
0x14: {  	[sflag:s10] =	ssyncadd.s32 $0xFFFFD800  }
0x15: {  	[tilespmem:s11], [sflag:$0x2] =	stream.linear.gather [hbm4b:s0+s4], $0x4000, $0x38;
	[tilespmem:$0x1A800] =	vst v63  }
0x16: {  	_ =	swait.ge [sflag:s10], $0x4000  }
0x17: {  	[sflag:s10] =	ssyncset.done $0x0  }
0x18: {  	[sflag:s10] =	ssyncadd.s32 $0xFFFFC000  }
0x19: {  	[spmem:s13], [sflag:s12] =	dma.local [hbm:s6], $0x2800  }
0x1a: {  	_ =	swait.ge [sflag:s10], $0x2800  }
0x1b: {  	[sflag:s10] =	ssyncset.done $0x0  }
0x1c: {  	[sflag:s10] =	ssyncadd.s32 $0xFFFFD800  }
0x1d: {  	s17 =	simm.s32 $0x14000;
	[bflag:$0x0] =	sbarrier.arrive $0xFFFF  }
0x1e: {  	[spmem:s3] =	stream.indirect.scatter.add.f32 [tilespmem:s11], [sflag:$0x1], $0x80, s17, s14, $0xb8;
	[tilespmem:$0x1A800] =	vst v63  }
0x1f: {  	s24 =	simm.s32 $0x14080  }
0x20: {  	[spmem:s3] =	stream.indirect.scatter.add.f32 [tilespmem:s11], [sflag:$0x1], $0x80, s24, s14, $0xb8;
	[tilespmem:$0x1A800] =	vst v63  }
0x21: {  	s25 =	simm.s32 $0x14100  }
0x22: {  	[spmem:s3] =	stream.indirect.scatter.add.f32 [tilespmem:s11], [sflag:$0x1], $0x80, s25, s14, $0xb8;
	[tilespmem:$0x1A800] =	vst v63  }
0x23: {  	s26 =	simm.s32 $0x14180  }
0x24: {  	[spmem:s3] =	stream.indirect.scatter.add.f32 [tilespmem:s11], [sflag:$0x1], $0x80, s26, s14, $0xb8;
	[tilespmem:$0x1A800] =	vst v63  }
0x25: {  	s28 =	simm.s32 $0x14200  }
0x26: {  	[spmem:s3] =	stream.indirect.scatter.add.f32 [tilespmem:s11], [sflag:$0x1], $0x80, s28, s14, $0xb8;
	[tilespmem:$0x1A800] =	vst v63  }
0x27: {  	s29 =	simm.s32 $0x14280  }
0x28: {  	[spmem:s3] =	stream.indirect.scatter.add.f32 [tilespmem:s11], [sflag:$0x1], $0x80, s29, s14, $0xb8;
	[tilespmem:$0x1A800] =	vst v63  }
0x29: {  	s30 =	simm.s32 $0x14300  }
0x2a: {  	[spmem:s3] =	stream.indirect.scatter.add.f32 [tilespmem:s11], [sflag:$0x1], $0x80, s30, s14, $0xb8;
	[tilespmem:$0x1A800] =	vst v63  }
0x2b: {  	s31 =	simm.s32 $0x14380  }
0x2c: {  	[spmem:s3] =	stream.indirect.scatter.add.f32 [tilespmem:s11], [sflag:$0x1], $0x80, s31, s14, $0xb8;
	[tilespmem:$0x1A800] =	vst v63  }
0x2d: {  	_ =	swait.ge [sflag:s15], $0x4000  }
0x2e: {  	[sflag:s15] =	ssyncset.done $0x0  }
0x2f: {  	[sflag:s15] =	ssyncadd.s32 $0xFFFFC000  }
0x30: {  	_ =	swait.ge [sflag:s15], $0x4000  }
0x31: {  	[sflag:s15] =	ssyncset.done $0x0  }
0x32: {  	[sflag:s15] =	ssyncadd.s32 $0xFFFFC000  }
0x33: {  	_ =	swait.ge [sflag:s15], $0x4000  }
0x34: {  	[sflag:s15] =	ssyncset.done $0x0  }
0x35: {  	[sflag:s15] =	ssyncadd.s32 $0xFFFFC000  }
0x36: {  	_ =	swait.ge [sflag:s15], $0x4000  }
0x37: {  	[sflag:s15] =	ssyncset.done $0x0  }
0x38: {  	[sflag:s15] =	ssyncadd.s32 $0xFFFFC000  }
0x39: {  	_ =	swait.ge [sflag:s15], $0x4000  }
0x3a: {  	[sflag:s15] =	ssyncset.done $0x0  }
0x3b: {  	[sflag:s15] =	ssyncadd.s32 $0xFFFFC000  }
0x3c: {  	_ =	swait.ge [sflag:s15], $0x4000  }
0x3d: {  	[sflag:s15] =	ssyncset.done $0x0  }
0x3e: {  	[sflag:s15] =	ssyncadd.s32 $0xFFFFC000  }
0x3f: {  	_ =	swait.ge [sflag:s15], $0x4000  }
0x40: {  	[sflag:s15] =	ssyncset.done $0x0  }
0x41: {  	[sflag:s15] =	ssyncadd.s32 $0xFFFFC000  }
0x42: {  	_ =	swait.ge [sflag:s15], $0x4000  }
0x43: {  	s20 =	simm.s32 $0x2000;
	s19 =	simm.s32 $0x400;
	[sflag:s15] =	ssyncset.done $0x0  }
.LBB2_2:
0x44: {  	s21 =	sadd.s32 $0x14000, s19  }
0x45: {  	[sflag:s15] =	ssyncadd.s32 $0xFFFFC000;
	s18 =	smov.u32 s20;
	s17 =	sadd.s32 $0x1000, s20  }
0x46: {  	[spmem:s3] =	stream.indirect.scatter.add.f32 [tilespmem:s11], [sflag:$0x1], $0x80, s21, s14, $0xb8;
	[tilespmem:$0x1A800] =	vst v63  }
0x47: {  	p0 =	sne.s32 s20, $0x9000;
	s20 =	sadd.s32 $0x14080, s19  }
0x48: {  	[spmem:s3] =	stream.indirect.scatter.add.f32 [tilespmem:s11], [sflag:$0x1], $0x80, s20, s14, $0xb8;
	[tilespmem:$0x1A800] =	vst v63  }
0x49: {  	s20 =	sadd.s32 $0x14100, s19  }
0x4a: {  	[spmem:s3] =	stream.indirect.scatter.add.f32 [tilespmem:s11], [sflag:$0x1], $0x80, s20, s14, $0xb8;
	[tilespmem:$0x1A800] =	vst v63  }
0x4b: {  	s20 =	sadd.s32 $0x14180, s19  }
0x4c: {  	[spmem:s3] =	stream.indirect.scatter.add.f32 [tilespmem:s11], [sflag:$0x1], $0x80, s20, s14, $0xb8;
	[tilespmem:$0x1A800] =	vst v63  }
0x4d: {  	s20 =	sadd.s32 $0x14200, s19  }
0x4e: {  	[spmem:s3] =	stream.indirect.scatter.add.f32 [tilespmem:s11], [sflag:$0x1], $0x80, s20, s14, $0xb8;
	[tilespmem:$0x1A800] =	vst v63  }
0x4f: {  	s20 =	sadd.s32 $0x14280, s19  }
0x50: {  	[spmem:s3] =	stream.indirect.scatter.add.f32 [tilespmem:s11], [sflag:$0x1], $0x80, s20, s14, $0xb8;
	[tilespmem:$0x1A800] =	vst v63  }
0x51: {  	s20 =	sadd.s32 $0x14300, s19  }
0x52: {  	[spmem:s3] =	stream.indirect.scatter.add.f32 [tilespmem:s11], [sflag:$0x1], $0x80, s20, s14, $0xb8;
	[tilespmem:$0x1A800] =	vst v63  }
0x53: {  	s19 =	sadd.s32 $0x14380, s19  }
0x54: {  	[spmem:s3] =	stream.indirect.scatter.add.f32 [tilespmem:s11], [sflag:$0x1], $0x80, s19, s14, $0xb8;
	[tilespmem:$0x1A800] =	vst v63  }
0x55: {  	_ =	swait.ge [sflag:s15], $0x4000  }
0x56: {  	[sflag:s15] =	ssyncset.done $0x0  }
0x57: {  	[sflag:s15] =	ssyncadd.s32 $0xFFFFC000  }
0x58: {  	_ =	swait.ge [sflag:s15], $0x4000  }
0x59: {  	[sflag:s15] =	ssyncset.done $0x0  }
0x5a: {  	[sflag:s15] =	ssyncadd.s32 $0xFFFFC000  }
0x5b: {  	_ =	swait.ge [sflag:s15], $0x4000  }
0x5c: {  	[sflag:s15] =	ssyncset.done $0x0  }
0x5d: {  	[sflag:s15] =	ssyncadd.s32 $0xFFFFC000  }
0x5e: {  	_ =	swait.ge [sflag:s15], $0x4000  }
0x5f: {  	[sflag:s15] =	ssyncset.done $0x0  }
0x60: {  	[sflag:s15] =	ssyncadd.s32 $0xFFFFC000  }
0x61: {  	_ =	swait.ge [sflag:s15], $0x4000  }
0x62: {  	[sflag:s15] =	ssyncset.done $0x0  }
0x63: {  	[sflag:s15] =	ssyncadd.s32 $0xFFFFC000  }
0x64: {  	_ =	swait.ge [sflag:s15], $0x4000  }
0x65: {  	[sflag:s15] =	ssyncset.done $0x0  }
0x66: {  	[sflag:s15] =	ssyncadd.s32 $0xFFFFC000  }
.Ltmp0:
0x67: {  	_ =	swait.ge [sflag:s15], $0x4000;
	(pc) =	sbr.rel @p0 .LBB2_2-.Ltmp0, $4  }
0x68: {  	[sflag:s15] =	ssyncset.done $0x0  }
0x69: {  	[sflag:s15] =	ssyncadd.s32 $0xFFFFC000  }
0x6a: {  	_ =	swait.ge [sflag:s15], $0x4000  }
0x6b: {  	s20 =	smov.u32 s17;
	s19 =	sshra.s32 s18, $0x2;
	[sflag:s15] =	ssyncset.done $0x0  }
0x6c: {  	s17 =	sadd.s32 $0x14000, s19;
	[sflag:s15] =	ssyncadd.s32 $0xFFFFC000  }
0x6d: {  	[spmem:s3] =	stream.indirect.scatter.add.f32 [tilespmem:s11], [sflag:$0x1], $0x80, s17, s14, $0xb8;
	[tilespmem:$0x1A800] =	vst v63  }
0x6e: {  	s24 =	sadd.s32 $0x14080, s19  }
0x6f: {  	[spmem:s3] =	stream.indirect.scatter.add.f32 [tilespmem:s11], [sflag:$0x1], $0x80, s24, s14, $0xb8;
	[tilespmem:$0x1A800] =	vst v63  }
0x70: {  	s25 =	sadd.s32 $0x14100, s19  }
0x71: {  	[spmem:s3] =	stream.indirect.scatter.add.f32 [tilespmem:s11], [sflag:$0x1], $0x80, s25, s14, $0xb8;
	[tilespmem:$0x1A800] =	vst v63  }
0x72: {  	s26 =	sadd.s32 $0x14180, s19  }
0x73: {  	[spmem:s3] =	stream.indirect.scatter.add.f32 [tilespmem:s11], [sflag:$0x1], $0x80, s26, s14, $0xb8;
	[tilespmem:$0x1A800] =	vst v63  }
0x74: {  	s28 =	sadd.s32 $0x14200, s19  }
0x75: {  	[spmem:s3] =	stream.indirect.scatter.add.f32 [tilespmem:s11], [sflag:$0x1], $0x80, s28, s14, $0xb8;
	[tilespmem:$0x1A800] =	vst v63  }
0x76: {  	s29 =	sadd.s32 $0x14280, s19  }
0x77: {  	[spmem:s3] =	stream.indirect.scatter.add.f32 [tilespmem:s11], [sflag:$0x1], $0x80, s29, s14, $0xb8;
	[tilespmem:$0x1A800] =	vst v63  }
0x78: {  	s30 =	sadd.s32 $0x14300, s19  }
0x79: {  	[spmem:s3] =	stream.indirect.scatter.add.f32 [tilespmem:s11], [sflag:$0x1], $0x80, s30, s14, $0xb8;
	[tilespmem:$0x1A800] =	vst v63  }
0x7a: {  	s31 =	sadd.s32 $0x14380, s19  }
0x7b: {  	[spmem:s3] =	stream.indirect.scatter.add.f32 [tilespmem:s11], [sflag:$0x1], $0x80, s31, s14, $0xb8;
	[tilespmem:$0x1A800] =	vst v63  }
0x7c: {  	_ =	swait.ge [sflag:s15], $0x4000  }
0x7d: {  	[sflag:s15] =	ssyncset.done $0x0  }
0x7e: {  	[sflag:s15] =	ssyncadd.s32 $0xFFFFC000  }
0x7f: {  	_ =	swait.ge [sflag:s15], $0x4000  }
0x80: {  	[sflag:s15] =	ssyncset.done $0x0  }
0x81: {  	[sflag:s15] =	ssyncadd.s32 $0xFFFFC000  }
0x82: {  	_ =	swait.ge [sflag:s15], $0x4000  }
0x83: {  	[sflag:s15] =	ssyncset.done $0x0  }
0x84: {  	[sflag:s15] =	ssyncadd.s32 $0xFFFFC000  }
0x85: {  	_ =	swait.ge [sflag:s15], $0x4000  }
0x86: {  	[sflag:s15] =	ssyncset.done $0x0  }
0x87: {  	[sflag:s15] =	ssyncadd.s32 $0xFFFFC000  }
0x88: {  	_ =	swait.ge [sflag:s15], $0x4000  }
0x89: {  	[sflag:s15] =	ssyncset.done $0x0  }
0x8a: {  	[sflag:s15] =	ssyncadd.s32 $0xFFFFC000  }
0x8b: {  	_ =	swait.ge [sflag:s15], $0x4000  }
0x8c: {  	[sflag:s15] =	ssyncset.done $0x0  }
0x8d: {  	[sflag:s15] =	ssyncadd.s32 $0xFFFFC000  }
0x8e: {  	_ =	swait.ge [sflag:s15], $0x4000  }
0x8f: {  	[sflag:s15] =	ssyncset.done $0x0  }
0x90: {  	[sflag:s15] =	ssyncadd.s32 $0xFFFFC000  }
0x91: {  	_ =	swait.ge [sflag:s15], $0x4000  }
0x92: {  	s16 =	sadd.s32 $0x1, s16;
	[sflag:s15] =	ssyncset.done $0x0  }
0x93: {  	p0 =	sne.s32 s16, s8;
	[sflag:s15] =	ssyncadd.s32 $0xFFFFC000  }
.Ltmp1:
0x94: {  	[bflag:$0x0] =	sbarrier.arrive $0xFFFF;
	(pc) =	sbr.rel @p0 .LBB2_1-.Ltmp1, $4  }
0x95: {  	[hbm:s7], [sflag:s12] =	dma.local [spmem:s13], $0x2800  }
0x96: {  	_ =	swait.ge [sflag:s10], $0x2800  }
0x97: {  	[sflag:s10] =	ssyncset.done $0x0  }
0x98: {  	[sflag:s10] =	ssyncadd.s32 $0xFFFFD800  }
0x99: {  	_ =	sfence.sel $0x180000  }
0x9a: {  	[bflag:$0x0] =	sbarrier.arrive $0xFFFF  }
0x9b: {  	p0 =	sne.s32 s2, $0x0;
	_ =	strace $0x90000047  }
0x9c: {  	s0 =	sadd.s32 @!p0 $0x100000, s1;
	[bflag:$0x2] =	sbarrier.arrive $0xFFFF  }
0x9d: {  	[sflag:s0] =	ssyncadd.tile.s32 @!p0 $0x1;
	_ =	shalt  }
.Lfunc_end2:
_tile_overlayer_lowered:
.L_overlay_start_2:
0x9e: {  	(tag) =	ssettag $0x2  }
0x9f: {  	s0 =	rddreg [dreg:$0x0];
	s2 =	stileid.u32  }
0xa0: {  	s1 =	rddreg [dreg:$0x1];
	p0 =	sne.s32 s2, $0x0  }
0xa1: {  	s3 =	rddreg [dreg:$0x2];
	[bflag:$0x3] =	sbarrier.arrive $0xFFFF;
	s2 =	simm.s32 @!p0 $0x1C02  }
0xa2: {  	[timem:s3], [sflag:s2] =	dma.local @!p0 [hbm:s0], s1  }
0xa3: {  	s0 =	simm.s32 @!p0 $0x2  }
0xa4: {  	_ =	swait.ge @!p0 [sflag:s0], s1  }
0xa5: {  	s1 =	ssub.s32 @!p0 $0x0, s1;
	[sflag:s0] =	ssyncset.done @!p0 $0x0  }
0xa6: {  	[sflag:s0] =	ssyncadd.s32 @!p0 s1  }
0xa7: {  	[bflag:$0x3] =	sbarrier.arrive $0xFFFF  }
0xa8: {  	_ =	shalt  }

// kernel: kernel.13.cloned.1.call-start
scs
__scs_entry_jumppad:
0x0: {  	(pc) =	sbr.rel $0x88, $3  }
0x1: {  	(tag) =	ssettag $0x0;
	lr =	simm.s32 $0x1  }
0x2: {  	[smem:$0x3F99] =	sst lr;
	_ =	strace $0xD0000000  }
0x3: {  	_ = 	snop  }
0x4: {  	_ = 	snop  }
0x5: {  	_ = 	snop  }
0x6: {  	_ = 	snop  }
0x7: {  	_ = 	snop  }
__scs_overlays_trampoline_lowered:
0x8: {  	[smem:$0x3FA8] =	sst s0  }
0x9: {  	[smem:$0x3FA9] =	sst s1  }
0xa: {  	[smem:$0x3FAA] =	sst s2  }
0xb: {  	[smem:$0x3FAB] =	sst s3  }
0xc: {  	[smem:$0x3FAC] =	sst s4  }
0xd: {  	[smem:$0x3FAD] =	sst s5  }
0xe: {  	[smem:$0x3FAE] =	sst s6  }
0xf: {  	[smem:$0x3FAF] =	sst s7  }
0x10: {  	[smem:$0x3FB0] =	sst s8  }
0x11: {  	[smem:$0x3FB1] =	sst s9;
	s0 =	simm.s32 @!p0 $0x0  }
0x12: {  	s1 =	sld [smem:$0x3F97];
	s0 =	simm.s32 @p0 $0x1  }
0x13: {  	[smem:$0x3FB2] =	sst s0;
	s0 =	simm.s32 @!p1 $0x0  }
0x14: {  	s2 =	sld [smem:$0x3F96];
	s0 =	simm.s32 @p1 $0x1  }
0x15: {  	[smem:$0x3FB3] =	sst s0;
	s0 =	simm.s32 @!p2 $0x0  }
0x16: {  	s3 =	sld [smem:$0x3FDB];
	s0 =	simm.s32 @p2 $0x1  }
0x17: {  	s4 =	simm.s32 $0x1BF5;
	[smem:$0x3FB5] =	sst s0  }
0x18: {  	s0 =	sld [smem:$0x3F98];
	_ =	swait.ge [sflag:s4], $0x0  }
0x19: {  	s7 =	sld [smem:$0x3F99]  }
0x1a: {  	s8 =	sadd.s32 $0xFFFFE003, lr  }
0x1b: {  	s9 =	sadd.s32 $0xFFFFFEF7, lr;
	s5 =	simm.s32 $0xFFFFFFFF;
	p2 =	slt.u32 s8, $0xFFFFF086  }
0x1c: {  	p1 =	slt.u32 s9, $0xF7A;
	s5 =	simm.s32 @!p2 $0x0  }
0x1d: {  	s5 =	simm.s32 @p1 $0x1;
	p0 =	seq.s32 s7, s2  }
0x1e: {  	s7 =	smul.u32 @!p0 $0xF7A, s2;
	p2 =	seq.s32 @!p0 s5, $0x0  }
0x1f: {  	s9 =	smul.u32 $0xF7A, s1;
	s8 =	simm.s32 @!p0 $0x1BF5;
	p2 =	por !p2, p0  }
0x20: {  	[sflag:s8] =	ssyncset.s32 @!p0 $0xFFFFF086;
	s6 =	sadd.s32 @!p0 s3, s7;
	s7 =	simm.s32 @!p0 $0x108  }
0x21: {  	s3 =	sadd.s32 s3, s9;
	s6 =	sadd.s32 @!p0 $0x88, s6;
	s7 =	simm.s32 @p2 $0x1082  }
0x22: {  	[simem:s7], [sflag:s8] =	dma.local @!p0 [hbm:s6], $0xF7A  }
0x23: {  	s9 =	sor.u32 $0xD0000000, s2;
	s6 =	simm.s32 $0x108;
	_ =	swait.ge @!p0 [sflag:s8], $0x0  }
0x24: {  	s3 =	sadd.s32 $0x88, s3;
	s6 =	simm.s32 @!p1 $0x1082;
	[sflag:s4] =	ssyncset.s32 $0xFFFFF086  }
0x25: {  	[simem:s6], [sflag:s4] =	dma.local [hbm:s3], $0xF7A  }
0x26: {  	[smem:$0x3F99] =	sst s1;
	(tag) =	ssettag s2;
	_ =	strace s9  }
0x27: {  	s1 =	sld [smem:$0x3FA9]  }
0x28: {  	s2 =	sld [smem:$0x3FAA]  }
0x29: {  	s4 =	sld [smem:$0x3FAC]  }
0x2a: {  	p0 =	seq.s32 s5, $0x0;
	s5 =	sld [smem:$0x3FAD]  }
0x2b: {  	s6 =	sld [smem:$0x3FAE]  }
0x2c: {  	s7 =	sld [smem:$0x3FAF]  }
0x2d: {  	s3 =	simm.s32 $0x108;
	s8 =	sld [smem:$0x3FB0]  }
0x2e: {  	s3 =	simm.s32 @!p0 $0x1082;
	s9 =	sld [smem:$0x3FB1]  }
0x2f: {  	lr =	sadd.s32 s0, s3;
	s0 =	sld [smem:$0x3FA8]  }
0x30: {  	s3 =	sld [smem:$0x3FAB]  }
0x31: {  	[smem:$0x3FB4] =	sst s10  }
0x32: {  	s10 =	sld [smem:$0x3FB2];
	_ =	sdelay $0x3  }
0x33: {  	p0 =	seq.s32 s10, $0x1;
	s10 =	sld [smem:$0x3FB4];
	_ =	sdelay $0x3  }
0x34: {  	[smem:$0x3FB4] =	sst s10  }
0x35: {  	s10 =	sld [smem:$0x3FB3];
	_ =	sdelay $0x3  }
0x36: {  	p1 =	seq.s32 s10, $0x1;
	s10 =	sld [smem:$0x3FB4];
	_ =	sdelay $0x3  }
0x37: {  	[smem:$0x3FB4] =	sst s10  }
0x38: {  	s10 =	sld [smem:$0x3FB5]  }
0x39: {  	_ = 	snop;
	(pc) =	sbr.ind lr, $3  }
0x3a: {  	_ = 	snop  }
0x3b: {  	_ = 	snop  }
0x3c: {  	p2 =	seq.s32 s10, $0x1;
	s10 =	sld [smem:$0x3FB4]  }
0x3d: {  	_ =	shalt  }
0x3e: {  	_ =	shalt  }
0x3f: {  	_ =	shalt  }
0x40: {  	_ =	shalt  }
0x41: {  	_ =	shalt  }
0x42: {  	_ =	shalt  }
0x43: {  	_ =	shalt  }
0x44: {  	_ =	shalt  }
0x45: {  	_ =	shalt  }
0x46: {  	_ =	shalt  }
0x47: {  	_ =	shalt  }
0x48: {  	_ =	shalt  }
0x49: {  	_ =	shalt  }
0x4a: {  	_ =	shalt  }
0x4b: {  	_ =	shalt  }
0x4c: {  	_ =	shalt  }
0x4d: {  	_ =	shalt  }
0x4e: {  	_ =	shalt  }
0x4f: {  	_ =	shalt  }
0x50: {  	_ =	shalt  }
0x51: {  	_ =	shalt  }
0x52: {  	_ =	shalt  }
0x53: {  	_ =	shalt  }
0x54: {  	_ =	shalt  }
0x55: {  	_ =	shalt  }
0x56: {  	_ =	shalt  }
0x57: {  	_ =	shalt  }
0x58: {  	_ =	shalt  }
0x59: {  	_ =	shalt  }
0x5a: {  	_ =	shalt  }
0x5b: {  	_ =	shalt  }
0x5c: {  	_ =	shalt  }
0x5d: {  	_ =	shalt  }
0x5e: {  	_ =	shalt  }
0x5f: {  	_ =	shalt  }
0x60: {  	_ =	shalt  }
0x61: {  	_ =	shalt  }
0x62: {  	_ =	shalt  }
0x63: {  	_ =	shalt  }
0x64: {  	_ =	shalt  }
0x65: {  	_ =	shalt  }
0x66: {  	_ =	shalt  }
0x67: {  	_ =	shalt  }
0x68: {  	_ =	shalt  }
0x69: {  	_ =	shalt  }
0x6a: {  	_ =	shalt  }
0x6b: {  	_ =	shalt  }
0x6c: {  	_ =	shalt  }
0x6d: {  	_ =	shalt  }
0x6e: {  	_ =	shalt  }
0x6f: {  	_ =	shalt  }
0x70: {  	_ =	shalt  }
0x71: {  	_ =	shalt  }
0x72: {  	_ =	shalt  }
0x73: {  	_ =	shalt  }
0x74: {  	_ =	shalt  }
0x75: {  	_ =	shalt  }
0x76: {  	_ =	shalt  }
0x77: {  	_ =	shalt  }
0x78: {  	_ =	shalt  }
0x79: {  	_ =	shalt  }
0x7a: {  	_ =	shalt  }
0x7b: {  	_ =	shalt  }
0x7c: {  	_ =	shalt  }
0x7d: {  	_ =	shalt  }
0x7e: {  	_ =	shalt  }
0x7f: {  	_ =	shalt  }
0x80: {  	_ =	shalt  }
0x81: {  	_ =	shalt  }
0x82: {  	_ =	shalt  }
0x83: {  	_ =	shalt  }
0x84: {  	_ =	shalt  }
0x85: {  	_ =	shalt  }
0x86: {  	_ =	shalt  }
0x87: {  	_ =	shalt  }
.Lfunc_end0:
.L_simem_size_0:
called_computation.1_lowered:
.L_overlay_start_0:
0x88: {  	s2 =	sld [smem:$0x3FD9]  }
0x89: {  	s3 =	sld [smem:$0x3FFE];
	_ =	sdelay $0x1  }
0x8a: {  	s1 =	srdreg.scid  }
0x8b: {  	s0 =	sand.u32 $0x1, s1  }
0x8c: {  	s14 =	sshll.u32 s0, $0xA;
	s2 =	sadd.s32 s3, s2  }
0x8d: {  	s2 =	sadd.s32 s2, s14  }
0x8e: {  	[smem:$0x3FC0] =	sst s2  }
0x8f: {  	_ = 	snop  }
0x90: {  	s2 =	sld [smem:$0x3FD0];
	_ =	sdelay $0x2  }
0x91: {  	s15 =	simm.s32 $0xA;
	s4 =	simm.s32 $0x10  }
0x92: {  	[smem:s4], [sflag:s15] =	dma.local [hbm:s2], $0x1  }
0x93: {  	_ =	swait.eq [sflag:s15], $0x1  }
0x94: {  	s16 =	sld [smem:$0x10];
	[sflag:s15] =	ssyncset.done $0x0  }
0x95: {  	s17 =	sld [smem:$0x12];
	[sflag:s15] =	ssyncadd.s32 $0xFFFFFFFF  }
0x96: {  	s18 =	sld [smem:$0x13];
	(tm) =	ssettm $0x1  }
0x97: {  	s5 =	sld [smem:$0x3FFB];
	_ =	sdelay $0x3  }
0x98: {  	_ =	strace s5  }
0x99: {  	s5 =	sld [smem:$0x3FFC];
	_ =	sdelay $0x3  }
0x9a: {  	_ =	strace s5  }
0x9b: {  	s5 =	sld [smem:$0x3FFD];
	_ =	sdelay $0x3  }
0x9c: {  	_ =	strace s5  }
0x9d: {  	_ =	strace $0x8FFFFFFF  }
0x9e: {  	s19 =	sld [smem:$0x3FDB];
	_ =	sdelay $0x1  }
0x9f: {  	s6 =	simm.s32 $_scs_section_size  }
0xa0: {  	s7 =	simm.s32 $_size__tile_overlayer_lowered;
	s8 =	simm.s32 $_tile_overlayer_lowered  }
0xa1: {  	s22 =	simm.s32 $0x1BFF;
	s21 =	sshll.u32 s8, $0x1;
	s5 =	sadd.s32 s6, s19  }
0xa2: {  	s9 =	simm.s32 $0x0;
	s20 =	sshll.u32 s7, $0x1;
	s7 =	sadd.s32 s21, s5  }
0xa3: {  	[timem:s9], [sflag:s22] =	dma.local [hbm:s7], s20  }
0xa4: {  	_ =	swait.ge [sflag:s22], s20  }
0xa5: {  	s6 =	ssub.s32 $0x0, s20;
	[sflag:s22] =	ssyncset.done $0x0  }
0xa6: {  	[sflag:s22] =	ssyncadd.s32 s6;
	_ =	sdelay $0x1  }
0xa7: {  	s23 =	simm.s32 $0x1B8B  }
0xa8: {  	_ =	swait.ge [sflag:s23], $0x1  }
0xa9: {  	[sflag:s23] =	ssyncset.done $0x0  }
0xaa: {  	s25 =	simm.s32 $0x1B8E;
	s24 =	sld [smem:$0x3FFE];
	[sflag:s23] =	ssyncadd.s32 $0xFFFFFFFF  }
0xab: {  	s26 =	simm.s32 $execute0_lowered;
	[smem:$0x3FD2] =	sst s25  }
0xac: {  	s7 =	sshll.u32 s26, $0x1;
	_ =	strace $0x80000049;
	[dreg:$0x1] =	wrdreg $0xFFFFFFFF  }
0xad: {  	s28 =	simm.s32 $_size_execute0_lowered;
	s5 =	sadd.s32 s5, s7;
	[dreg:$0x0] =	wrdreg $0x0  }
0xae: {  	s7 =	sshll.u32 s28, $0x1;
	[dreg:$0x2] =	wrdreg s5  }
0xaf: {  	[dreg:$0x3] =	wrdreg s7  }
0xb0: {  	[dreg:$0x4] =	wrdreg $0xC0  }
0xb1: {  	_ =	task [dreg:s9], $0x5FFFF  }
0xb2: {  	[dreg:$0x1] =	wrdreg $0xFFFFFFFF  }
0xb3: {  	[dreg:$0x0] =	wrdreg $0x60  }
0xb4: {  	[dreg:$0x2] =	wrdreg s17  }
0xb5: {  	[dreg:$0x3] =	wrdreg s16  }
0xb6: {  	[dreg:$0x4] =	wrdreg s18  }
0xb7: {  	[dreg:$0x5] =	wrdreg s24  }
0xb8: {  	[dreg:$0x6] =	wrdreg $0x0  }
0xb9: {  	[dreg:$0x7] =	wrdreg $0x9  }
0xba: {  	_ =	task.clear_ibuf [dreg:s9], $0x8FFFF;
	_ =	strace $0x90000049  }
0xbb: {  	s29 =	simm.s32 $0x9;
	_ =	strace $0x8000004B  }
0xbc: {  	_ =	swait.ge [sflag:s29], $0x1  }
0xbd: {  	[sflag:s29] =	ssyncadd.s32 $0xFFFFFFFF  }
0xbe: {  	_ =	strace $0x9000004B  }
0xbf: {  	_ =	sfence  }
0xc0: {  	s30 =	sld [smem:$0x0];
	_ =	sdelay $0x2  }
0xc1: {  	s31 =	sshll.u32 s1, $0xD;
	s1 =	sshrl.u32 s1, $0x2  }
0xc2: {  	s3 =	sand.u32 $0x4000, s31;
	s1 =	sadd.s32 s1, s30  }
0xc3: {  	s0 =	sor.u32 s3, s0;
	s1 =	sshll.u32 s1, $0x11  }
0xc4: {  	s0 =	sor.u32 s1, s0  }
0xc5: {  	s0 =	sadd.s32 $0x8F2B, s0  }
0xc6: {  	[sflag:s0] =	ssyncadd.remote.s32 $0x1  }
0xc7: {  	_ =	sfence.sel $0xFFFF  }
0xc8: {  	[dreg:$0x0] =	wrdreg $0xFFFFFFFF;
	(pc) =	sbr.abs _section_cstart, $3  }
0xc9: {  	[dreg:$0x1] =	wrdreg $0xFFFFFFFF  }
0xca: {  	_ =	task.clear_ibuf [dreg:s9], $0x2FFFF;
	_ =	strace $0x9FFFFFFF  }
0xcb: {  	(tm) =	ssettm $0x7FFFFFFF  }
tec
execute0_lowered:
.L_overlay_start_1:
0x0: {  	(tag) =	ssettag $0x1  }
0x1: {  	s0 =	rddreg [dreg:$0x0]  }
0x2: {  	s11 =	rddreg [dreg:$0x1]  }
0x3: {  	s12 =	rddreg [dreg:$0x2]  }
0x4: {  	s6 =	rddreg [dreg:$0x3];
	s1 =	srdreg.scid  }
0x5: {  	s3 =	rddreg [dreg:$0x4];
	s2 =	stileid.u32  }
0x6: {  	s4 =	simm.s32 $0x0;
	s15 =	simm.s32 $0x14000;
	s16 =	simm.s32 $0x15400  }
0x7: {  	s17 =	simm.s32 $0x80;
	s18 =	simm.s32 $0x16800;
	s19 =	simm.s32 $0x14080  }
0x8: {  	s20 =	simm.s32 $0x1A800;
	s21 =	simm.s32 $0x1;
	s22 =	simm.s32 $0x3  }
0x9: {  	s23 =	simm.s32 $0x2;
	s7 =	sand.u32 $0x1, s1;
	s1 =	rddreg [dreg:$0x5]  }
0xa: {  	s28 =	simm.s32 $0x0;
	s9 =	smul.u32 $0x14000, s2;
	[smem:$0x7FF] =	sst s4  }
0xb: {  	s5 =	sadd.s32 $0x5000, s6;
	s10 =	smul.u32 $0x50000, s2;
	s30 =	sshll.u32 s2, $0x6  }
0xc: {  	s8 =	smul.u32 $0x140000, s7;
	s24 =	sshll.u32 s7, $0x4;
	s25 =	ssub.s32 $0x2, s7  }
0xd: {  	_ =	strace $0x8000004A;
	s26 =	sor.u32 s2, s24;
	s29 =	sshrl.u32 s25, $0x1  }
0xe: {  	s10 =	sshrl.u32 s10, $0x2;
	s24 =	simm.s32 $0x4;
	s8 =	sadd.s32 s9, s8  }
0xf: {  	s13 =	smul.u32 $0x2800, s26;
	s9 =	ssub.s32 s25, s29;
	s14 =	sadd.s32 s10, s3  }
0x10: {  	s25 =	simm.s32 $0x16700;
	s26 =	simm.s32 $0x16780;
	s8 =	sshrl.u32 s8, $0x3  }
0x11: {  	s8 =	sadd.s32 s8, s6;
	s6 =	sor.u32 $0x1C05, s30;
	s31 =	sshrl.u32 s13, $0x3  }
0x12: {  	s7 =	sadd.s32 $0x7800, s8;
	s8 =	smax.u32 s9, $0x1;
	s13 =	sadd.s32 $0x280, s31  }
0x13: {  	s9 =	sadd.s32 s11, s31;
	s10 =	sadd.s32 s12, s31;
	s11 =	sadd.s32 s11, s13  }
0x14: {  	s12 =	sadd.s32 s12, s13;
	s13 =	sshrl.u32 s14, $0x3;
	s14 =	simm.s32 $0x5  }
.LBB2_1:
0x15: {  	[spmem:s13], [sflag:s6] =	dma.local [hbm:s5], $0x2800  }
0x16: {  	_ =	swait.ge [sflag:s14], $0x2800  }
0x17: {  	[sflag:s14] =	ssyncset.done $0x0  }
0x18: {  	[sflag:s14] =	ssyncadd.s32 $0xFFFFD800  }
0x19: {  	[bflag:$0x0] =	sbarrier.arrive $0xFFFF  }
0x1a: {  	[tilespmem:s15], [sflag:$0x5] =	stream.linear.gather [hbm4b:s9+s4], $0x1400, $0x38;
	[tilespmem:$0x1E800] =	vst v63  }
0x1b: {  	_ =	swait.ge [sflag:s14], $0x1400  }
0x1c: {  	[sflag:s14] =	ssyncset.done $0x0  }
0x1d: {  	[sflag:s14] =	ssyncadd.s32 $0xFFFFEC00  }
0x1e: {  	[tilespmem:s16], [sflag:$0x5] =	stream.linear.gather [hbm4b:s10+s4], $0x1400, $0x38;
	[tilespmem:$0x1E800] =	vst v63  }
0x1f: {  	_ =	swait.ge [sflag:s14], $0x1400  }
0x20: {  	[sflag:s14] =	ssyncset.done $0x0  }
0x21: {  	[sflag:s14] =	ssyncadd.s32 $0xFFFFEC00  }
0x22: {  	[tilespmem:s18], [sflag:$0x1] =	stream.indirect.gather [hbm4b:s0+s17], $0x80, s15, s17, $0xb8;
	[tilespmem:$0x1E800] =	vst v63  }
0x23: {  	_ = 	snop  }
0x24: {  	[tilespmem:s20], [sflag:$0x2] =	stream.indirect.gather [hbm4b:s0+s17], $0x80, s19, s17, $0xb8;
	[tilespmem:$0x1E800] =	vst v63  }
0x25: {  	_ =	swait.ge [sflag:s21], $0x4000  }
0x26: {  	[sflag:s21] =	ssyncset.done $0x0  }
0x27: {  	s29 =	simm.s32 $0x15400;
	[sflag:s21] =	ssyncadd.s32 $0xFFFFC000  }
0x28: {  	[spmem:s3] =	stream.indirect.scatter.add.f32 [tilespmem:s18], [sflag:$0x3], $0x80, s29, s17, $0xb8;
	[tilespmem:$0x1E800] =	vst v63  }
0x29: {  	_ =	swait.ge [sflag:s22], $0x4000  }
0x2a: {  	[sflag:s22] =	ssyncset.done $0x0  }
0x2b: {  	s29 =	simm.s32 $0x14100;
	[sflag:s22] =	ssyncadd.s32 $0xFFFFC000  }
0x2c: {  	[tilespmem:s18], [sflag:$0x1] =	stream.indirect.gather [hbm4b:s0+s17], $0x80, s29, s17, $0xb8;
	[tilespmem:$0x1E800] =	vst v63  }
0x2d: {  	_ =	swait.ge [sflag:s23], $0x4000  }
0x2e: {  	[sflag:s23] =	ssyncset.done $0x0  }
0x2f: {  	s29 =	simm.s32 $0x15480;
	[sflag:s23] =	ssyncadd.s32 $0xFFFFC000  }
0x30: {  	[spmem:s3] =	stream.indirect.scatter.add.f32 [tilespmem:s20], [sflag:$0x4], $0x80, s29, s17, $0xb8;
	[tilespmem:$0x1E800] =	vst v63  }
0x31: {  	_ =	swait.ge [sflag:s24], $0x4000  }
0x32: {  	[sflag:s24] =	ssyncset.done $0x0  }
0x33: {  	s30 =	simm.s32 $0x14180;
	s29 =	simm.s32 $0x400;
	[sflag:s24] =	ssyncadd.s32 $0xFFFFC000  }
.LBB2_2:
0x34: {  	[tilespmem:s20], [sflag:$0x2] =	stream.indirect.gather [hbm4b:s0+s17], $0x80, s30, s17, $0xb8;
	[tilespmem:$0x1E800] =	vst v63  }
0x35: {  	s30 =	smov.u32 s29  }
0x36: {  	p0 =	sne.s32 s29, $0x4800;
	s29 =	sadd.s32 $0x400, s29;
	_ =	swait.ge [sflag:s21], $0x4000  }
0x37: {  	s30 =	sshra.s32 s30, $0x2;
	[sflag:s21] =	ssyncset.done $0x0  }
0x38: {  	s31 =	sadd.s32 $0x15400, s30;
	[sflag:s21] =	ssyncadd.s32 $0xFFFFC000  }
0x39: {  	[spmem:s3] =	stream.indirect.scatter.add.f32 [tilespmem:s18], [sflag:$0x3], $0x80, s31, s17, $0xb8;
	[tilespmem:$0x1E800] =	vst v63  }
0x3a: {  	_ =	swait.ge [sflag:s22], $0x4000  }
0x3b: {  	[sflag:s22] =	ssyncset.done $0x0  }
0x3c: {  	s31 =	sadd.s32 $0x14100, s30;
	[sflag:s22] =	ssyncadd.s32 $0xFFFFC000  }
0x3d: {  	[tilespmem:s18], [sflag:$0x1] =	stream.indirect.gather [hbm4b:s0+s17], $0x80, s31, s17, $0xb8;
	[tilespmem:$0x1E800] =	vst v63  }
0x3e: {  	_ =	swait.ge [sflag:s23], $0x4000  }
0x3f: {  	[sflag:s23] =	ssyncset.done $0x0  }
.Ltmp0:
0x40: {  	s31 =	sadd.s32 $0x15480, s30;
	[sflag:s23] =	ssyncadd.s32 $0xFFFFC000;
	(pc) =	sbr.rel @p0 .LBB2_2-.Ltmp0, $4  }
0x41: {  	[spmem:s3] =	stream.indirect.scatter.add.f32 [tilespmem:s20], [sflag:$0x4], $0x80, s31, s17, $0xb8;
	[tilespmem:$0x1E800] =	vst v63  }
0x42: {  	_ =	swait.ge [sflag:s24], $0x4000  }
0x43: {  	[sflag:s24] =	ssyncset.done $0x0  }
0x44: {  	s30 =	sadd.s32 $0x14180, s30;
	[sflag:s24] =	ssyncadd.s32 $0xFFFFC000  }
0x45: {  	[tilespmem:s20], [sflag:$0x2] =	stream.indirect.gather [hbm4b:s0+s17], $0x80, s30, s17, $0xb8;
	[tilespmem:$0x1E800] =	vst v63  }
0x46: {  	_ =	swait.ge [sflag:s21], $0x4000  }
0x47: {  	[sflag:s21] =	ssyncset.done $0x0  }
0x48: {  	[sflag:s21] =	ssyncadd.s32 $0xFFFFC000  }
0x49: {  	[spmem:s3] =	stream.indirect.scatter.add.f32 [tilespmem:s18], [sflag:$0x3], $0x80, s25, s17, $0xb8;
	[tilespmem:$0x1E800] =	vst v63  }
0x4a: {  	_ =	swait.ge [sflag:s22], $0x4000  }
0x4b: {  	[sflag:s22] =	ssyncset.done $0x0  }
0x4c: {  	[sflag:s22] =	ssyncadd.s32 $0xFFFFC000  }
0x4d: {  	_ =	swait.ge [sflag:s23], $0x4000  }
0x4e: {  	[sflag:s23] =	ssyncset.done $0x0  }
0x4f: {  	[sflag:s23] =	ssyncadd.s32 $0xFFFFC000  }
0x50: {  	[spmem:s3] =	stream.indirect.scatter.add.f32 [tilespmem:s20], [sflag:$0x4], $0x80, s26, s17, $0xb8;
	[tilespmem:$0x1E800] =	vst v63  }
0x51: {  	_ =	swait.ge [sflag:s24], $0x4000  }
0x52: {  	[sflag:s24] =	ssyncset.done $0x0  }
0x53: {  	s29 =	simm.s32 $0x0;
	[sflag:s24] =	ssyncadd.s32 $0xFFFFC000  }
0x54: {  	[tilespmem:s15], [sflag:$0x5] =	stream.linear.gather [hbm4b:s11+s29], $0x1400, $0x38;
	[tilespmem:$0x1E800] =	vst v63  }
0x55: {  	_ =	swait.ge [sflag:s14], $0x1400  }
0x56: {  	[sflag:s14] =	ssyncset.done $0x0  }
0x57: {  	[sflag:s14] =	ssyncadd.s32 $0xFFFFEC00  }
0x58: {  	[tilespmem:s16], [sflag:$0x5] =	stream.linear.gather [hbm4b:s12+s29], $0x1400, $0x38;
	[tilespmem:$0x1E800] =	vst v63  }
0x59: {  	_ =	swait.ge [sflag:s14], $0x1400  }
0x5a: {  	[sflag:s14] =	ssyncset.done $0x0  }
0x5b: {  	[sflag:s14] =	ssyncadd.s32 $0xFFFFEC00  }
0x5c: {  	[tilespmem:s18], [sflag:$0x1] =	stream.indirect.gather [hbm4b:s0+s17], $0x80, s15, s17, $0xb8;
	[tilespmem:$0x1E800] =	vst v63  }
0x5d: {  	_ = 	snop  }
0x5e: {  	[tilespmem:s20], [sflag:$0x2] =	stream.indirect.gather [hbm4b:s0+s17], $0x80, s19, s17, $0xb8;
	[tilespmem:$0x1E800] =	vst v63  }
0x5f: {  	_ =	swait.ge [sflag:s21], $0x4000  }
0x60: {  	[sflag:s21] =	ssyncset.done $0x0  }
0x61: {  	s29 =	simm.s32 $0x15400;
	[sflag:s21] =	ssyncadd.s32 $0xFFFFC000  }
0x62: {  	[spmem:s3] =	stream.indirect.scatter.add.f32 [tilespmem:s18], [sflag:$0x3], $0x80, s29, s17, $0xb8;
	[tilespmem:$0x1E800] =	vst v63  }
0x63: {  	_ =	swait.ge [sflag:s22], $0x4000  }
0x64: {  	[sflag:s22] =	ssyncset.done $0x0  }
0x65: {  	s29 =	simm.s32 $0x14100;
	[sflag:s22] =	ssyncadd.s32 $0xFFFFC000  }
0x66: {  	[tilespmem:s18], [sflag:$0x1] =	stream.indirect.gather [hbm4b:s0+s17], $0x80, s29, s17, $0xb8;
	[tilespmem:$0x1E800] =	vst v63  }
0x67: {  	_ =	swait.ge [sflag:s23], $0x4000  }
0x68: {  	[sflag:s23] =	ssyncset.done $0x0  }
0x69: {  	s29 =	simm.s32 $0x15480;
	[sflag:s23] =	ssyncadd.s32 $0xFFFFC000  }
0x6a: {  	[spmem:s3] =	stream.indirect.scatter.add.f32 [tilespmem:s20], [sflag:$0x4], $0x80, s29, s17, $0xb8;
	[tilespmem:$0x1E800] =	vst v63  }
0x6b: {  	_ =	swait.ge [sflag:s24], $0x4000  }
0x6c: {  	[sflag:s24] =	ssyncset.done $0x0  }
0x6d: {  	s30 =	simm.s32 $0x14180;
	s29 =	simm.s32 $0x400;
	[sflag:s24] =	ssyncadd.s32 $0xFFFFC000  }
.LBB2_4:
0x6e: {  	[tilespmem:s20], [sflag:$0x2] =	stream.indirect.gather [hbm4b:s0+s17], $0x80, s30, s17, $0xb8;
	[tilespmem:$0x1E800] =	vst v63  }
0x6f: {  	s30 =	smov.u32 s29  }
0x70: {  	p0 =	sne.s32 s29, $0x4800;
	s29 =	sadd.s32 $0x400, s29;
	_ =	swait.ge [sflag:s21], $0x4000  }
0x71: {  	s30 =	sshra.s32 s30, $0x2;
	[sflag:s21] =	ssyncset.done $0x0  }
0x72: {  	s31 =	sadd.s32 $0x15400, s30;
	[sflag:s21] =	ssyncadd.s32 $0xFFFFC000  }
0x73: {  	[spmem:s3] =	stream.indirect.scatter.add.f32 [tilespmem:s18], [sflag:$0x3], $0x80, s31, s17, $0xb8;
	[tilespmem:$0x1E800] =	vst v63  }
0x74: {  	_ =	swait.ge [sflag:s22], $0x4000  }
0x75: {  	[sflag:s22] =	ssyncset.done $0x0  }
0x76: {  	s31 =	sadd.s32 $0x14100, s30;
	[sflag:s22] =	ssyncadd.s32 $0xFFFFC000  }
0x77: {  	[tilespmem:s18], [sflag:$0x1] =	stream.indirect.gather [hbm4b:s0+s17], $0x80, s31, s17, $0xb8;
	[tilespmem:$0x1E800] =	vst v63  }
0x78: {  	_ =	swait.ge [sflag:s23], $0x4000  }
0x79: {  	[sflag:s23] =	ssyncset.done $0x0  }
.Ltmp1:
0x7a: {  	s31 =	sadd.s32 $0x15480, s30;
	[sflag:s23] =	ssyncadd.s32 $0xFFFFC000;
	(pc) =	sbr.rel @p0 .LBB2_4-.Ltmp1, $4  }
0x7b: {  	[spmem:s3] =	stream.indirect.scatter.add.f32 [tilespmem:s20], [sflag:$0x4], $0x80, s31, s17, $0xb8;
	[tilespmem:$0x1E800] =	vst v63  }
0x7c: {  	_ =	swait.ge [sflag:s24], $0x4000  }
0x7d: {  	[sflag:s24] =	ssyncset.done $0x0  }
0x7e: {  	s30 =	sadd.s32 $0x14180, s30;
	[sflag:s24] =	ssyncadd.s32 $0xFFFFC000  }
0x7f: {  	[tilespmem:s20], [sflag:$0x2] =	stream.indirect.gather [hbm4b:s0+s17], $0x80, s30, s17, $0xb8;
	[tilespmem:$0x1E800] =	vst v63  }
0x80: {  	_ =	swait.ge [sflag:s21], $0x4000  }
0x81: {  	[sflag:s21] =	ssyncset.done $0x0  }
0x82: {  	[sflag:s21] =	ssyncadd.s32 $0xFFFFC000  }
0x83: {  	[spmem:s3] =	stream.indirect.scatter.add.f32 [tilespmem:s18], [sflag:$0x3], $0x80, s25, s17, $0xb8;
	[tilespmem:$0x1E800] =	vst v63  }
0x84: {  	_ =	swait.ge [sflag:s22], $0x4000  }
0x85: {  	[sflag:s22] =	ssyncset.done $0x0  }
0x86: {  	[sflag:s22] =	ssyncadd.s32 $0xFFFFC000  }
0x87: {  	_ =	swait.ge [sflag:s23], $0x4000  }
0x88: {  	[sflag:s23] =	ssyncset.done $0x0  }
0x89: {  	[sflag:s23] =	ssyncadd.s32 $0xFFFFC000  }
0x8a: {  	[spmem:s3] =	stream.indirect.scatter.add.f32 [tilespmem:s20], [sflag:$0x4], $0x80, s26, s17, $0xb8;
	[tilespmem:$0x1E800] =	vst v63  }
0x8b: {  	_ =	swait.ge [sflag:s24], $0x4000  }
0x8c: {  	[sflag:s24] =	ssyncset.done $0x0  }
0x8d: {  	s28 =	sadd.s32 $0x1, s28;
	[sflag:s24] =	ssyncadd.s32 $0xFFFFC000  }
0x8e: {  	p0 =	sne.s32 s28, s8;
	[bflag:$0x0] =	sbarrier.arrive $0xFFFF  }
0x8f: {  	[hbm:s7], [sflag:s6] =	dma.local [spmem:s13], $0x2800  }
.Ltmp2:
0x90: {  	_ =	swait.ge [sflag:s14], $0x2800;
	(pc) =	sbr.rel @p0 .LBB2_1-.Ltmp2, $3  }
0x91: {  	[sflag:s14] =	ssyncset.done $0x0  }
0x92: {  	[sflag:s14] =	ssyncadd.s32 $0xFFFFD800  }
0x93: {  	[bflag:$0x0] =	sbarrier.arrive $0xFFFF;
	_ =	sdelay $0x1  }
0x94: {  	_ =	sfence.sel $0x180000  }
0x95: {  	[bflag:$0x0] =	sbarrier.arrive $0xFFFF  }
0x96: {  	p0 =	sne.s32 s2, $0x0;
	_ =	strace $0x9000004A  }
0x97: {  	s0 =	sadd.s32 @!p0 $0x100000, s1;
	[bflag:$0x2] =	sbarrier.arrive $0xFFFF  }
0x98: {  	[sflag:s0] =	ssyncadd.tile.s32 @!p0 $0x1;
	_ =	shalt  }
.Lfunc_end2:
_tile_overlayer_lowered:
.L_overlay_start_2:
0x99: {  	(tag) =	ssettag $0x2  }
0x9a: {  	s0 =	rddreg [dreg:$0x0];
	s2 =	stileid.u32  }
0x9b: {  	s1 =	rddreg [dreg:$0x1];
	p0 =	sne.s32 s2, $0x0  }
0x9c: {  	s3 =	rddreg [dreg:$0x2];
	[bflag:$0x3] =	sbarrier.arrive $0xFFFF;
	s2 =	simm.s32 @!p0 $0x1C05  }
0x9d: {  	[timem:s3], [sflag:s2] =	dma.local @!p0 [hbm:s0], s1  }
0x9e: {  	s0 =	simm.s32 @!p0 $0x5  }
0x9f: {  	_ =	swait.ge @!p0 [sflag:s0], s1  }
0xa0: {  	s1 =	ssub.s32 @!p0 $0x0, s1;
	[sflag:s0] =	ssyncset.done @!p0 $0x0  }
0xa1: {  	[sflag:s0] =	ssyncadd.s32 @!p0 s1  }
0xa2: {  	[bflag:$0x3] =	sbarrier.arrive $0xFFFF  }
0xa3: {  	_ =	shalt  }

// kernel: kernel.16.cloned.1.call-start
scs
__scs_entry_jumppad:
0x0: {  	(pc) =	sbr.rel $0x88, $3  }
0x1: {  	(tag) =	ssettag $0x0;
	lr =	simm.s32 $0x1  }
0x2: {  	[smem:$0x3F99] =	sst lr;
	_ =	strace $0xD0000000  }
0x3: {  	_ = 	snop  }
0x4: {  	_ = 	snop  }
0x5: {  	_ = 	snop  }
0x6: {  	_ = 	snop  }
0x7: {  	_ = 	snop  }
__scs_overlays_trampoline_lowered:
0x8: {  	[smem:$0x3FA8] =	sst s0  }
0x9: {  	[smem:$0x3FA9] =	sst s1  }
0xa: {  	[smem:$0x3FAA] =	sst s2  }
0xb: {  	[smem:$0x3FAB] =	sst s3  }
0xc: {  	[smem:$0x3FAC] =	sst s4  }
0xd: {  	[smem:$0x3FAD] =	sst s5  }
0xe: {  	[smem:$0x3FAE] =	sst s6  }
0xf: {  	[smem:$0x3FAF] =	sst s7  }
0x10: {  	[smem:$0x3FB0] =	sst s8  }
0x11: {  	[smem:$0x3FB1] =	sst s9;
	s0 =	simm.s32 @!p0 $0x0  }
0x12: {  	s1 =	sld [smem:$0x3F97];
	s0 =	simm.s32 @p0 $0x1  }
0x13: {  	[smem:$0x3FB2] =	sst s0;
	s0 =	simm.s32 @!p1 $0x0  }
0x14: {  	s2 =	sld [smem:$0x3F96];
	s0 =	simm.s32 @p1 $0x1  }
0x15: {  	[smem:$0x3FB3] =	sst s0;
	s0 =	simm.s32 @!p2 $0x0  }
0x16: {  	s3 =	sld [smem:$0x3FDB];
	s0 =	simm.s32 @p2 $0x1  }
0x17: {  	s4 =	simm.s32 $0x1BF5;
	[smem:$0x3FB5] =	sst s0  }
0x18: {  	s0 =	sld [smem:$0x3F98];
	_ =	swait.ge [sflag:s4], $0x0  }
0x19: {  	s7 =	sld [smem:$0x3F99]  }
0x1a: {  	s8 =	sadd.s32 $0xFFFFE003, lr  }
0x1b: {  	s9 =	sadd.s32 $0xFFFFFEF7, lr;
	s5 =	simm.s32 $0xFFFFFFFF;
	p2 =	slt.u32 s8, $0xFFFFF086  }
0x1c: {  	p1 =	slt.u32 s9, $0xF7A;
	s5 =	simm.s32 @!p2 $0x0  }
0x1d: {  	s5 =	simm.s32 @p1 $0x1;
	p0 =	seq.s32 s7, s2  }
0x1e: {  	s7 =	smul.u32 @!p0 $0xF7A, s2;
	p2 =	seq.s32 @!p0 s5, $0x0  }
0x1f: {  	s9 =	smul.u32 $0xF7A, s1;
	s8 =	simm.s32 @!p0 $0x1BF5;
	p2 =	por !p2, p0  }
0x20: {  	[sflag:s8] =	ssyncset.s32 @!p0 $0xFFFFF086;
	s6 =	sadd.s32 @!p0 s3, s7;
	s7 =	simm.s32 @!p0 $0x108  }
0x21: {  	s3 =	sadd.s32 s3, s9;
	s6 =	sadd.s32 @!p0 $0x88, s6;
	s7 =	simm.s32 @p2 $0x1082  }
0x22: {  	[simem:s7], [sflag:s8] =	dma.local @!p0 [hbm:s6], $0xF7A  }
0x23: {  	s9 =	sor.u32 $0xD0000000, s2;
	s6 =	simm.s32 $0x108;
	_ =	swait.ge @!p0 [sflag:s8], $0x0  }
0x24: {  	s3 =	sadd.s32 $0x88, s3;
	s6 =	simm.s32 @!p1 $0x1082;
	[sflag:s4] =	ssyncset.s32 $0xFFFFF086  }
0x25: {  	[simem:s6], [sflag:s4] =	dma.local [hbm:s3], $0xF7A  }
0x26: {  	[smem:$0x3F99] =	sst s1;
	(tag) =	ssettag s2;
	_ =	strace s9  }
0x27: {  	s1 =	sld [smem:$0x3FA9]  }
0x28: {  	s2 =	sld [smem:$0x3FAA]  }
0x29: {  	s4 =	sld [smem:$0x3FAC]  }
0x2a: {  	p0 =	seq.s32 s5, $0x0;
	s5 =	sld [smem:$0x3FAD]  }
0x2b: {  	s6 =	sld [smem:$0x3FAE]  }
0x2c: {  	s7 =	sld [smem:$0x3FAF]  }
0x2d: {  	s3 =	simm.s32 $0x108;
	s8 =	sld [smem:$0x3FB0]  }
0x2e: {  	s3 =	simm.s32 @!p0 $0x1082;
	s9 =	sld [smem:$0x3FB1]  }
0x2f: {  	lr =	sadd.s32 s0, s3;
	s0 =	sld [smem:$0x3FA8]  }
0x30: {  	s3 =	sld [smem:$0x3FAB]  }
0x31: {  	[smem:$0x3FB4] =	sst s10  }
0x32: {  	s10 =	sld [smem:$0x3FB2];
	_ =	sdelay $0x3  }
0x33: {  	p0 =	seq.s32 s10, $0x1;
	s10 =	sld [smem:$0x3FB4];
	_ =	sdelay $0x3  }
0x34: {  	[smem:$0x3FB4] =	sst s10  }
0x35: {  	s10 =	sld [smem:$0x3FB3];
	_ =	sdelay $0x3  }
0x36: {  	p1 =	seq.s32 s10, $0x1;
	s10 =	sld [smem:$0x3FB4];
	_ =	sdelay $0x3  }
0x37: {  	[smem:$0x3FB4] =	sst s10  }
0x38: {  	s10 =	sld [smem:$0x3FB5]  }
0x39: {  	_ = 	snop;
	(pc) =	sbr.ind lr, $3  }
0x3a: {  	_ = 	snop  }
0x3b: {  	_ = 	snop  }
0x3c: {  	p2 =	seq.s32 s10, $0x1;
	s10 =	sld [smem:$0x3FB4]  }
0x3d: {  	_ =	shalt  }
0x3e: {  	_ =	shalt  }
0x3f: {  	_ =	shalt  }
0x40: {  	_ =	shalt  }
0x41: {  	_ =	shalt  }
0x42: {  	_ =	shalt  }
0x43: {  	_ =	shalt  }
0x44: {  	_ =	shalt  }
0x45: {  	_ =	shalt  }
0x46: {  	_ =	shalt  }
0x47: {  	_ =	shalt  }
0x48: {  	_ =	shalt  }
0x49: {  	_ =	shalt  }
0x4a: {  	_ =	shalt  }
0x4b: {  	_ =	shalt  }
0x4c: {  	_ =	shalt  }
0x4d: {  	_ =	shalt  }
0x4e: {  	_ =	shalt  }
0x4f: {  	_ =	shalt  }
0x50: {  	_ =	shalt  }
0x51: {  	_ =	shalt  }
0x52: {  	_ =	shalt  }
0x53: {  	_ =	shalt  }
0x54: {  	_ =	shalt  }
0x55: {  	_ =	shalt  }
0x56: {  	_ =	shalt  }
0x57: {  	_ =	shalt  }
0x58: {  	_ =	shalt  }
0x59: {  	_ =	shalt  }
0x5a: {  	_ =	shalt  }
0x5b: {  	_ =	shalt  }
0x5c: {  	_ =	shalt  }
0x5d: {  	_ =	shalt  }
0x5e: {  	_ =	shalt  }
0x5f: {  	_ =	shalt  }
0x60: {  	_ =	shalt  }
0x61: {  	_ =	shalt  }
0x62: {  	_ =	shalt  }
0x63: {  	_ =	shalt  }
0x64: {  	_ =	shalt  }
0x65: {  	_ =	shalt  }
0x66: {  	_ =	shalt  }
0x67: {  	_ =	shalt  }
0x68: {  	_ =	shalt  }
0x69: {  	_ =	shalt  }
0x6a: {  	_ =	shalt  }
0x6b: {  	_ =	shalt  }
0x6c: {  	_ =	shalt  }
0x6d: {  	_ =	shalt  }
0x6e: {  	_ =	shalt  }
0x6f: {  	_ =	shalt  }
0x70: {  	_ =	shalt  }
0x71: {  	_ =	shalt  }
0x72: {  	_ =	shalt  }
0x73: {  	_ =	shalt  }
0x74: {  	_ =	shalt  }
0x75: {  	_ =	shalt  }
0x76: {  	_ =	shalt  }
0x77: {  	_ =	shalt  }
0x78: {  	_ =	shalt  }
0x79: {  	_ =	shalt  }
0x7a: {  	_ =	shalt  }
0x7b: {  	_ =	shalt  }
0x7c: {  	_ =	shalt  }
0x7d: {  	_ =	shalt  }
0x7e: {  	_ =	shalt  }
0x7f: {  	_ =	shalt  }
0x80: {  	_ =	shalt  }
0x81: {  	_ =	shalt  }
0x82: {  	_ =	shalt  }
0x83: {  	_ =	shalt  }
0x84: {  	_ =	shalt  }
0x85: {  	_ =	shalt  }
0x86: {  	_ =	shalt  }
0x87: {  	_ =	shalt  }
.Lfunc_end0:
.L_simem_size_0:
called_computation.2_lowered:
.L_overlay_start_0:
0x88: {  	s2 =	sld [smem:$0x3FD9]  }
0x89: {  	s3 =	sld [smem:$0x3FFE];
	_ =	sdelay $0x1  }
0x8a: {  	s1 =	srdreg.scid  }
0x8b: {  	s0 =	sand.u32 $0x1, s1  }
0x8c: {  	s14 =	sshll.u32 s0, $0xA;
	s2 =	sadd.s32 s3, s2  }
0x8d: {  	s2 =	sadd.s32 s2, s14  }
0x8e: {  	[smem:$0x3FC0] =	sst s2  }
0x8f: {  	_ = 	snop  }
0x90: {  	s2 =	sld [smem:$0x3FD0];
	_ =	sdelay $0x2  }
0x91: {  	s15 =	simm.s32 $0xA;
	s4 =	simm.s32 $0x10  }
0x92: {  	[smem:s4], [sflag:s15] =	dma.local [hbm:s2], $0x1  }
0x93: {  	_ =	swait.eq [sflag:s15], $0x1  }
0x94: {  	s16 =	sld [smem:$0x10]  }
0x95: {  	s17 =	sld [smem:$0x11];
	[sflag:s15] =	ssyncset.done $0x0  }
0x96: {  	s5 =	sld [smem:$0x12];
	[sflag:s15] =	ssyncadd.s32 $0xFFFFFFFF  }
0x97: {  	s18 =	sld [smem:$0x13];
	(tm) =	ssettm $0x1  }
0x98: {  	s6 =	sld [smem:$0x3FFB];
	_ =	sdelay $0x3  }
0x99: {  	_ =	strace s6  }
0x9a: {  	s6 =	sld [smem:$0x3FFC];
	_ =	sdelay $0x3  }
0x9b: {  	_ =	strace s6  }
0x9c: {  	s6 =	sld [smem:$0x3FFD];
	_ =	sdelay $0x3  }
0x9d: {  	_ =	strace s6  }
0x9e: {  	_ =	strace $0x8FFFFFFF  }
0x9f: {  	s19 =	sld [smem:$0x3FDB];
	_ =	sdelay $0x1  }
0xa0: {  	s7 =	simm.s32 $_scs_section_size  }
0xa1: {  	s8 =	simm.s32 $_size__tile_overlayer_lowered;
	s9 =	simm.s32 $_tile_overlayer_lowered  }
0xa2: {  	s22 =	simm.s32 $0x1BFF;
	s21 =	sshll.u32 s9, $0x1;
	s6 =	sadd.s32 s7, s19  }
0xa3: {  	s10 =	simm.s32 $0x0;
	s20 =	sshll.u32 s8, $0x1;
	s8 =	sadd.s32 s21, s6  }
0xa4: {  	[timem:s10], [sflag:s22] =	dma.local [hbm:s8], s20  }
0xa5: {  	_ =	swait.ge [sflag:s22], s20  }
0xa6: {  	s7 =	ssub.s32 $0x0, s20;
	[sflag:s22] =	ssyncset.done $0x0  }
0xa7: {  	[sflag:s22] =	ssyncadd.s32 s7;
	_ =	sdelay $0x1  }
0xa8: {  	s23 =	simm.s32 $0x1B8B  }
0xa9: {  	_ =	swait.ge [sflag:s23], $0x1  }
0xaa: {  	[sflag:s23] =	ssyncset.done $0x0  }
0xab: {  	s25 =	simm.s32 $0x1B8E;
	s24 =	sld [smem:$0x3FFE];
	[sflag:s23] =	ssyncadd.s32 $0xFFFFFFFF  }
0xac: {  	s26 =	simm.s32 $execute0_lowered;
	[smem:$0x3FD2] =	sst s25  }
0xad: {  	s8 =	sshll.u32 s26, $0x1;
	_ =	strace $0x8000004C;
	[dreg:$0x1] =	wrdreg $0xFFFFFFFF  }
0xae: {  	s28 =	simm.s32 $_size_execute0_lowered;
	s6 =	sadd.s32 s6, s8;
	[dreg:$0x0] =	wrdreg $0x0  }
0xaf: {  	s8 =	sshll.u32 s28, $0x1;
	[dreg:$0x2] =	wrdreg s6  }
0xb0: {  	[dreg:$0x3] =	wrdreg s8  }
0xb1: {  	[dreg:$0x4] =	wrdreg $0xC0  }
0xb2: {  	_ =	task [dreg:s10], $0x5FFFF  }
0xb3: {  	[dreg:$0x1] =	wrdreg $0xFFFFFFFF  }
0xb4: {  	[dreg:$0x0] =	wrdreg $0x60  }
0xb5: {  	[dreg:$0x2] =	wrdreg s5  }
0xb6: {  	[dreg:$0x3] =	wrdreg s17  }
0xb7: {  	[dreg:$0x4] =	wrdreg s16  }
0xb8: {  	[dreg:$0x5] =	wrdreg s18  }
0xb9: {  	[dreg:$0x6] =	wrdreg s24  }
0xba: {  	[dreg:$0x7] =	wrdreg $0x0  }
0xbb: {  	[dreg:$0x8] =	wrdreg $0x9  }
0xbc: {  	_ =	task.clear_ibuf [dreg:s10], $0x9FFFF;
	_ =	strace $0x9000004C  }
0xbd: {  	s29 =	simm.s32 $0x9;
	_ =	strace $0x8000004E  }
0xbe: {  	_ =	swait.ge [sflag:s29], $0x1  }
0xbf: {  	[sflag:s29] =	ssyncadd.s32 $0xFFFFFFFF  }
0xc0: {  	_ =	strace $0x9000004E  }
0xc1: {  	_ =	sfence  }
0xc2: {  	s30 =	sld [smem:$0x0];
	_ =	sdelay $0x2  }
0xc3: {  	s31 =	sshll.u32 s1, $0xD;
	s1 =	sshrl.u32 s1, $0x2  }
0xc4: {  	s3 =	sand.u32 $0x4000, s31;
	s1 =	sadd.s32 s1, s30  }
0xc5: {  	s0 =	sor.u32 s3, s0;
	s1 =	sshll.u32 s1, $0x11  }
0xc6: {  	s0 =	sor.u32 s1, s0  }
0xc7: {  	s0 =	sadd.s32 $0x8F2B, s0  }
0xc8: {  	[sflag:s0] =	ssyncadd.remote.s32 $0x1  }
0xc9: {  	_ =	sfence.sel $0xFFFF  }
0xca: {  	[dreg:$0x0] =	wrdreg $0xFFFFFFFF;
	(pc) =	sbr.abs _section_cstart, $3  }
0xcb: {  	[dreg:$0x1] =	wrdreg $0xFFFFFFFF  }
0xcc: {  	_ =	task.clear_ibuf [dreg:s10], $0x2FFFF;
	_ =	strace $0x9FFFFFFF  }
0xcd: {  	(tm) =	ssettm $0x7FFFFFFF  }
tec
execute0_lowered:
.L_overlay_start_1:
0x0: {  	(tag) =	ssettag $0x1  }
0x1: {  	s0 =	rddreg [dreg:$0x0]  }
0x2: {  	s1 =	rddreg [dreg:$0x1]  }
0x3: {  	s3 =	rddreg [dreg:$0x2]  }
0x4: {  	s14 =	rddreg [dreg:$0x3]  }
0x5: {  	s2 =	srdreg.scid;
	s7 =	rddreg [dreg:$0x4]  }
0x6: {  	s25 =	stileid.u32;
	s4 =	rddreg [dreg:$0x5]  }
0x7: {  	s5 =	simm.s32 $0x0;
	s17 =	simm.s32 $0x14000;
	s18 =	simm.s32 $0x15400  }
0x8: {  	s19 =	simm.s32 $0x80;
	s20 =	simm.s32 $0x16800;
	s21 =	simm.s32 $0x14080  }
0x9: {  	s22 =	simm.s32 $0x1A800;
	s23 =	simm.s32 $0x1;
	s24 =	simm.s32 $0x3  }
0xa: {  	s28 =	simm.s32 $0x16700;
	s29 =	simm.s32 $0x16780;
	s9 =	smul.u32 $0x14000, s25  }
0xb: {  	s30 =	simm.s32 $0x0;
	s8 =	sand.u32 $0x1, s2;
	s11 =	smul.u32 $0x50000, s25  }
0xc: {  	[smem:$0x7FF] =	sst s5;
	s12 =	sshll.u32 s25, $0x6;
	s6 =	smul.u32 $0x140000, s8  }
0xd: {  	_ =	strace $0x8000004D;
	s10 =	ssub.s32 $0x2, s8;
	s8 =	sshll.u32 s8, $0x4  }
0xe: {  	s26 =	sshrl.u32 s10, $0x1;
	s8 =	sor.u32 s25, s8;
	s11 =	sshrl.u32 s11, $0x2  }
0xf: {  	s25 =	simm.s32 $0x2;
	s9 =	sadd.s32 s9, s6;
	s6 =	sadd.s32 $0x5000, s7  }
0x10: {  	s13 =	smul.u32 $0x2800, s8;
	s10 =	ssub.s32 s10, s26;
	s15 =	sadd.s32 s11, s4  }
0x11: {  	s26 =	simm.s32 $0x4;
	s9 =	sshrl.u32 s9, $0x3;
	s10 =	smax.u32 s10, $0x1  }
0x12: {  	s15 =	sshrl.u32 s15, $0x3;
	s9 =	sadd.s32 s9, s7;
	s7 =	sor.u32 $0x1C05, s12  }
0x13: {  	s31 =	sshrl.u32 s13, $0x3;
	s8 =	sadd.s32 $0x7800, s9;
	s9 =	sadd.s32 $0xA7800, s9  }
0x14: {  	s11 =	sadd.s32 s3, s31;
	s16 =	sadd.s32 $0x280, s31;
	s12 =	sadd.s32 s14, s31  }
0x15: {  	s13 =	sadd.s32 s3, s16;
	s14 =	sadd.s32 s14, s16;
	s16 =	simm.s32 $0x5  }
.LBB2_1:
0x16: {  	[spmem:s15], [sflag:s7] =	dma.local [hbm:s6], $0x2800  }
0x17: {  	_ =	swait.ge [sflag:s16], $0x2800  }
0x18: {  	[sflag:s16] =	ssyncset.done $0x0  }
0x19: {  	[sflag:s16] =	ssyncadd.s32 $0xFFFFD800  }
0x1a: {  	[bflag:$0x0] =	sbarrier.arrive $0xFFFF  }
0x1b: {  	[tilespmem:s17], [sflag:$0x5] =	stream.linear.gather [hbm4b:s11+s5], $0x1400, $0x38;
	[tilespmem:$0x1E800] =	vst v63  }
0x1c: {  	_ =	swait.ge [sflag:s16], $0x1400  }
0x1d: {  	[sflag:s16] =	ssyncset.done $0x0  }
0x1e: {  	[sflag:s16] =	ssyncadd.s32 $0xFFFFEC00  }
0x1f: {  	[tilespmem:s18], [sflag:$0x5] =	stream.linear.gather [hbm4b:s12+s5], $0x1400, $0x38;
	[tilespmem:$0x1E800] =	vst v63  }
0x20: {  	_ =	swait.ge [sflag:s16], $0x1400  }
0x21: {  	[sflag:s16] =	ssyncset.done $0x0  }
0x22: {  	[sflag:s16] =	ssyncadd.s32 $0xFFFFEC00  }
0x23: {  	[tilespmem:s20], [sflag:$0x1] =	stream.indirect.gather [hbm4b:s0+s19], $0x80, s17, s19, $0xb8;
	[tilespmem:$0x1E800] =	vst v63  }
0x24: {  	_ = 	snop  }
0x25: {  	[tilespmem:s22], [sflag:$0x2] =	stream.indirect.gather [hbm4b:s0+s19], $0x80, s21, s19, $0xb8;
	[tilespmem:$0x1E800] =	vst v63  }
0x26: {  	_ =	swait.ge [sflag:s23], $0x4000  }
0x27: {  	[sflag:s23] =	ssyncset.done $0x0  }
0x28: {  	s3 =	simm.s32 $0x15400;
	[sflag:s23] =	ssyncadd.s32 $0xFFFFC000  }
0x29: {  	[spmem:s4] =	stream.indirect.scatter.add.f32 [tilespmem:s20], [sflag:$0x3], $0x80, s3, s19, $0xb8;
	[tilespmem:$0x1E800] =	vst v63  }
0x2a: {  	_ =	swait.ge [sflag:s24], $0x4000  }
0x2b: {  	[sflag:s24] =	ssyncset.done $0x0  }
0x2c: {  	s2 =	simm.s32 $0x14100;
	[sflag:s24] =	ssyncadd.s32 $0xFFFFC000  }
0x2d: {  	[tilespmem:s20], [sflag:$0x1] =	stream.indirect.gather [hbm4b:s0+s19], $0x80, s2, s19, $0xb8;
	[tilespmem:$0x1E800] =	vst v63  }
0x2e: {  	_ =	swait.ge [sflag:s25], $0x4000  }
0x2f: {  	[sflag:s25] =	ssyncset.done $0x0  }
0x30: {  	s2 =	simm.s32 $0x15480;
	[sflag:s25] =	ssyncadd.s32 $0xFFFFC000  }
0x31: {  	[spmem:s4] =	stream.indirect.scatter.add.f32 [tilespmem:s22], [sflag:$0x4], $0x80, s2, s19, $0xb8;
	[tilespmem:$0x1E800] =	vst v63  }
0x32: {  	_ =	swait.ge [sflag:s26], $0x4000  }
0x33: {  	[sflag:s26] =	ssyncset.done $0x0  }
0x34: {  	s31 =	simm.s32 $0x400;
	s3 =	simm.s32 $0x14180;
	[sflag:s26] =	ssyncadd.s32 $0xFFFFC000  }
.LBB2_2:
0x35: {  	[tilespmem:s22], [sflag:$0x2] =	stream.indirect.gather [hbm4b:s0+s19], $0x80, s3, s19, $0xb8;
	[tilespmem:$0x1E800] =	vst v63  }
0x36: {  	s3 =	smov.u32 s31  }
0x37: {  	p0 =	sne.s32 s31, $0x4800;
	s31 =	sadd.s32 $0x400, s31;
	_ =	swait.ge [sflag:s23], $0x4000  }
0x38: {  	s3 =	sshra.s32 s3, $0x2;
	[sflag:s23] =	ssyncset.done $0x0  }
0x39: {  	s2 =	sadd.s32 $0x15400, s3;
	[sflag:s23] =	ssyncadd.s32 $0xFFFFC000  }
0x3a: {  	[spmem:s4] =	stream.indirect.scatter.add.f32 [tilespmem:s20], [sflag:$0x3], $0x80, s2, s19, $0xb8;
	[tilespmem:$0x1E800] =	vst v63  }
0x3b: {  	_ =	swait.ge [sflag:s24], $0x4000  }
0x3c: {  	[sflag:s24] =	ssyncset.done $0x0  }
0x3d: {  	s2 =	sadd.s32 $0x14100, s3;
	[sflag:s24] =	ssyncadd.s32 $0xFFFFC000  }
0x3e: {  	[tilespmem:s20], [sflag:$0x1] =	stream.indirect.gather [hbm4b:s0+s19], $0x80, s2, s19, $0xb8;
	[tilespmem:$0x1E800] =	vst v63  }
0x3f: {  	_ =	swait.ge [sflag:s25], $0x4000  }
0x40: {  	[sflag:s25] =	ssyncset.done $0x0  }
.Ltmp0:
0x41: {  	s2 =	sadd.s32 $0x15480, s3;
	[sflag:s25] =	ssyncadd.s32 $0xFFFFC000;
	(pc) =	sbr.rel @p0 .LBB2_2-.Ltmp0, $4  }
0x42: {  	[spmem:s4] =	stream.indirect.scatter.add.f32 [tilespmem:s22], [sflag:$0x4], $0x80, s2, s19, $0xb8;
	[tilespmem:$0x1E800] =	vst v63  }
0x43: {  	_ =	swait.ge [sflag:s26], $0x4000  }
0x44: {  	[sflag:s26] =	ssyncset.done $0x0  }
0x45: {  	s3 =	sadd.s32 $0x14180, s3;
	[sflag:s26] =	ssyncadd.s32 $0xFFFFC000  }
0x46: {  	[tilespmem:s22], [sflag:$0x2] =	stream.indirect.gather [hbm4b:s0+s19], $0x80, s3, s19, $0xb8;
	[tilespmem:$0x1E800] =	vst v63  }
0x47: {  	_ =	swait.ge [sflag:s23], $0x4000  }
0x48: {  	[sflag:s23] =	ssyncset.done $0x0  }
0x49: {  	[sflag:s23] =	ssyncadd.s32 $0xFFFFC000  }
0x4a: {  	[spmem:s4] =	stream.indirect.scatter.add.f32 [tilespmem:s20], [sflag:$0x3], $0x80, s28, s19, $0xb8;
	[tilespmem:$0x1E800] =	vst v63  }
0x4b: {  	_ =	swait.ge [sflag:s24], $0x4000  }
0x4c: {  	[sflag:s24] =	ssyncset.done $0x0  }
0x4d: {  	[sflag:s24] =	ssyncadd.s32 $0xFFFFC000  }
0x4e: {  	_ =	swait.ge [sflag:s25], $0x4000  }
0x4f: {  	[sflag:s25] =	ssyncset.done $0x0  }
0x50: {  	[sflag:s25] =	ssyncadd.s32 $0xFFFFC000  }
0x51: {  	[spmem:s4] =	stream.indirect.scatter.add.f32 [tilespmem:s22], [sflag:$0x4], $0x80, s29, s19, $0xb8;
	[tilespmem:$0x1E800] =	vst v63  }
0x52: {  	_ =	swait.ge [sflag:s26], $0x4000  }
0x53: {  	[sflag:s26] =	ssyncset.done $0x0  }
0x54: {  	s2 =	simm.s32 $0x0;
	[sflag:s26] =	ssyncadd.s32 $0xFFFFC000  }
0x55: {  	[tilespmem:s17], [sflag:$0x5] =	stream.linear.gather [hbm4b:s13+s2], $0x1400, $0x38;
	[tilespmem:$0x1E800] =	vst v63  }
0x56: {  	_ =	swait.ge [sflag:s16], $0x1400  }
0x57: {  	[sflag:s16] =	ssyncset.done $0x0  }
0x58: {  	[sflag:s16] =	ssyncadd.s32 $0xFFFFEC00  }
0x59: {  	[tilespmem:s18], [sflag:$0x5] =	stream.linear.gather [hbm4b:s14+s2], $0x1400, $0x38;
	[tilespmem:$0x1E800] =	vst v63  }
0x5a: {  	_ =	swait.ge [sflag:s16], $0x1400  }
0x5b: {  	[sflag:s16] =	ssyncset.done $0x0  }
0x5c: {  	[sflag:s16] =	ssyncadd.s32 $0xFFFFEC00  }
0x5d: {  	[tilespmem:s20], [sflag:$0x1] =	stream.indirect.gather [hbm4b:s0+s19], $0x80, s17, s19, $0xb8;
	[tilespmem:$0x1E800] =	vst v63  }
0x5e: {  	_ = 	snop  }
0x5f: {  	[tilespmem:s22], [sflag:$0x2] =	stream.indirect.gather [hbm4b:s0+s19], $0x80, s21, s19, $0xb8;
	[tilespmem:$0x1E800] =	vst v63  }
0x60: {  	_ =	swait.ge [sflag:s23], $0x4000  }
0x61: {  	[sflag:s23] =	ssyncset.done $0x0  }
0x62: {  	s3 =	simm.s32 $0x15400;
	[sflag:s23] =	ssyncadd.s32 $0xFFFFC000  }
0x63: {  	[spmem:s4] =	stream.indirect.scatter.add.f32 [tilespmem:s20], [sflag:$0x3], $0x80, s3, s19, $0xb8;
	[tilespmem:$0x1E800] =	vst v63  }
0x64: {  	_ =	swait.ge [sflag:s24], $0x4000  }
0x65: {  	[sflag:s24] =	ssyncset.done $0x0  }
0x66: {  	s3 =	simm.s32 $0x14100;
	[sflag:s24] =	ssyncadd.s32 $0xFFFFC000  }
0x67: {  	[tilespmem:s20], [sflag:$0x1] =	stream.indirect.gather [hbm4b:s0+s19], $0x80, s3, s19, $0xb8;
	[tilespmem:$0x1E800] =	vst v63  }
0x68: {  	_ =	swait.ge [sflag:s25], $0x4000  }
0x69: {  	[sflag:s25] =	ssyncset.done $0x0  }
0x6a: {  	s3 =	simm.s32 $0x15480;
	[sflag:s25] =	ssyncadd.s32 $0xFFFFC000  }
0x6b: {  	[spmem:s4] =	stream.indirect.scatter.add.f32 [tilespmem:s22], [sflag:$0x4], $0x80, s3, s19, $0xb8;
	[tilespmem:$0x1E800] =	vst v63  }
0x6c: {  	_ =	swait.ge [sflag:s26], $0x4000  }
0x6d: {  	[sflag:s26] =	ssyncset.done $0x0  }
0x6e: {  	s31 =	simm.s32 $0x400;
	s3 =	simm.s32 $0x14180;
	[sflag:s26] =	ssyncadd.s32 $0xFFFFC000  }
.LBB2_4:
0x6f: {  	[tilespmem:s22], [sflag:$0x2] =	stream.indirect.gather [hbm4b:s0+s19], $0x80, s3, s19, $0xb8;
	[tilespmem:$0x1E800] =	vst v63  }
0x70: {  	s2 =	smov.u32 s31  }
0x71: {  	p0 =	sne.s32 s31, $0x4800;
	s31 =	sadd.s32 $0x400, s31;
	_ =	swait.ge [sflag:s23], $0x4000  }
0x72: {  	s2 =	sshra.s32 s2, $0x2;
	[sflag:s23] =	ssyncset.done $0x0  }
0x73: {  	s3 =	sadd.s32 $0x15400, s2;
	[sflag:s23] =	ssyncadd.s32 $0xFFFFC000  }
0x74: {  	[spmem:s4] =	stream.indirect.scatter.add.f32 [tilespmem:s20], [sflag:$0x3], $0x80, s3, s19, $0xb8;
	[tilespmem:$0x1E800] =	vst v63  }
0x75: {  	_ =	swait.ge [sflag:s24], $0x4000  }
0x76: {  	[sflag:s24] =	ssyncset.done $0x0  }
0x77: {  	s3 =	sadd.s32 $0x14100, s2;
	[sflag:s24] =	ssyncadd.s32 $0xFFFFC000  }
0x78: {  	[tilespmem:s20], [sflag:$0x1] =	stream.indirect.gather [hbm4b:s0+s19], $0x80, s3, s19, $0xb8;
	[tilespmem:$0x1E800] =	vst v63  }
0x79: {  	_ =	swait.ge [sflag:s25], $0x4000  }
0x7a: {  	[sflag:s25] =	ssyncset.done $0x0  }
.Ltmp1:
0x7b: {  	s3 =	sadd.s32 $0x15480, s2;
	[sflag:s25] =	ssyncadd.s32 $0xFFFFC000;
	(pc) =	sbr.rel @p0 .LBB2_4-.Ltmp1, $4  }
0x7c: {  	[spmem:s4] =	stream.indirect.scatter.add.f32 [tilespmem:s22], [sflag:$0x4], $0x80, s3, s19, $0xb8;
	[tilespmem:$0x1E800] =	vst v63  }
0x7d: {  	_ =	swait.ge [sflag:s26], $0x4000  }
0x7e: {  	[sflag:s26] =	ssyncset.done $0x0  }
0x7f: {  	s3 =	sadd.s32 $0x14180, s2;
	[sflag:s26] =	ssyncadd.s32 $0xFFFFC000  }
0x80: {  	[tilespmem:s22], [sflag:$0x2] =	stream.indirect.gather [hbm4b:s0+s19], $0x80, s3, s19, $0xb8;
	[tilespmem:$0x1E800] =	vst v63  }
0x81: {  	_ =	swait.ge [sflag:s23], $0x4000  }
0x82: {  	[sflag:s23] =	ssyncset.done $0x0  }
0x83: {  	[sflag:s23] =	ssyncadd.s32 $0xFFFFC000  }
0x84: {  	[spmem:s4] =	stream.indirect.scatter.add.f32 [tilespmem:s20], [sflag:$0x3], $0x80, s28, s19, $0xb8;
	[tilespmem:$0x1E800] =	vst v63  }
0x85: {  	_ =	swait.ge [sflag:s24], $0x4000  }
0x86: {  	[sflag:s24] =	ssyncset.done $0x0  }
0x87: {  	[sflag:s24] =	ssyncadd.s32 $0xFFFFC000  }
0x88: {  	_ =	swait.ge [sflag:s25], $0x4000  }
0x89: {  	[sflag:s25] =	ssyncset.done $0x0  }
0x8a: {  	[sflag:s25] =	ssyncadd.s32 $0xFFFFC000  }
0x8b: {  	[spmem:s4] =	stream.indirect.scatter.add.f32 [tilespmem:s22], [sflag:$0x4], $0x80, s29, s19, $0xb8;
	[tilespmem:$0x1E800] =	vst v63  }
0x8c: {  	_ =	swait.ge [sflag:s26], $0x4000  }
0x8d: {  	[sflag:s26] =	ssyncset.done $0x0  }
0x8e: {  	[sflag:s26] =	ssyncadd.s32 $0xFFFFC000  }
0x8f: {  	[bflag:$0x0] =	sbarrier.arrive $0xFFFF  }
0x90: {  	[hbm:s8], [sflag:s7] =	dma.local [spmem:s15], $0x2800  }
0x91: {  	_ =	swait.ge [sflag:s16], $0x2800  }
0x92: {  	[sflag:s16] =	ssyncset.done $0x0  }
0x93: {  	[sflag:s16] =	ssyncadd.s32 $0xFFFFD800  }
0x94: {  	[bflag:$0x0] =	sbarrier.arrive $0xFFFF  }
0x95: {  	[spmem:s15], [sflag:s7] =	dma.local [hbm:s6], $0x2800  }
0x96: {  	_ =	swait.ge [sflag:s16], $0x2800  }
0x97: {  	[sflag:s16] =	ssyncset.done $0x0  }
0x98: {  	[sflag:s16] =	ssyncadd.s32 $0xFFFFD800  }
0x99: {  	s2 =	simm.s32 $0x0;
	[bflag:$0x0] =	sbarrier.arrive $0xFFFF  }
0x9a: {  	[tilespmem:s17], [sflag:$0x5] =	stream.linear.gather [hbm4b:s11+s2], $0x1400, $0x38;
	[tilespmem:$0x1E800] =	vst v63  }
0x9b: {  	_ =	swait.ge [sflag:s16], $0x1400  }
0x9c: {  	[sflag:s16] =	ssyncset.done $0x0  }
0x9d: {  	[sflag:s16] =	ssyncadd.s32 $0xFFFFEC00  }
0x9e: {  	[tilespmem:s18], [sflag:$0x5] =	stream.linear.gather [hbm4b:s12+s2], $0x1400, $0x38;
	[tilespmem:$0x1E800] =	vst v63  }
0x9f: {  	_ =	swait.ge [sflag:s16], $0x1400  }
0xa0: {  	[sflag:s16] =	ssyncset.done $0x0  }
0xa1: {  	[sflag:s16] =	ssyncadd.s32 $0xFFFFEC00  }
0xa2: {  	[tilespmem:s20], [sflag:$0x1] =	stream.indirect.gather [hbm4b:s1+s19], $0x80, s17, s19, $0xb8;
	[tilespmem:$0x1E800] =	vst v63  }
0xa3: {  	_ = 	snop  }
0xa4: {  	[tilespmem:s22], [sflag:$0x2] =	stream.indirect.gather [hbm4b:s1+s19], $0x80, s21, s19, $0xb8;
	[tilespmem:$0x1E800] =	vst v63  }
0xa5: {  	_ =	swait.ge [sflag:s23], $0x4000  }
0xa6: {  	[sflag:s23] =	ssyncset.done $0x0  }
0xa7: {  	s3 =	simm.s32 $0x15400;
	[sflag:s23] =	ssyncadd.s32 $0xFFFFC000  }
0xa8: {  	[spmem:s4] =	stream.indirect.scatter.add.f32 [tilespmem:s20], [sflag:$0x3], $0x80, s3, s19, $0xb8;
	[tilespmem:$0x1E800] =	vst v63  }
0xa9: {  	_ =	swait.ge [sflag:s24], $0x4000  }
0xaa: {  	[sflag:s24] =	ssyncset.done $0x0  }
0xab: {  	s3 =	simm.s32 $0x14100;
	[sflag:s24] =	ssyncadd.s32 $0xFFFFC000  }
0xac: {  	[tilespmem:s20], [sflag:$0x1] =	stream.indirect.gather [hbm4b:s1+s19], $0x80, s3, s19, $0xb8;
	[tilespmem:$0x1E800] =	vst v63  }
0xad: {  	_ =	swait.ge [sflag:s25], $0x4000  }
0xae: {  	[sflag:s25] =	ssyncset.done $0x0  }
0xaf: {  	s3 =	simm.s32 $0x15480;
	[sflag:s25] =	ssyncadd.s32 $0xFFFFC000  }
0xb0: {  	[spmem:s4] =	stream.indirect.scatter.add.f32 [tilespmem:s22], [sflag:$0x4], $0x80, s3, s19, $0xb8;
	[tilespmem:$0x1E800] =	vst v63  }
0xb1: {  	_ =	swait.ge [sflag:s26], $0x4000  }
0xb2: {  	[sflag:s26] =	ssyncset.done $0x0  }
0xb3: {  	s31 =	simm.s32 $0x400;
	s3 =	simm.s32 $0x14180;
	[sflag:s26] =	ssyncadd.s32 $0xFFFFC000  }
.LBB2_6:
0xb4: {  	[tilespmem:s22], [sflag:$0x2] =	stream.indirect.gather [hbm4b:s1+s19], $0x80, s3, s19, $0xb8;
	[tilespmem:$0x1E800] =	vst v63  }
0xb5: {  	s2 =	smov.u32 s31  }
0xb6: {  	p0 =	sne.s32 s31, $0x4800;
	s31 =	sadd.s32 $0x400, s31;
	_ =	swait.ge [sflag:s23], $0x4000  }
0xb7: {  	s2 =	sshra.s32 s2, $0x2;
	[sflag:s23] =	ssyncset.done $0x0  }
0xb8: {  	s3 =	sadd.s32 $0x15400, s2;
	[sflag:s23] =	ssyncadd.s32 $0xFFFFC000  }
0xb9: {  	[spmem:s4] =	stream.indirect.scatter.add.f32 [tilespmem:s20], [sflag:$0x3], $0x80, s3, s19, $0xb8;
	[tilespmem:$0x1E800] =	vst v63  }
0xba: {  	_ =	swait.ge [sflag:s24], $0x4000  }
0xbb: {  	[sflag:s24] =	ssyncset.done $0x0  }
0xbc: {  	s3 =	sadd.s32 $0x14100, s2;
	[sflag:s24] =	ssyncadd.s32 $0xFFFFC000  }
0xbd: {  	[tilespmem:s20], [sflag:$0x1] =	stream.indirect.gather [hbm4b:s1+s19], $0x80, s3, s19, $0xb8;
	[tilespmem:$0x1E800] =	vst v63  }
0xbe: {  	_ =	swait.ge [sflag:s25], $0x4000  }
0xbf: {  	[sflag:s25] =	ssyncset.done $0x0  }
.Ltmp2:
0xc0: {  	s3 =	sadd.s32 $0x15480, s2;
	[sflag:s25] =	ssyncadd.s32 $0xFFFFC000;
	(pc) =	sbr.rel @p0 .LBB2_6-.Ltmp2, $4  }
0xc1: {  	[spmem:s4] =	stream.indirect.scatter.add.f32 [tilespmem:s22], [sflag:$0x4], $0x80, s3, s19, $0xb8;
	[tilespmem:$0x1E800] =	vst v63  }
0xc2: {  	_ =	swait.ge [sflag:s26], $0x4000  }
0xc3: {  	[sflag:s26] =	ssyncset.done $0x0  }
0xc4: {  	s3 =	sadd.s32 $0x14180, s2;
	[sflag:s26] =	ssyncadd.s32 $0xFFFFC000  }
0xc5: {  	[tilespmem:s22], [sflag:$0x2] =	stream.indirect.gather [hbm4b:s1+s19], $0x80, s3, s19, $0xb8;
	[tilespmem:$0x1E800] =	vst v63  }
0xc6: {  	_ =	swait.ge [sflag:s23], $0x4000  }
0xc7: {  	[sflag:s23] =	ssyncset.done $0x0  }
0xc8: {  	[sflag:s23] =	ssyncadd.s32 $0xFFFFC000  }
0xc9: {  	[spmem:s4] =	stream.indirect.scatter.add.f32 [tilespmem:s20], [sflag:$0x3], $0x80, s28, s19, $0xb8;
	[tilespmem:$0x1E800] =	vst v63  }
0xca: {  	_ =	swait.ge [sflag:s24], $0x4000  }
0xcb: {  	[sflag:s24] =	ssyncset.done $0x0  }
0xcc: {  	[sflag:s24] =	ssyncadd.s32 $0xFFFFC000  }
0xcd: {  	_ =	swait.ge [sflag:s25], $0x4000  }
0xce: {  	[sflag:s25] =	ssyncset.done $0x0  }
0xcf: {  	[sflag:s25] =	ssyncadd.s32 $0xFFFFC000  }
0xd0: {  	[spmem:s4] =	stream.indirect.scatter.add.f32 [tilespmem:s22], [sflag:$0x4], $0x80, s29, s19, $0xb8;
	[tilespmem:$0x1E800] =	vst v63  }
0xd1: {  	_ =	swait.ge [sflag:s26], $0x4000  }
0xd2: {  	[sflag:s26] =	ssyncset.done $0x0  }
0xd3: {  	s2 =	simm.s32 $0x0;
	[sflag:s26] =	ssyncadd.s32 $0xFFFFC000  }
0xd4: {  	[tilespmem:s17], [sflag:$0x5] =	stream.linear.gather [hbm4b:s13+s2], $0x1400, $0x38;
	[tilespmem:$0x1E800] =	vst v63  }
0xd5: {  	_ =	swait.ge [sflag:s16], $0x1400  }
0xd6: {  	[sflag:s16] =	ssyncset.done $0x0  }
0xd7: {  	[sflag:s16] =	ssyncadd.s32 $0xFFFFEC00  }
0xd8: {  	[tilespmem:s18], [sflag:$0x5] =	stream.linear.gather [hbm4b:s14+s2], $0x1400, $0x38;
	[tilespmem:$0x1E800] =	vst v63  }
0xd9: {  	_ =	swait.ge [sflag:s16], $0x1400  }
0xda: {  	[sflag:s16] =	ssyncset.done $0x0  }
0xdb: {  	[sflag:s16] =	ssyncadd.s32 $0xFFFFEC00  }
0xdc: {  	[tilespmem:s20], [sflag:$0x1] =	stream.indirect.gather [hbm4b:s1+s19], $0x80, s17, s19, $0xb8;
	[tilespmem:$0x1E800] =	vst v63  }
0xdd: {  	_ = 	snop  }
0xde: {  	[tilespmem:s22], [sflag:$0x2] =	stream.indirect.gather [hbm4b:s1+s19], $0x80, s21, s19, $0xb8;
	[tilespmem:$0x1E800] =	vst v63  }
0xdf: {  	_ =	swait.ge [sflag:s23], $0x4000  }
0xe0: {  	[sflag:s23] =	ssyncset.done $0x0  }
0xe1: {  	s3 =	simm.s32 $0x15400;
	[sflag:s23] =	ssyncadd.s32 $0xFFFFC000  }
0xe2: {  	[spmem:s4] =	stream.indirect.scatter.add.f32 [tilespmem:s20], [sflag:$0x3], $0x80, s3, s19, $0xb8;
	[tilespmem:$0x1E800] =	vst v63  }
0xe3: {  	_ =	swait.ge [sflag:s24], $0x4000  }
0xe4: {  	[sflag:s24] =	ssyncset.done $0x0  }
0xe5: {  	s3 =	simm.s32 $0x14100;
	[sflag:s24] =	ssyncadd.s32 $0xFFFFC000  }
0xe6: {  	[tilespmem:s20], [sflag:$0x1] =	stream.indirect.gather [hbm4b:s1+s19], $0x80, s3, s19, $0xb8;
	[tilespmem:$0x1E800] =	vst v63  }
0xe7: {  	_ =	swait.ge [sflag:s25], $0x4000  }
0xe8: {  	[sflag:s25] =	ssyncset.done $0x0  }
0xe9: {  	s3 =	simm.s32 $0x15480;
	[sflag:s25] =	ssyncadd.s32 $0xFFFFC000  }
0xea: {  	[spmem:s4] =	stream.indirect.scatter.add.f32 [tilespmem:s22], [sflag:$0x4], $0x80, s3, s19, $0xb8;
	[tilespmem:$0x1E800] =	vst v63  }
0xeb: {  	_ =	swait.ge [sflag:s26], $0x4000  }
0xec: {  	[sflag:s26] =	ssyncset.done $0x0  }
0xed: {  	s31 =	simm.s32 $0x400;
	s3 =	simm.s32 $0x14180;
	[sflag:s26] =	ssyncadd.s32 $0xFFFFC000  }
.LBB2_8:
0xee: {  	[tilespmem:s22], [sflag:$0x2] =	stream.indirect.gather [hbm4b:s1+s19], $0x80, s3, s19, $0xb8;
	[tilespmem:$0x1E800] =	vst v63  }
0xef: {  	s2 =	smov.u32 s31  }
0xf0: {  	p0 =	sne.s32 s31, $0x4800;
	s31 =	sadd.s32 $0x400, s31;
	_ =	swait.ge [sflag:s23], $0x4000  }
0xf1: {  	s2 =	sshra.s32 s2, $0x2;
	[sflag:s23] =	ssyncset.done $0x0  }
0xf2: {  	s3 =	sadd.s32 $0x15400, s2;
	[sflag:s23] =	ssyncadd.s32 $0xFFFFC000  }
0xf3: {  	[spmem:s4] =	stream.indirect.scatter.add.f32 [tilespmem:s20], [sflag:$0x3], $0x80, s3, s19, $0xb8;
	[tilespmem:$0x1E800] =	vst v63  }
0xf4: {  	_ =	swait.ge [sflag:s24], $0x4000  }
0xf5: {  	[sflag:s24] =	ssyncset.done $0x0  }
0xf6: {  	s3 =	sadd.s32 $0x14100, s2;
	[sflag:s24] =	ssyncadd.s32 $0xFFFFC000  }
0xf7: {  	[tilespmem:s20], [sflag:$0x1] =	stream.indirect.gather [hbm4b:s1+s19], $0x80, s3, s19, $0xb8;
	[tilespmem:$0x1E800] =	vst v63  }
0xf8: {  	_ =	swait.ge [sflag:s25], $0x4000  }
0xf9: {  	[sflag:s25] =	ssyncset.done $0x0  }
.Ltmp3:
0xfa: {  	s3 =	sadd.s32 $0x15480, s2;
	[sflag:s25] =	ssyncadd.s32 $0xFFFFC000;
	(pc) =	sbr.rel @p0 .LBB2_8-.Ltmp3, $4  }
0xfb: {  	[spmem:s4] =	stream.indirect.scatter.add.f32 [tilespmem:s22], [sflag:$0x4], $0x80, s3, s19, $0xb8;
	[tilespmem:$0x1E800] =	vst v63  }
0xfc: {  	_ =	swait.ge [sflag:s26], $0x4000  }
0xfd: {  	[sflag:s26] =	ssyncset.done $0x0  }
0xfe: {  	s3 =	sadd.s32 $0x14180, s2;
	[sflag:s26] =	ssyncadd.s32 $0xFFFFC000  }
0xff: {  	[tilespmem:s22], [sflag:$0x2] =	stream.indirect.gather [hbm4b:s1+s19], $0x80, s3, s19, $0xb8;
	[tilespmem:$0x1E800] =	vst v63  }
0x100: {  	_ =	swait.ge [sflag:s23], $0x4000  }
0x101: {  	[sflag:s23] =	ssyncset.done $0x0  }
0x102: {  	[sflag:s23] =	ssyncadd.s32 $0xFFFFC000  }
0x103: {  	[spmem:s4] =	stream.indirect.scatter.add.f32 [tilespmem:s20], [sflag:$0x3], $0x80, s28, s19, $0xb8;
	[tilespmem:$0x1E800] =	vst v63  }
0x104: {  	_ =	swait.ge [sflag:s24], $0x4000  }
0x105: {  	[sflag:s24] =	ssyncset.done $0x0  }
0x106: {  	[sflag:s24] =	ssyncadd.s32 $0xFFFFC000  }
0x107: {  	_ =	swait.ge [sflag:s25], $0x4000  }
0x108: {  	[sflag:s25] =	ssyncset.done $0x0  }
0x109: {  	[sflag:s25] =	ssyncadd.s32 $0xFFFFC000  }
0x10a: {  	[spmem:s4] =	stream.indirect.scatter.add.f32 [tilespmem:s22], [sflag:$0x4], $0x80, s29, s19, $0xb8;
	[tilespmem:$0x1E800] =	vst v63  }
0x10b: {  	_ =	swait.ge [sflag:s26], $0x4000  }
0x10c: {  	[sflag:s26] =	ssyncset.done $0x0  }
0x10d: {  	s30 =	sadd.s32 $0x1, s30;
	[sflag:s26] =	ssyncadd.s32 $0xFFFFC000  }
0x10e: {  	p0 =	sne.s32 s30, s10;
	[bflag:$0x0] =	sbarrier.arrive $0xFFFF  }
0x10f: {  	[hbm:s9], [sflag:s7] =	dma.local [spmem:s15], $0x2800  }
.Ltmp4:
0x110: {  	_ =	swait.ge [sflag:s16], $0x2800;
	(pc) =	sbr.rel @p0 .LBB2_1-.Ltmp4, $3  }
0x111: {  	[sflag:s16] =	ssyncset.done $0x0  }
0x112: {  	[sflag:s16] =	ssyncadd.s32 $0xFFFFD800  }
0x113: {  	[bflag:$0x0] =	sbarrier.arrive $0xFFFF;
	_ =	sdelay $0x1  }
0x114: {  	_ =	sfence.sel $0x180000  }
0x115: {  	[bflag:$0x0] =	sbarrier.arrive $0xFFFF  }
0x116: {  	_ =	strace $0x9000004D  }
0x117: {  	s0 =	stileid.u32;
	[bflag:$0x2] =	sbarrier.arrive $0xFFFF  }
0x118: {  	p0 =	sne.s32 s0, $0x0;
	s0 =	rddreg [dreg:$0x6]  }
0x119: {  	s0 =	sadd.s32 @!p0 $0x100000, s0  }
0x11a: {  	[sflag:s0] =	ssyncadd.tile.s32 @!p0 $0x1;
	_ =	shalt  }
.Lfunc_end2:
_tile_overlayer_lowered:
.L_overlay_start_2:
0x11b: {  	(tag) =	ssettag $0x2  }
0x11c: {  	s0 =	rddreg [dreg:$0x0];
	s2 =	stileid.u32  }
0x11d: {  	s1 =	rddreg [dreg:$0x1];
	p0 =	sne.s32 s2, $0x0  }
0x11e: {  	s3 =	rddreg [dreg:$0x2];
	[bflag:$0x3] =	sbarrier.arrive $0xFFFF;
	s2 =	simm.s32 @!p0 $0x1C05  }
0x11f: {  	[timem:s3], [sflag:s2] =	dma.local @!p0 [hbm:s0], s1  }
0x120: {  	s0 =	simm.s32 @!p0 $0x5  }
0x121: {  	_ =	swait.ge @!p0 [sflag:s0], s1  }
0x122: {  	s1 =	ssub.s32 @!p0 $0x0, s1;
	[sflag:s0] =	ssyncset.done @!p0 $0x0  }
0x123: {  	[sflag:s0] =	ssyncadd.s32 @!p0 s1  }
0x124: {  	[bflag:$0x3] =	sbarrier.arrive $0xFFFF  }
0x125: {  	_ =	shalt  }

// kernel: kernel.19.cloned.1.call-start
scs
__scs_entry_jumppad:
0x0: {  	(pc) =	sbr.rel $0x88, $3  }
0x1: {  	(tag) =	ssettag $0x0;
	lr =	simm.s32 $0x1  }
0x2: {  	[smem:$0x3F99] =	sst lr;
	_ =	strace $0xD0000000  }
0x3: {  	_ = 	snop  }
0x4: {  	_ = 	snop  }
0x5: {  	_ = 	snop  }
0x6: {  	_ = 	snop  }
0x7: {  	_ = 	snop  }
__scs_overlays_trampoline_lowered:
0x8: {  	[smem:$0x3FA8] =	sst s0  }
0x9: {  	[smem:$0x3FA9] =	sst s1  }
0xa: {  	[smem:$0x3FAA] =	sst s2  }
0xb: {  	[smem:$0x3FAB] =	sst s3  }
0xc: {  	[smem:$0x3FAC] =	sst s4  }
0xd: {  	[smem:$0x3FAD] =	sst s5  }
0xe: {  	[smem:$0x3FAE] =	sst s6  }
0xf: {  	[smem:$0x3FAF] =	sst s7  }
0x10: {  	[smem:$0x3FB0] =	sst s8  }
0x11: {  	[smem:$0x3FB1] =	sst s9;
	s0 =	simm.s32 @!p0 $0x0  }
0x12: {  	s1 =	sld [smem:$0x3F97];
	s0 =	simm.s32 @p0 $0x1  }
0x13: {  	[smem:$0x3FB2] =	sst s0;
	s0 =	simm.s32 @!p1 $0x0  }
0x14: {  	s2 =	sld [smem:$0x3F96];
	s0 =	simm.s32 @p1 $0x1  }
0x15: {  	[smem:$0x3FB3] =	sst s0;
	s0 =	simm.s32 @!p2 $0x0  }
0x16: {  	s3 =	sld [smem:$0x3FDB];
	s0 =	simm.s32 @p2 $0x1  }
0x17: {  	s4 =	simm.s32 $0x1BF5;
	[smem:$0x3FB5] =	sst s0  }
0x18: {  	s0 =	sld [smem:$0x3F98];
	_ =	swait.ge [sflag:s4], $0x0  }
0x19: {  	s7 =	sld [smem:$0x3F99]  }
0x1a: {  	s8 =	sadd.s32 $0xFFFFE003, lr  }
0x1b: {  	s9 =	sadd.s32 $0xFFFFFEF7, lr;
	s5 =	simm.s32 $0xFFFFFFFF;
	p2 =	slt.u32 s8, $0xFFFFF086  }
0x1c: {  	p1 =	slt.u32 s9, $0xF7A;
	s5 =	simm.s32 @!p2 $0x0  }
0x1d: {  	s5 =	simm.s32 @p1 $0x1;
	p0 =	seq.s32 s7, s2  }
0x1e: {  	s7 =	smul.u32 @!p0 $0xF7A, s2;
	p2 =	seq.s32 @!p0 s5, $0x0  }
0x1f: {  	s9 =	smul.u32 $0xF7A, s1;
	s8 =	simm.s32 @!p0 $0x1BF5;
	p2 =	por !p2, p0  }
0x20: {  	[sflag:s8] =	ssyncset.s32 @!p0 $0xFFFFF086;
	s6 =	sadd.s32 @!p0 s3, s7;
	s7 =	simm.s32 @!p0 $0x108  }
0x21: {  	s3 =	sadd.s32 s3, s9;
	s6 =	sadd.s32 @!p0 $0x88, s6;
	s7 =	simm.s32 @p2 $0x1082  }
0x22: {  	[simem:s7], [sflag:s8] =	dma.local @!p0 [hbm:s6], $0xF7A  }
0x23: {  	s9 =	sor.u32 $0xD0000000, s2;
	s6 =	simm.s32 $0x108;
	_ =	swait.ge @!p0 [sflag:s8], $0x0  }
0x24: {  	s3 =	sadd.s32 $0x88, s3;
	s6 =	simm.s32 @!p1 $0x1082;
	[sflag:s4] =	ssyncset.s32 $0xFFFFF086  }
0x25: {  	[simem:s6], [sflag:s4] =	dma.local [hbm:s3], $0xF7A  }
0x26: {  	[smem:$0x3F99] =	sst s1;
	(tag) =	ssettag s2;
	_ =	strace s9  }
0x27: {  	s1 =	sld [smem:$0x3FA9]  }
0x28: {  	s2 =	sld [smem:$0x3FAA]  }
0x29: {  	s4 =	sld [smem:$0x3FAC]  }
0x2a: {  	p0 =	seq.s32 s5, $0x0;
	s5 =	sld [smem:$0x3FAD]  }
0x2b: {  	s6 =	sld [smem:$0x3FAE]  }
0x2c: {  	s7 =	sld [smem:$0x3FAF]  }
0x2d: {  	s3 =	simm.s32 $0x108;
	s8 =	sld [smem:$0x3FB0]  }
0x2e: {  	s3 =	simm.s32 @!p0 $0x1082;
	s9 =	sld [smem:$0x3FB1]  }
0x2f: {  	lr =	sadd.s32 s0, s3;
	s0 =	sld [smem:$0x3FA8]  }
0x30: {  	s3 =	sld [smem:$0x3FAB]  }
0x31: {  	[smem:$0x3FB4] =	sst s10  }
0x32: {  	s10 =	sld [smem:$0x3FB2];
	_ =	sdelay $0x3  }
0x33: {  	p0 =	seq.s32 s10, $0x1;
	s10 =	sld [smem:$0x3FB4];
	_ =	sdelay $0x3  }
0x34: {  	[smem:$0x3FB4] =	sst s10  }
0x35: {  	s10 =	sld [smem:$0x3FB3];
	_ =	sdelay $0x3  }
0x36: {  	p1 =	seq.s32 s10, $0x1;
	s10 =	sld [smem:$0x3FB4];
	_ =	sdelay $0x3  }
0x37: {  	[smem:$0x3FB4] =	sst s10  }
0x38: {  	s10 =	sld [smem:$0x3FB5]  }
0x39: {  	_ = 	snop;
	(pc) =	sbr.ind lr, $3  }
0x3a: {  	_ = 	snop  }
0x3b: {  	_ = 	snop  }
0x3c: {  	p2 =	seq.s32 s10, $0x1;
	s10 =	sld [smem:$0x3FB4]  }
0x3d: {  	_ =	shalt  }
0x3e: {  	_ =	shalt  }
0x3f: {  	_ =	shalt  }
0x40: {  	_ =	shalt  }
0x41: {  	_ =	shalt  }
0x42: {  	_ =	shalt  }
0x43: {  	_ =	shalt  }
0x44: {  	_ =	shalt  }
0x45: {  	_ =	shalt  }
0x46: {  	_ =	shalt  }
0x47: {  	_ =	shalt  }
0x48: {  	_ =	shalt  }
0x49: {  	_ =	shalt  }
0x4a: {  	_ =	shalt  }
0x4b: {  	_ =	shalt  }
0x4c: {  	_ =	shalt  }
0x4d: {  	_ =	shalt  }
0x4e: {  	_ =	shalt  }
0x4f: {  	_ =	shalt  }
0x50: {  	_ =	shalt  }
0x51: {  	_ =	shalt  }
0x52: {  	_ =	shalt  }
0x53: {  	_ =	shalt  }
0x54: {  	_ =	shalt  }
0x55: {  	_ =	shalt  }
0x56: {  	_ =	shalt  }
0x57: {  	_ =	shalt  }
0x58: {  	_ =	shalt  }
0x59: {  	_ =	shalt  }
0x5a: {  	_ =	shalt  }
0x5b: {  	_ =	shalt  }
0x5c: {  	_ =	shalt  }
0x5d: {  	_ =	shalt  }
0x5e: {  	_ =	shalt  }
0x5f: {  	_ =	shalt  }
0x60: {  	_ =	shalt  }
0x61: {  	_ =	shalt  }
0x62: {  	_ =	shalt  }
0x63: {  	_ =	shalt  }
0x64: {  	_ =	shalt  }
0x65: {  	_ =	shalt  }
0x66: {  	_ =	shalt  }
0x67: {  	_ =	shalt  }
0x68: {  	_ =	shalt  }
0x69: {  	_ =	shalt  }
0x6a: {  	_ =	shalt  }
0x6b: {  	_ =	shalt  }
0x6c: {  	_ =	shalt  }
0x6d: {  	_ =	shalt  }
0x6e: {  	_ =	shalt  }
0x6f: {  	_ =	shalt  }
0x70: {  	_ =	shalt  }
0x71: {  	_ =	shalt  }
0x72: {  	_ =	shalt  }
0x73: {  	_ =	shalt  }
0x74: {  	_ =	shalt  }
0x75: {  	_ =	shalt  }
0x76: {  	_ =	shalt  }
0x77: {  	_ =	shalt  }
0x78: {  	_ =	shalt  }
0x79: {  	_ =	shalt  }
0x7a: {  	_ =	shalt  }
0x7b: {  	_ =	shalt  }
0x7c: {  	_ =	shalt  }
0x7d: {  	_ =	shalt  }
0x7e: {  	_ =	shalt  }
0x7f: {  	_ =	shalt  }
0x80: {  	_ =	shalt  }
0x81: {  	_ =	shalt  }
0x82: {  	_ =	shalt  }
0x83: {  	_ =	shalt  }
0x84: {  	_ =	shalt  }
0x85: {  	_ =	shalt  }
0x86: {  	_ =	shalt  }
0x87: {  	_ =	shalt  }
.Lfunc_end0:
.L_simem_size_0:
called_computation.3_lowered:
.L_overlay_start_0:
0x88: {  	s2 =	sld [smem:$0x3FD9]  }
0x89: {  	s3 =	sld [smem:$0x3FFE];
	_ =	sdelay $0x1  }
0x8a: {  	s1 =	srdreg.scid  }
0x8b: {  	s0 =	sand.u32 $0x1, s1  }
0x8c: {  	s14 =	sshll.u32 s0, $0xA;
	s2 =	sadd.s32 s3, s2  }
0x8d: {  	s2 =	sadd.s32 s2, s14  }
0x8e: {  	[smem:$0x3FC0] =	sst s2  }
0x8f: {  	_ = 	snop  }
0x90: {  	s2 =	sld [smem:$0x3FD0];
	_ =	sdelay $0x2  }
0x91: {  	s15 =	simm.s32 $0xA;
	s4 =	simm.s32 $0x10  }
0x92: {  	[smem:s4], [sflag:s15] =	dma.local [hbm:s2], $0x1  }
0x93: {  	_ =	swait.eq [sflag:s15], $0x1  }
0x94: {  	[sflag:s15] =	ssyncset.done $0x0  }
0x95: {  	s16 =	sld [smem:$0x10];
	[sflag:s15] =	ssyncadd.s32 $0xFFFFFFFF  }
0x96: {  	s17 =	sld [smem:$0x13];
	(tm) =	ssettm $0x1  }
0x97: {  	s18 =	sld [smem:$0x3FFB];
	_ =	sdelay $0x3  }
0x98: {  	_ =	strace s18  }
0x99: {  	s4 =	sld [smem:$0x3FFC];
	_ =	sdelay $0x3  }
0x9a: {  	_ =	strace s4  }
0x9b: {  	s4 =	sld [smem:$0x3FFD];
	_ =	sdelay $0x3  }
0x9c: {  	_ =	strace s4  }
0x9d: {  	_ =	strace $0x8FFFFFFF  }
0x9e: {  	s19 =	sld [smem:$0x3FDB];
	_ =	sdelay $0x1  }
0x9f: {  	s5 =	simm.s32 $_scs_section_size  }
0xa0: {  	s6 =	simm.s32 $_size__tile_overlayer_lowered;
	s7 =	simm.s32 $_tile_overlayer_lowered  }
0xa1: {  	s22 =	simm.s32 $0x1BFF;
	s21 =	sshll.u32 s7, $0x1;
	s4 =	sadd.s32 s5, s19  }
0xa2: {  	s8 =	simm.s32 $0x0;
	s20 =	sshll.u32 s6, $0x1;
	s6 =	sadd.s32 s21, s4  }
0xa3: {  	[timem:s8], [sflag:s22] =	dma.local [hbm:s6], s20  }
0xa4: {  	_ =	swait.ge [sflag:s22], s20  }
0xa5: {  	s5 =	ssub.s32 $0x0, s20;
	[sflag:s22] =	ssyncset.done $0x0  }
0xa6: {  	[sflag:s22] =	ssyncadd.s32 s5;
	_ =	sdelay $0x1  }
0xa7: {  	s23 =	simm.s32 $0x1B8B  }
0xa8: {  	_ =	swait.ge [sflag:s23], $0x1  }
0xa9: {  	[sflag:s23] =	ssyncset.done $0x0  }
0xaa: {  	s25 =	simm.s32 $0x1B8E;
	s24 =	sld [smem:$0x3FFE];
	[sflag:s23] =	ssyncadd.s32 $0xFFFFFFFF  }
0xab: {  	s26 =	simm.s32 $execute0_lowered;
	[smem:$0x3FD2] =	sst s25  }
0xac: {  	s6 =	sshll.u32 s26, $0x1;
	_ =	strace $0x8000004F;
	[dreg:$0x1] =	wrdreg $0xFFFFFFFF  }
0xad: {  	s28 =	simm.s32 $_size_execute0_lowered;
	s4 =	sadd.s32 s4, s6;
	[dreg:$0x0] =	wrdreg $0x0  }
0xae: {  	s6 =	sshll.u32 s28, $0x1;
	[dreg:$0x2] =	wrdreg s4  }
0xaf: {  	[dreg:$0x3] =	wrdreg s6  }
0xb0: {  	[dreg:$0x4] =	wrdreg $0xC0  }
0xb1: {  	_ =	task [dreg:s8], $0x5FFFF  }
0xb2: {  	[dreg:$0x1] =	wrdreg $0xFFFFFFFF  }
0xb3: {  	[dreg:$0x0] =	wrdreg $0x60  }
0xb4: {  	[dreg:$0x2] =	wrdreg s24  }
0xb5: {  	[dreg:$0x3] =	wrdreg s16  }
0xb6: {  	[dreg:$0x4] =	wrdreg s17  }
0xb7: {  	[dreg:$0x5] =	wrdreg $0x0  }
0xb8: {  	[dreg:$0x6] =	wrdreg $0x9  }
0xb9: {  	_ =	task.clear_ibuf [dreg:s8], $0x7FFFF;
	_ =	strace $0x9000004F  }
0xba: {  	s29 =	simm.s32 $0x9;
	_ =	strace $0x80000051  }
0xbb: {  	_ =	swait.ge [sflag:s29], $0x1  }
0xbc: {  	[sflag:s29] =	ssyncadd.s32 $0xFFFFFFFF  }
0xbd: {  	_ =	strace $0x90000051  }
0xbe: {  	_ =	sfence  }
0xbf: {  	s30 =	sld [smem:$0x0];
	_ =	sdelay $0x2  }
0xc0: {  	s31 =	sshll.u32 s1, $0xD;
	s1 =	sshrl.u32 s1, $0x2  }
0xc1: {  	s3 =	sand.u32 $0x4000, s31;
	s1 =	sadd.s32 s1, s30  }
0xc2: {  	s0 =	sor.u32 s3, s0;
	s1 =	sshll.u32 s1, $0x11  }
0xc3: {  	s0 =	sor.u32 s1, s0  }
0xc4: {  	s0 =	sadd.s32 $0x8F2B, s0  }
0xc5: {  	[sflag:s0] =	ssyncadd.remote.s32 $0x1  }
0xc6: {  	_ =	sfence.sel $0xFFFF  }
0xc7: {  	[dreg:$0x0] =	wrdreg $0xFFFFFFFF;
	(pc) =	sbr.abs _section_cstart, $3  }
0xc8: {  	[dreg:$0x1] =	wrdreg $0xFFFFFFFF  }
0xc9: {  	_ =	task.clear_ibuf [dreg:s8], $0x2FFFF;
	_ =	strace $0x9FFFFFFF  }
0xca: {  	(tm) =	ssettm $0x7FFFFFFF  }
0xcb: {  	_ =	shalt  }
tec
execute0_lowered:
.L_overlay_start_1:
0x0: {  	(tag) =	ssettag $0x1  }
0x1: {  	s6 =	rddreg [dreg:$0x0]  }
0x2: {  	s11 =	rddreg [dreg:$0x1]  }
0x3: {  	s12 =	rddreg [dreg:$0x2]  }
0x4: {  	s1 =	rddreg [dreg:$0x3]  }
0x5: {  	s2 =	srdreg.scid;
	s0 =	rddreg [dreg:$0x4];
	s3 =	simm.s32 $0x0  }
0x6: {  	s15 =	simm.s32 $0x14000;
	s16 =	simm.s32 $0x15400;
	s17 =	simm.s32 $0x80  }
0x7: {  	s18 =	simm.s32 $0x16800;
	s19 =	simm.s32 $0x14080;
	s20 =	simm.s32 $0x1A800  }
0x8: {  	s21 =	simm.s32 $0x1;
	s22 =	simm.s32 $0x3;
	s23 =	simm.s32 $0x2  }
0x9: {  	s28 =	simm.s32 $0x0;
	s7 =	sand.u32 $0x1, s2;
	s2 =	stileid.u32  }
0xa: {  	[smem:$0x7FF] =	sst s3;
	s4 =	sadd.s32 $0x7800, s6;
	s8 =	smul.u32 $0x140000, s7  }
0xb: {  	s5 =	sadd.s32 $0x5000, s6;
	s9 =	smul.u32 $0x14000, s2;
	_ =	strace $0x80000050  }
0xc: {  	s24 =	sshll.u32 s7, $0x4;
	s10 =	smul.u32 $0x50000, s2;
	s25 =	ssub.s32 $0x2, s7  }
0xd: {  	s30 =	sshll.u32 s2, $0x6;
	s26 =	sor.u32 s2, s24;
	s29 =	sshrl.u32 s25, $0x1  }
0xe: {  	s24 =	simm.s32 $0x4;
	s8 =	sadd.s32 s9, s8;
	s10 =	sshrl.u32 s10, $0x2  }
0xf: {  	s13 =	smul.u32 $0x2800, s26;
	s9 =	ssub.s32 s25, s29;
	s25 =	simm.s32 $0x16700  }
0x10: {  	s26 =	simm.s32 $0x16780;
	s8 =	sshrl.u32 s8, $0x3;
	s14 =	sadd.s32 s10, s1  }
0x11: {  	s8 =	sadd.s32 s8, s6;
	s6 =	sor.u32 $0x1C05, s30;
	s31 =	sshrl.u32 s13, $0x3  }
0x12: {  	s7 =	sadd.s32 $0xA7800, s8;
	s8 =	smax.u32 s9, $0x1;
	s13 =	sadd.s32 $0x280, s31  }
0x13: {  	s9 =	sadd.s32 s11, s31;
	s10 =	sadd.s32 s12, s31;
	s11 =	sadd.s32 s11, s13  }
0x14: {  	s12 =	sadd.s32 s12, s13;
	s13 =	sshrl.u32 s14, $0x3;
	s14 =	simm.s32 $0x5  }
.LBB2_1:
0x15: {  	[spmem:s13], [sflag:s6] =	dma.local [hbm:s5], $0x2800  }
0x16: {  	_ =	swait.ge [sflag:s14], $0x2800  }
0x17: {  	[sflag:s14] =	ssyncset.done $0x0  }
0x18: {  	[sflag:s14] =	ssyncadd.s32 $0xFFFFD800  }
0x19: {  	[bflag:$0x0] =	sbarrier.arrive $0xFFFF  }
0x1a: {  	[tilespmem:s15], [sflag:$0x5] =	stream.linear.gather [hbm4b:s9+s3], $0x1400, $0x38;
	[tilespmem:$0x1E800] =	vst v63  }
0x1b: {  	_ =	swait.ge [sflag:s14], $0x1400  }
0x1c: {  	[sflag:s14] =	ssyncset.done $0x0  }
0x1d: {  	[sflag:s14] =	ssyncadd.s32 $0xFFFFEC00  }
0x1e: {  	[tilespmem:s16], [sflag:$0x5] =	stream.linear.gather [hbm4b:s10+s3], $0x1400, $0x38;
	[tilespmem:$0x1E800] =	vst v63  }
0x1f: {  	_ =	swait.ge [sflag:s14], $0x1400  }
0x20: {  	[sflag:s14] =	ssyncset.done $0x0  }
0x21: {  	[sflag:s14] =	ssyncadd.s32 $0xFFFFEC00  }
0x22: {  	[tilespmem:s18], [sflag:$0x1] =	stream.indirect.gather [hbm4b:s4+s17], $0x80, s15, s17, $0xb8;
	[tilespmem:$0x1E800] =	vst v63  }
0x23: {  	_ = 	snop  }
0x24: {  	[tilespmem:s20], [sflag:$0x2] =	stream.indirect.gather [hbm4b:s4+s17], $0x80, s19, s17, $0xb8;
	[tilespmem:$0x1E800] =	vst v63  }
0x25: {  	_ =	swait.ge [sflag:s21], $0x4000  }
0x26: {  	[sflag:s21] =	ssyncset.done $0x0  }
0x27: {  	s29 =	simm.s32 $0x15400;
	[sflag:s21] =	ssyncadd.s32 $0xFFFFC000  }
0x28: {  	[spmem:s1] =	stream.indirect.scatter.add.f32 [tilespmem:s18], [sflag:$0x3], $0x80, s29, s17, $0xb8;
	[tilespmem:$0x1E800] =	vst v63  }
0x29: {  	_ =	swait.ge [sflag:s22], $0x4000  }
0x2a: {  	[sflag:s22] =	ssyncset.done $0x0  }
0x2b: {  	s29 =	simm.s32 $0x14100;
	[sflag:s22] =	ssyncadd.s32 $0xFFFFC000  }
0x2c: {  	[tilespmem:s18], [sflag:$0x1] =	stream.indirect.gather [hbm4b:s4+s17], $0x80, s29, s17, $0xb8;
	[tilespmem:$0x1E800] =	vst v63  }
0x2d: {  	_ =	swait.ge [sflag:s23], $0x4000  }
0x2e: {  	[sflag:s23] =	ssyncset.done $0x0  }
0x2f: {  	s29 =	simm.s32 $0x15480;
	[sflag:s23] =	ssyncadd.s32 $0xFFFFC000  }
0x30: {  	[spmem:s1] =	stream.indirect.scatter.add.f32 [tilespmem:s20], [sflag:$0x4], $0x80, s29, s17, $0xb8;
	[tilespmem:$0x1E800] =	vst v63  }
0x31: {  	_ =	swait.ge [sflag:s24], $0x4000  }
0x32: {  	[sflag:s24] =	ssyncset.done $0x0  }
0x33: {  	s30 =	simm.s32 $0x14180;
	s29 =	simm.s32 $0x400;
	[sflag:s24] =	ssyncadd.s32 $0xFFFFC000  }
.LBB2_2:
0x34: {  	[tilespmem:s20], [sflag:$0x2] =	stream.indirect.gather [hbm4b:s4+s17], $0x80, s30, s17, $0xb8;
	[tilespmem:$0x1E800] =	vst v63  }
0x35: {  	s30 =	smov.u32 s29  }
0x36: {  	p0 =	sne.s32 s29, $0x4800;
	s29 =	sadd.s32 $0x400, s29;
	_ =	swait.ge [sflag:s21], $0x4000  }
0x37: {  	s30 =	sshra.s32 s30, $0x2;
	[sflag:s21] =	ssyncset.done $0x0  }
0x38: {  	s31 =	sadd.s32 $0x15400, s30;
	[sflag:s21] =	ssyncadd.s32 $0xFFFFC000  }
0x39: {  	[spmem:s1] =	stream.indirect.scatter.add.f32 [tilespmem:s18], [sflag:$0x3], $0x80, s31, s17, $0xb8;
	[tilespmem:$0x1E800] =	vst v63  }
0x3a: {  	_ =	swait.ge [sflag:s22], $0x4000  }
0x3b: {  	[sflag:s22] =	ssyncset.done $0x0  }
0x3c: {  	s31 =	sadd.s32 $0x14100, s30;
	[sflag:s22] =	ssyncadd.s32 $0xFFFFC000  }
0x3d: {  	[tilespmem:s18], [sflag:$0x1] =	stream.indirect.gather [hbm4b:s4+s17], $0x80, s31, s17, $0xb8;
	[tilespmem:$0x1E800] =	vst v63  }
0x3e: {  	_ =	swait.ge [sflag:s23], $0x4000  }
0x3f: {  	[sflag:s23] =	ssyncset.done $0x0  }
.Ltmp0:
0x40: {  	s31 =	sadd.s32 $0x15480, s30;
	[sflag:s23] =	ssyncadd.s32 $0xFFFFC000;
	(pc) =	sbr.rel @p0 .LBB2_2-.Ltmp0, $4  }
0x41: {  	[spmem:s1] =	stream.indirect.scatter.add.f32 [tilespmem:s20], [sflag:$0x4], $0x80, s31, s17, $0xb8;
	[tilespmem:$0x1E800] =	vst v63  }
0x42: {  	_ =	swait.ge [sflag:s24], $0x4000  }
0x43: {  	[sflag:s24] =	ssyncset.done $0x0  }
0x44: {  	s30 =	sadd.s32 $0x14180, s30;
	[sflag:s24] =	ssyncadd.s32 $0xFFFFC000  }
0x45: {  	[tilespmem:s20], [sflag:$0x2] =	stream.indirect.gather [hbm4b:s4+s17], $0x80, s30, s17, $0xb8;
	[tilespmem:$0x1E800] =	vst v63  }
0x46: {  	_ =	swait.ge [sflag:s21], $0x4000  }
0x47: {  	[sflag:s21] =	ssyncset.done $0x0  }
0x48: {  	[sflag:s21] =	ssyncadd.s32 $0xFFFFC000  }
0x49: {  	[spmem:s1] =	stream.indirect.scatter.add.f32 [tilespmem:s18], [sflag:$0x3], $0x80, s25, s17, $0xb8;
	[tilespmem:$0x1E800] =	vst v63  }
0x4a: {  	_ =	swait.ge [sflag:s22], $0x4000  }
0x4b: {  	[sflag:s22] =	ssyncset.done $0x0  }
0x4c: {  	[sflag:s22] =	ssyncadd.s32 $0xFFFFC000  }
0x4d: {  	_ =	swait.ge [sflag:s23], $0x4000  }
0x4e: {  	[sflag:s23] =	ssyncset.done $0x0  }
0x4f: {  	[sflag:s23] =	ssyncadd.s32 $0xFFFFC000  }
0x50: {  	[spmem:s1] =	stream.indirect.scatter.add.f32 [tilespmem:s20], [sflag:$0x4], $0x80, s26, s17, $0xb8;
	[tilespmem:$0x1E800] =	vst v63  }
0x51: {  	_ =	swait.ge [sflag:s24], $0x4000  }
0x52: {  	[sflag:s24] =	ssyncset.done $0x0  }
0x53: {  	s29 =	simm.s32 $0x0;
	[sflag:s24] =	ssyncadd.s32 $0xFFFFC000  }
0x54: {  	[tilespmem:s15], [sflag:$0x5] =	stream.linear.gather [hbm4b:s11+s29], $0x1400, $0x38;
	[tilespmem:$0x1E800] =	vst v63  }
0x55: {  	_ =	swait.ge [sflag:s14], $0x1400  }
0x56: {  	[sflag:s14] =	ssyncset.done $0x0  }
0x57: {  	[sflag:s14] =	ssyncadd.s32 $0xFFFFEC00  }
0x58: {  	[tilespmem:s16], [sflag:$0x5] =	stream.linear.gather [hbm4b:s12+s29], $0x1400, $0x38;
	[tilespmem:$0x1E800] =	vst v63  }
0x59: {  	_ =	swait.ge [sflag:s14], $0x1400  }
0x5a: {  	[sflag:s14] =	ssyncset.done $0x0  }
0x5b: {  	[sflag:s14] =	ssyncadd.s32 $0xFFFFEC00  }
0x5c: {  	[tilespmem:s18], [sflag:$0x1] =	stream.indirect.gather [hbm4b:s4+s17], $0x80, s15, s17, $0xb8;
	[tilespmem:$0x1E800] =	vst v63  }
0x5d: {  	_ = 	snop  }
0x5e: {  	[tilespmem:s20], [sflag:$0x2] =	stream.indirect.gather [hbm4b:s4+s17], $0x80, s19, s17, $0xb8;
	[tilespmem:$0x1E800] =	vst v63  }
0x5f: {  	_ =	swait.ge [sflag:s21], $0x4000  }
0x60: {  	[sflag:s21] =	ssyncset.done $0x0  }
0x61: {  	s29 =	simm.s32 $0x15400;
	[sflag:s21] =	ssyncadd.s32 $0xFFFFC000  }
0x62: {  	[spmem:s1] =	stream.indirect.scatter.add.f32 [tilespmem:s18], [sflag:$0x3], $0x80, s29, s17, $0xb8;
	[tilespmem:$0x1E800] =	vst v63  }
0x63: {  	_ =	swait.ge [sflag:s22], $0x4000  }
0x64: {  	[sflag:s22] =	ssyncset.done $0x0  }
0x65: {  	s29 =	simm.s32 $0x14100;
	[sflag:s22] =	ssyncadd.s32 $0xFFFFC000  }
0x66: {  	[tilespmem:s18], [sflag:$0x1] =	stream.indirect.gather [hbm4b:s4+s17], $0x80, s29, s17, $0xb8;
	[tilespmem:$0x1E800] =	vst v63  }
0x67: {  	_ =	swait.ge [sflag:s23], $0x4000  }
0x68: {  	[sflag:s23] =	ssyncset.done $0x0  }
0x69: {  	s29 =	simm.s32 $0x15480;
	[sflag:s23] =	ssyncadd.s32 $0xFFFFC000  }
0x6a: {  	[spmem:s1] =	stream.indirect.scatter.add.f32 [tilespmem:s20], [sflag:$0x4], $0x80, s29, s17, $0xb8;
	[tilespmem:$0x1E800] =	vst v63  }
0x6b: {  	_ =	swait.ge [sflag:s24], $0x4000  }
0x6c: {  	[sflag:s24] =	ssyncset.done $0x0  }
0x6d: {  	s30 =	simm.s32 $0x14180;
	s29 =	simm.s32 $0x400;
	[sflag:s24] =	ssyncadd.s32 $0xFFFFC000  }
.LBB2_4:
0x6e: {  	[tilespmem:s20], [sflag:$0x2] =	stream.indirect.gather [hbm4b:s4+s17], $0x80, s30, s17, $0xb8;
	[tilespmem:$0x1E800] =	vst v63  }
0x6f: {  	s30 =	smov.u32 s29  }
0x70: {  	p0 =	sne.s32 s29, $0x4800;
	s29 =	sadd.s32 $0x400, s29;
	_ =	swait.ge [sflag:s21], $0x4000  }
0x71: {  	s30 =	sshra.s32 s30, $0x2;
	[sflag:s21] =	ssyncset.done $0x0  }
0x72: {  	s31 =	sadd.s32 $0x15400, s30;
	[sflag:s21] =	ssyncadd.s32 $0xFFFFC000  }
0x73: {  	[spmem:s1] =	stream.indirect.scatter.add.f32 [tilespmem:s18], [sflag:$0x3], $0x80, s31, s17, $0xb8;
	[tilespmem:$0x1E800] =	vst v63  }
0x74: {  	_ =	swait.ge [sflag:s22], $0x4000  }
0x75: {  	[sflag:s22] =	ssyncset.done $0x0  }
0x76: {  	s31 =	sadd.s32 $0x14100, s30;
	[sflag:s22] =	ssyncadd.s32 $0xFFFFC000  }
0x77: {  	[tilespmem:s18], [sflag:$0x1] =	stream.indirect.gather [hbm4b:s4+s17], $0x80, s31, s17, $0xb8;
	[tilespmem:$0x1E800] =	vst v63  }
0x78: {  	_ =	swait.ge [sflag:s23], $0x4000  }
0x79: {  	[sflag:s23] =	ssyncset.done $0x0  }
.Ltmp1:
0x7a: {  	s31 =	sadd.s32 $0x15480, s30;
	[sflag:s23] =	ssyncadd.s32 $0xFFFFC000;
	(pc) =	sbr.rel @p0 .LBB2_4-.Ltmp1, $4  }
0x7b: {  	[spmem:s1] =	stream.indirect.scatter.add.f32 [tilespmem:s20], [sflag:$0x4], $0x80, s31, s17, $0xb8;
	[tilespmem:$0x1E800] =	vst v63  }
0x7c: {  	_ =	swait.ge [sflag:s24], $0x4000  }
0x7d: {  	[sflag:s24] =	ssyncset.done $0x0  }
0x7e: {  	s30 =	sadd.s32 $0x14180, s30;
	[sflag:s24] =	ssyncadd.s32 $0xFFFFC000  }
0x7f: {  	[tilespmem:s20], [sflag:$0x2] =	stream.indirect.gather [hbm4b:s4+s17], $0x80, s30, s17, $0xb8;
	[tilespmem:$0x1E800] =	vst v63  }
0x80: {  	_ =	swait.ge [sflag:s21], $0x4000  }
0x81: {  	[sflag:s21] =	ssyncset.done $0x0  }
0x82: {  	[sflag:s21] =	ssyncadd.s32 $0xFFFFC000  }
0x83: {  	[spmem:s1] =	stream.indirect.scatter.add.f32 [tilespmem:s18], [sflag:$0x3], $0x80, s25, s17, $0xb8;
	[tilespmem:$0x1E800] =	vst v63  }
0x84: {  	_ =	swait.ge [sflag:s22], $0x4000  }
0x85: {  	[sflag:s22] =	ssyncset.done $0x0  }
0x86: {  	[sflag:s22] =	ssyncadd.s32 $0xFFFFC000  }
0x87: {  	_ =	swait.ge [sflag:s23], $0x4000  }
0x88: {  	[sflag:s23] =	ssyncset.done $0x0  }
0x89: {  	[sflag:s23] =	ssyncadd.s32 $0xFFFFC000  }
0x8a: {  	[spmem:s1] =	stream.indirect.scatter.add.f32 [tilespmem:s20], [sflag:$0x4], $0x80, s26, s17, $0xb8;
	[tilespmem:$0x1E800] =	vst v63  }
0x8b: {  	_ =	swait.ge [sflag:s24], $0x4000  }
0x8c: {  	[sflag:s24] =	ssyncset.done $0x0  }
0x8d: {  	s28 =	sadd.s32 $0x1, s28;
	[sflag:s24] =	ssyncadd.s32 $0xFFFFC000  }
0x8e: {  	p0 =	sne.s32 s28, s8;
	[bflag:$0x0] =	sbarrier.arrive $0xFFFF  }
0x8f: {  	[hbm:s7], [sflag:s6] =	dma.local [spmem:s13], $0x2800  }
.Ltmp2:
0x90: {  	_ =	swait.ge [sflag:s14], $0x2800;
	(pc) =	sbr.rel @p0 .LBB2_1-.Ltmp2, $3  }
0x91: {  	[sflag:s14] =	ssyncset.done $0x0  }
0x92: {  	[sflag:s14] =	ssyncadd.s32 $0xFFFFD800  }
0x93: {  	[bflag:$0x0] =	sbarrier.arrive $0xFFFF;
	_ =	sdelay $0x1  }
0x94: {  	_ =	sfence.sel $0x180000  }
0x95: {  	[bflag:$0x0] =	sbarrier.arrive $0xFFFF  }
0x96: {  	p0 =	sne.s32 s2, $0x0;
	_ =	strace $0x90000050  }
0x97: {  	s0 =	sadd.s32 @!p0 $0x100000, s0;
	[bflag:$0x2] =	sbarrier.arrive $0xFFFF  }
0x98: {  	[sflag:s0] =	ssyncadd.tile.s32 @!p0 $0x1;
	_ =	shalt  }
.Lfunc_end2:
_tile_overlayer_lowered:
.L_overlay_start_2:
0x99: {  	(tag) =	ssettag $0x2  }
0x9a: {  	s0 =	rddreg [dreg:$0x0];
	s2 =	stileid.u32  }
0x9b: {  	s1 =	rddreg [dreg:$0x1];
	p0 =	sne.s32 s2, $0x0  }
0x9c: {  	s3 =	rddreg [dreg:$0x2];
	[bflag:$0x3] =	sbarrier.arrive $0xFFFF;
	s2 =	simm.s32 @!p0 $0x1C05  }
0x9d: {  	[timem:s3], [sflag:s2] =	dma.local @!p0 [hbm:s0], s1  }
0x9e: {  	s0 =	simm.s32 @!p0 $0x5  }
0x9f: {  	_ =	swait.ge @!p0 [sflag:s0], s1  }
0xa0: {  	s1 =	ssub.s32 @!p0 $0x0, s1;
	[sflag:s0] =	ssyncset.done @!p0 $0x0  }
0xa1: {  	[sflag:s0] =	ssyncadd.s32 @!p0 s1  }
0xa2: {  	[bflag:$0x3] =	sbarrier.arrive $0xFFFF  }
0xa3: {  	_ =	shalt  }

</sc_bundles>
